<compile_context>
chip_gen: v7x
topology: tpu7x:2x2x1
jax: 0.10.2.dev20260603
libtpu: 0.0.44.dev20260713+nightly
codegen_flags: <defaults>
</compile_context>

<pallas_src>
import functools

import jax
import jax.numpy as jnp
from jax import lax
from jax.experimental import pallas as pl
from jax.experimental.pallas import tpu as pltpu
from jax.experimental.pallas import tpu_sc as plsc

B = 1024
ED = 16
VD = 64
NC = 2
NS = 16
NW = NC * NS
BPW = B // NW
BLK = 128
NBLK = B // BLK
BIAS_ROWS = 7813


def _sc_gather(users, pos_items, neg_items, user_emb, item_emb, uv_emb,
               bias2):
    mesh = plsc.VectorSubcoreMesh(core_axis_name="c", subcore_axis_name="s")
    out_type = (
        jax.ShapeDtypeStruct((B, ED), jnp.float32),
        jax.ShapeDtypeStruct((B, ED), jnp.float32),
        jax.ShapeDtypeStruct((B, ED), jnp.float32),
        jax.ShapeDtypeStruct((B, ED), jnp.float32),
        jax.ShapeDtypeStruct((B,), jnp.float32),
        jax.ShapeDtypeStruct((B,), jnp.float32),
    )
    scratch_types = [
        pltpu.VMEM((BPW,), jnp.int32),
        pltpu.VMEM((BPW,), jnp.int32),
        pltpu.VMEM((BPW,), jnp.int32),
        pltpu.VMEM((BPW,), jnp.int32),
        pltpu.VMEM((BPW,), jnp.int32),
        pltpu.VMEM((BPW, ED), jnp.float32),
        pltpu.VMEM((BPW, ED), jnp.float32),
        pltpu.VMEM((BPW, ED), jnp.float32),
        pltpu.VMEM((BPW, ED), jnp.float32),
        pltpu.VMEM((BPW, 128), jnp.float32),
        pltpu.VMEM((BPW, 128), jnp.float32),
        pltpu.VMEM((BPW,), jnp.float32),
        pltpu.VMEM((BPW,), jnp.float32),
        pltpu.SemaphoreType.DMA,
        pltpu.SemaphoreType.DMA,
    ]

    @functools.partial(pl.kernel, mesh=mesh, out_type=out_type,
                       scratch_types=scratch_types,
                       compiler_params=pltpu.CompilerParams(
                           needs_layout_passes=False))
    def k(users_h, pos_h, neg_h, ue_t, ie_t, uv_t, ib_t,
          ue_o, pe_o, ne_o, uve_o, pb_o, nb_o,
          u_i, p_i, n_i, pbg, nbg,
          ue_b, pe_b, ne_b, uve_b, pb_g, nb_g, pb_c, nb_c, gsem, osem):
        wid = lax.axis_index("s") * NC + lax.axis_index("c")
        base = wid * BPW
        pltpu.sync_copy(users_h.at[pl.ds(base, BPW)], u_i)
        pltpu.sync_copy(pos_h.at[pl.ds(base, BPW)], p_i)
        pltpu.sync_copy(neg_h.at[pl.ds(base, BPW)], n_i)
        for gidx in range(BPW // 16):
            sl = pl.ds(gidx * 16, 16)
            pbg[sl] = lax.shift_right_logical(p_i[sl], 7)
            nbg[sl] = lax.shift_right_logical(n_i[sl], 7)
        pltpu.async_copy(ib_t.at[pbg], pb_g, gsem)
        pltpu.async_copy(ib_t.at[nbg], nb_g, gsem)
        for gidx in range(BPW // 16):
            uvv = u_i[pl.ds(gidx * 16, 16)]
            pvv = p_i[pl.ds(gidx * 16, 16)]
            nvv = n_i[pl.ds(gidx * 16, 16)]
            for j in range(16):
                i = gidx * 16 + j
                u = uvv[j]
                p = pvv[j]
                n = nvv[j]
                row = pl.ds(i, 1)
                pltpu.async_copy(ue_t.at[pl.ds(u, 1), :], ue_b.at[row, :],
                                 gsem)
                pltpu.async_copy(ie_t.at[pl.ds(p, 1), :], pe_b.at[row, :],
                                 gsem)
                pltpu.async_copy(ie_t.at[pl.ds(n, 1), :], ne_b.at[row, :],
                                 gsem)
                pltpu.async_copy(uv_t.at[pl.ds(u, 1), :], uve_b.at[row, :],
                                 gsem)
        pltpu.make_async_copy(ib_t.at[pl.ds(0, BPW)], pb_g, gsem).wait()
        pltpu.make_async_copy(ib_t.at[pl.ds(0, BPW)], nb_g, gsem).wait()
        for src, buf in ((ue_t, ue_b), (ie_t, pe_b), (ie_t, ne_b),
                         (uv_t, uve_b)):
            pltpu.make_async_copy(src.at[pl.ds(0, BPW)], buf, gsem).wait()
        for gidx in range(BPW // 16):
            rows16 = pl.ds(gidx * 16, 16)
            rows = lax.iota(jnp.int32, 16) + gidx * 16
            pb_c[rows16] = plsc.load_gather(pb_g, [rows, p_i[rows16] & 127])
            nb_c[rows16] = plsc.load_gather(nb_g, [rows, n_i[rows16] & 127])
        stores = []
        for buf, out in ((ue_b, ue_o), (pe_b, pe_o), (ne_b, ne_o),
                         (uve_b, uve_o), (pb_c, pb_o), (nb_c, nb_o)):
            stores.append(pltpu.async_copy(buf, out.at[pl.ds(base, BPW)],
                                           osem))
        for st in stores:
            st.wait()

    return k(users, pos_items, neg_items, user_emb, item_emb, uv_emb, bias2)


def _tc_gather(pos_items, neg_items, v_feat):
    def body(pos_s, neg_s, vf_t, pf_o, nf_o, s4, s5):
        def lp(i, carry):
            row = pl.ds(i, 1)
            pltpu.make_async_copy(vf_t.at[pl.ds(pos_s[i], 1)], pf_o.at[row],
                                  s4).start()
            pltpu.make_async_copy(vf_t.at[pl.ds(neg_s[i], 1)], nf_o.at[row],
                                  s5).start()
            return carry

        lax.fori_loop(0, B, lp, 0, unroll=8)
        for dst, sem in ((pf_o, s4), (nf_o, s5)):
            pltpu.make_async_copy(vf_t.at[pl.ds(0, B)], dst, sem).wait()

    anyspec = pl.BlockSpec(memory_space=pl.ANY)
    smemspec = pl.BlockSpec(memory_space=pltpu.SMEM)
    return pl.pallas_call(
        body,
        in_specs=[smemspec, smemspec, anyspec],
        out_shape=[
            jax.ShapeDtypeStruct((B, VD), jnp.float32),
            jax.ShapeDtypeStruct((B, VD), jnp.float32),
        ],
        scratch_shapes=[pltpu.SemaphoreType.DMA] * 2,
    )(pos_items, neg_items, v_feat)


def _tc_score(ue, pe, ne, uve, pbr, nbr, pf, nf, E_w, vb):
    def body(ue_r, pe_r, ne_r, uve_r,
             pbr_r, nbr_r, pf_r, nf_r, ew_r, vb_r,
             pos_o, neg_o, sp_s, sn_s, tp_s, tn_s):
        i = pl.program_id(0)

        @pl.when(i == 0)
        def _():
            ue = ue_r[...]
            pe = pe_r[...]
            ne = ne_r[...]
            uve = uve_r[...]
            ew = ew_r[...]
            dn = (((1,), (1,)), ((), ()))
            pE = lax.dot_general(pf_r[...], ew, dn,
                                 preferred_element_type=jnp.float32)
            nE = lax.dot_general(nf_r[...], ew, dn,
                                 preferred_element_type=jnp.float32)
            mpos = ue * pe + uve * pE
            mneg = ue * ne + uve * nE
            ones_row = jnp.ones((1, ED), jnp.float32)
            sp = lax.dot_general(ones_row, mpos, dn,
                                 preferred_element_type=jnp.float32)
            sn = lax.dot_general(ones_row, mneg, dn,
                                 preferred_element_type=jnp.float32)
            sp_s[...] = sp + pbr_r[...]
            sn_s[...] = sn + nbr_r[...]
            tp_s[...] = jnp.dot(pf_r[...], vb_r[...],
                                preferred_element_type=jnp.float32)
            tn_s[...] = jnp.dot(nf_r[...], vb_r[...],
                                preferred_element_type=jnp.float32)

        pos_o[...] = sp_s[...] + tp_s[pl.ds(i * BLK, BLK), :]
        neg_o[...] = sn_s[...] + tn_s[pl.ds(i * BLK, BLK), :]

    def full(shape):
        return pl.BlockSpec(shape, lambda i: (0, 0))

    return pl.pallas_call(
        body,
        grid=(NBLK,),
        in_specs=[
            full((B, ED)), full((B, ED)), full((B, ED)), full((B, ED)),
            full((1, B)), full((1, B)),
            full((B, VD)), full((B, VD)),
            full((ED, VD)), full((VD, 1)),
        ],
        out_specs=[
            pl.BlockSpec((BLK, B), lambda i: (i, 0)),
            pl.BlockSpec((BLK, B), lambda i: (i, 0)),
        ],
        out_shape=[
            jax.ShapeDtypeStruct((B, B), jnp.float32),
            jax.ShapeDtypeStruct((B, B), jnp.float32),
        ],
        scratch_shapes=[
            pltpu.VMEM((1, B), jnp.float32),
            pltpu.VMEM((1, B), jnp.float32),
            pltpu.VMEM((B, 1), jnp.float32),
            pltpu.VMEM((B, 1), jnp.float32),
        ],
    )(ue, pe, ne, uve, pbr, nbr, pf, nf, E_w, vb)


def kernel(users, pos_items, neg_items, user_emb, item_emb,
           user_visual_emb, item_bias, visual_bias, E_w, v_feat):
    bias2 = jnp.pad(item_bias.reshape(-1),
                    (0, BIAS_ROWS * 128 - item_bias.shape[0])
                    ).reshape(BIAS_ROWS, 128)
    ue, pe, ne, uve, pb, nb = _sc_gather(
        users, pos_items, neg_items, user_emb, item_emb, user_visual_emb,
        bias2)
    pf, nf = _tc_gather(pos_items, neg_items, v_feat)
    pbr = pb.reshape(1, B)
    nbr = nb.reshape(1, B)
    pos, neg = _tc_score(ue, pe, ne, uve, pbr, nbr, pf, nf, E_w, visual_bias)
    return pos, neg

# --- scband reference (transcript-rebuilt; emitter-appended) ---
"""Pipeline reference for scband-vbpr-67199058313694 (READ-ONLY COPY).

The authoritative reference and input builder live on the scoring server;
editing this copy changes nothing except your own understanding.
"""

import jax, jax.numpy as jnp
import numpy as np

NUM_USER = 1000000
NUM_ITEM = 1000000
EMBED_DIM = 16
VFEAT_DIM = 64
FEATURE_EMBEDDING = 16
BATCH = 1024


def setup_inputs(seed: int = 0) -> dict:
    key = jax.random.key(seed)
    ks = jax.random.split(key, 10)
    users = jax.random.randint(ks[0], (BATCH,), 0, NUM_USER, dtype=jnp.int32)
    pos_items = jax.random.randint(ks[1], (BATCH,), 0, NUM_ITEM, dtype=jnp.int32)
    neg_items = jax.random.randint(ks[2], (BATCH,), 0, NUM_ITEM, dtype=jnp.int32)
    # Learned parameters (xavier_normal ~ scaled gaussian; biases init to zero as in torch module)
    user_emb = jax.random.normal(ks[3], (NUM_USER, EMBED_DIM), dtype=jnp.float32) * (2.0 / (NUM_USER + EMBED_DIM)) ** 0.5
    item_emb = jax.random.normal(ks[4], (NUM_ITEM, EMBED_DIM), dtype=jnp.float32) * (2.0 / (NUM_ITEM + EMBED_DIM)) ** 0.5
    user_visual_emb = jax.random.normal(ks[5], (NUM_USER, FEATURE_EMBEDDING), dtype=jnp.float32) * (2.0 / (NUM_USER + FEATURE_EMBEDDING)) ** 0.5
    item_bias = jnp.zeros((NUM_ITEM, 1), dtype=jnp.float32)
    visual_bias = jnp.zeros((VFEAT_DIM, 1), dtype=jnp.float32)
    E_w = jax.random.normal(ks[6], (FEATURE_EMBEDDING, VFEAT_DIM), dtype=jnp.float32) * (2.0 / (FEATURE_EMBEDDING + VFEAT_DIM)) ** 0.5
    # Frozen pretrained visual features (nn.Embedding.from_pretrained, freeze=True)
    v_feat = jax.random.normal(ks[7], (NUM_ITEM, VFEAT_DIM), dtype=jnp.float32) * 0.1
    return {
        "users": users,
        "pos_items": pos_items,
        "neg_items": neg_items,
        "user_emb": user_emb,
        "item_emb": item_emb,
        "user_visual_emb": user_visual_emb,
        "item_bias": item_bias,
        "visual_bias": visual_bias,
        "E_w": E_w,
        "v_feat": v_feat,
    }


def reference(users, pos_items, neg_items, user_emb, item_emb, user_visual_emb, item_bias, visual_bias, E_w, v_feat):
    ue = jnp.take(user_emb, users, axis=0)
    pe = jnp.take(item_emb, pos_items, axis=0)
    ne = jnp.take(item_emb, neg_items, axis=0)
    uve = jnp.take(user_visual_emb, users, axis=0)
    pb = jnp.squeeze(jnp.take(item_bias, pos_items, axis=0))
    nb = jnp.squeeze(jnp.take(item_bias, neg_items, axis=0))
    pf = jnp.take(v_feat, pos_items, axis=0)
    nf = jnp.take(v_feat, neg_items, axis=0)
    # nn.Linear(VFEAT_DIM, FEATURE_EMBEDDING, bias=False): x @ W.T
    pE = pf @ E_w.T
    nE = nf @ E_w.T
    # NOTE: faithful to original torch code, the final term has shape [B, 1],
    # which broadcasts against the [B] partial sum to produce a [B, B] score matrix.
    positive_scores = pb + jnp.sum(ue * pe, axis=1) + jnp.sum(uve * pE, axis=1) + pf @ visual_bias
    negative_scores = nb + jnp.sum(ue * ne, axis=1) + jnp.sum(uve * nE, axis=1) + nf @ visual_bias
    return (positive_scores, negative_scores)

if __name__ == "__main__":
    import jax
    _d = setup_inputs()
    print(jax.jit(kernel)(*tuple(_d.values())))

</pallas_src>

<mosaic_0001>
#map = affine_map<(d0, d1) -> (0)>
#map1 = affine_map<(d0, d1) -> (0, 0)>
module attributes {stable_mosaic.version = 14 : i64} {
  func.func @k(%arg0: i32, %arg1: i32, %arg2: memref<1024xi32, #tpu.memory_space<hbm>>, %arg3: memref<1024xi32, #tpu.memory_space<hbm>>, %arg4: memref<1024xi32, #tpu.memory_space<hbm>>, %arg5: memref<1000000x16xf32, #tpu.memory_space<hbm>>, %arg6: memref<1000000x16xf32, #tpu.memory_space<hbm>>, %arg7: memref<1000000x16xf32, #tpu.memory_space<hbm>>, %arg8: memref<7813x128xf32, #tpu.memory_space<hbm>>, %arg9: memref<1024x16xf32, #tpu.memory_space<hbm>>, %arg10: memref<1024x16xf32, #tpu.memory_space<hbm>>, %arg11: memref<1024x16xf32, #tpu.memory_space<hbm>>, %arg12: memref<1024x16xf32, #tpu.memory_space<hbm>>, %arg13: memref<1024xf32, #tpu.memory_space<hbm>>, %arg14: memref<1024xf32, #tpu.memory_space<hbm>>, %arg15: memref<32xi32, #tpu.memory_space<vmem>>, %arg16: memref<32xi32, #tpu.memory_space<vmem>>, %arg17: memref<32xi32, #tpu.memory_space<vmem>>, %arg18: memref<32xi32, #tpu.memory_space<vmem>>, %arg19: memref<32xi32, #tpu.memory_space<vmem>>, %arg20: memref<32x16xf32, #tpu.memory_space<vmem>>, %arg21: memref<32x16xf32, #tpu.memory_space<vmem>>, %arg22: memref<32x16xf32, #tpu.memory_space<vmem>>, %arg23: memref<32x16xf32, #tpu.memory_space<vmem>>, %arg24: memref<32x128xf32, #tpu.memory_space<vmem>>, %arg25: memref<32x128xf32, #tpu.memory_space<vmem>>, %arg26: memref<32xf32, #tpu.memory_space<vmem>>, %arg27: memref<32xf32, #tpu.memory_space<vmem>>, %arg28: memref<!tpu.dma_semaphore, #tpu.memory_space<semaphore_mem>>, %arg29: memref<!tpu.dma_semaphore, #tpu.memory_space<semaphore_mem>>) attributes {dimension_semantics = [#tpu.dimension_semantics<core_parallel>, #tpu.dimension_semantics<subcore_parallel>], iteration_bounds = array<i64: 2, 16>, scalar_prefetch = 0 : i64, scratch_operands = 15 : i64, tpu.core_type = #tpu.core_type<sc_vector_subcore>, window_params = [{transform_indices = #map}, {transform_indices = #map}, {transform_indices = #map}, {transform_indices = #map1}, {transform_indices = #map1}, {transform_indices = #map1}, {transform_indices = #map1}, {transform_indices = #map1}, {transform_indices = #map1}, {transform_indices = #map1}, {transform_indices = #map1}, {transform_indices = #map}, {transform_indices = #map}]} {
    %mul3A = arith.constant 2 : i32
    %mul3A_0 = arith.muli %arg1, %mul3A : i32
    %add3A = arith.addi %mul3A_0, %arg0 : i32
    %mul3A_1 = arith.constant 32 : i32
    %mul3A_2 = arith.muli %add3A, %mul3A_1 : i32
    "tpu.region"() ({
      %run_scoped3A = tpu.sem_alloc : memref<!tpu.dma_semaphore, #tpu.memory_space<semaphore_mem>>
      %dma_start3A_1627 = tpu.memref_slice %arg2[%mul3A_2] : memref<1024xi32, #tpu.memory_space<hbm>> -> memref<32xi32, #tpu.memory_space<hbm>>
      %dma_start3A_1628 = tpu.memref_slice %arg2[%mul3A_2] : memref<1024xi32, #tpu.memory_space<hbm>> -> memref<32xi32, #tpu.memory_space<hbm>>
      tpu.enqueue_dma source(%dma_start3A_1628 : memref<32xi32, #tpu.memory_space<hbm>>) target(%arg15 : memref<32xi32, #tpu.memory_space<vmem>>) target_semaphore(%run_scoped3A : memref<!tpu.dma_semaphore, #tpu.memory_space<semaphore_mem>>)
      %dma_wait3A_1629 = tpu.memref_slice %arg2[%mul3A_2] : memref<1024xi32, #tpu.memory_space<hbm>> -> memref<32xi32, #tpu.memory_space<hbm>>
      %dma_wait3A_1630 = tpu.memref_slice %arg2[%mul3A_2] : memref<1024xi32, #tpu.memory_space<hbm>> -> memref<32xi32, #tpu.memory_space<hbm>>
      tpu.wait_dma2 semaphore(%run_scoped3A : memref<!tpu.dma_semaphore, #tpu.memory_space<semaphore_mem>>) src(%dma_wait3A_1630 : memref<32xi32, #tpu.memory_space<hbm>>) dst(%arg15 : memref<32xi32, #tpu.memory_space<vmem>>)
      tpu.yield
    }) : () -> ()
    "tpu.region"() ({
      %run_scoped3A = tpu.sem_alloc : memref<!tpu.dma_semaphore, #tpu.memory_space<semaphore_mem>>
      %dma_start3A_1627 = tpu.memref_slice %arg3[%mul3A_2] : memref<1024xi32, #tpu.memory_space<hbm>> -> memref<32xi32, #tpu.memory_space<hbm>>
      %dma_start3A_1628 = tpu.memref_slice %arg3[%mul3A_2] : memref<1024xi32, #tpu.memory_space<hbm>> -> memref<32xi32, #tpu.memory_space<hbm>>
      tpu.enqueue_dma source(%dma_start3A_1628 : memref<32xi32, #tpu.memory_space<hbm>>) target(%arg16 : memref<32xi32, #tpu.memory_space<vmem>>) target_semaphore(%run_scoped3A : memref<!tpu.dma_semaphore, #tpu.memory_space<semaphore_mem>>)
      %dma_wait3A_1629 = tpu.memref_slice %arg3[%mul3A_2] : memref<1024xi32, #tpu.memory_space<hbm>> -> memref<32xi32, #tpu.memory_space<hbm>>
      %dma_wait3A_1630 = tpu.memref_slice %arg3[%mul3A_2] : memref<1024xi32, #tpu.memory_space<hbm>> -> memref<32xi32, #tpu.memory_space<hbm>>
      tpu.wait_dma2 semaphore(%run_scoped3A : memref<!tpu.dma_semaphore, #tpu.memory_space<semaphore_mem>>) src(%dma_wait3A_1630 : memref<32xi32, #tpu.memory_space<hbm>>) dst(%arg16 : memref<32xi32, #tpu.memory_space<vmem>>)
      tpu.yield
    }) : () -> ()
    "tpu.region"() ({
      %run_scoped3A = tpu.sem_alloc : memref<!tpu.dma_semaphore, #tpu.memory_space<semaphore_mem>>
      %dma_start3A_1627 = tpu.memref_slice %arg4[%mul3A_2] : memref<1024xi32, #tpu.memory_space<hbm>> -> memref<32xi32, #tpu.memory_space<hbm>>
      %dma_start3A_1628 = tpu.memref_slice %arg4[%mul3A_2] : memref<1024xi32, #tpu.memory_space<hbm>> -> memref<32xi32, #tpu.memory_space<hbm>>
      tpu.enqueue_dma source(%dma_start3A_1628 : memref<32xi32, #tpu.memory_space<hbm>>) target(%arg17 : memref<32xi32, #tpu.memory_space<vmem>>) target_semaphore(%run_scoped3A : memref<!tpu.dma_semaphore, #tpu.memory_space<semaphore_mem>>)
      %dma_wait3A_1629 = tpu.memref_slice %arg4[%mul3A_2] : memref<1024xi32, #tpu.memory_space<hbm>> -> memref<32xi32, #tpu.memory_space<hbm>>
      %dma_wait3A_1630 = tpu.memref_slice %arg4[%mul3A_2] : memref<1024xi32, #tpu.memory_space<hbm>> -> memref<32xi32, #tpu.memory_space<hbm>>
      tpu.wait_dma2 semaphore(%run_scoped3A : memref<!tpu.dma_semaphore, #tpu.memory_space<semaphore_mem>>) src(%dma_wait3A_1630 : memref<32xi32, #tpu.memory_space<hbm>>) dst(%arg17 : memref<32xi32, #tpu.memory_space<vmem>>)
      tpu.yield
    }) : () -> ()
    %get3A = arith.constant 0 : index
    %get3A_3 = tpu.vector_load %arg16[%get3A] {strides = array<i32>} : memref<32xi32, #tpu.memory_space<vmem>>, vector<16xi32>,
    %shift_right_logical3A = arith.constant 7 : i32
    %shift_right_logical3A_4 = vector.broadcast %shift_right_logical3A : i32 to vector<16xi32>
    %shift_right_logical3A_5 = arith.shrui %get3A_3, %shift_right_logical3A_4 : vector<16xi32>
    %swap3A = arith.constant 0 : index
    %swap3A_6 = tpu.vector_load %arg18[%swap3A] {strides = array<i32>} : memref<32xi32, #tpu.memory_space<vmem>>, vector<16xi32>,
    tpu.vector_store %arg18[%swap3A], %shift_right_logical3A_5 {strides = array<i32>} : memref<32xi32, #tpu.memory_space<vmem>>, vector<16xi32>,
    %get3A_7 = arith.constant 0 : index
    %get3A_8 = tpu.vector_load %arg17[%get3A_7] {strides = array<i32>} : memref<32xi32, #tpu.memory_space<vmem>>, vector<16xi32>,
    %shift_right_logical3A_9 = arith.constant 7 : i32
    %shift_right_logical3A_10 = vector.broadcast %shift_right_logical3A_9 : i32 to vector<16xi32>
    %shift_right_logical3A_11 = arith.shrui %get3A_8, %shift_right_logical3A_10 : vector<16xi32>
    %swap3A_12 = arith.constant 0 : index
    %swap3A_13 = tpu.vector_load %arg19[%swap3A_12] {strides = array<i32>} : memref<32xi32, #tpu.memory_space<vmem>>, vector<16xi32>,
    tpu.vector_store %arg19[%swap3A_12], %shift_right_logical3A_11 {strides = array<i32>} : memref<32xi32, #tpu.memory_space<vmem>>, vector<16xi32>,
    %get3A_14 = arith.constant 16 : index
    %get3A_15 = tpu.vector_load %arg16[%get3A_14] {strides = array<i32>} : memref<32xi32, #tpu.memory_space<vmem>>, vector<16xi32>,
    %shift_right_logical3A_16 = arith.constant 7 : i32
    %shift_right_logical3A_17 = vector.broadcast %shift_right_logical3A_16 : i32 to vector<16xi32>
    %shift_right_logical3A_18 = arith.shrui %get3A_15, %shift_right_logical3A_17 : vector<16xi32>
    %swap3A_19 = arith.constant 16 : index
    %swap3A_20 = tpu.vector_load %arg18[%swap3A_19] {strides = array<i32>} : memref<32xi32, #tpu.memory_space<vmem>>, vector<16xi32>,
    tpu.vector_store %arg18[%swap3A_19], %shift_right_logical3A_18 {strides = array<i32>} : memref<32xi32, #tpu.memory_space<vmem>>, vector<16xi32>,
    %get3A_21 = arith.constant 16 : index
    %get3A_22 = tpu.vector_load %arg17[%get3A_21] {strides = array<i32>} : memref<32xi32, #tpu.memory_space<vmem>>, vector<16xi32>,
    %shift_right_logical3A_23 = arith.constant 7 : i32
    %shift_right_logical3A_24 = vector.broadcast %shift_right_logical3A_23 : i32 to vector<16xi32>
    %shift_right_logical3A_25 = arith.shrui %get3A_22, %shift_right_logical3A_24 : vector<16xi32>
    %swap3A_26 = arith.constant 16 : index
    %swap3A_27 = tpu.vector_load %arg19[%swap3A_26] {strides = array<i32>} : memref<32xi32, #tpu.memory_space<vmem>>, vector<16xi32>,
    tpu.vector_store %arg19[%swap3A_26], %shift_right_logical3A_25 {strides = array<i32>} : memref<32xi32, #tpu.memory_space<vmem>>, vector<16xi32>,
    %dma_start3A = arith.constant 0 : i32
    %dma_start3A_28 = arith.constant 0 : i32
    %dma_start3A_29 = tpu.memref_slice %arg8[%dma_start3A, %dma_start3A_28] : memref<7813x128xf32, #tpu.memory_space<hbm>> -> memref<7813x128xf32, #tpu.memory_space<hbm>>
    tpu.enqueue_indirect_dma source(%dma_start3A_29 : memref<7813x128xf32, #tpu.memory_space<hbm>>) target(%arg24 : memref<32x128xf32, #tpu.memory_space<vmem>>) offsets(%arg18 : memref<32xi32, #tpu.memory_space<vmem>>) semaphore(%arg28 : memref<!tpu.dma_semaphore, #tpu.memory_space<semaphore_mem>>)
    %dma_start3A_30 = arith.constant 0 : i32
    %dma_start3A_31 = arith.constant 0 : i32
    %dma_start3A_32 = tpu.memref_slice %arg8[%dma_start3A_30, %dma_start3A_31] : memref<7813x128xf32, #tpu.memory_space<hbm>> -> memref<7813x128xf32, #tpu.memory_space<hbm>>
    tpu.enqueue_indirect_dma source(%dma_start3A_32 : memref<7813x128xf32, #tpu.memory_space<hbm>>) target(%arg25 : memref<32x128xf32, #tpu.memory_space<vmem>>) offsets(%arg19 : memref<32xi32, #tpu.memory_space<vmem>>) semaphore(%arg28 : memref<!tpu.dma_semaphore, #tpu.memory_space<semaphore_mem>>)
    %get3A_33 = arith.constant 0 : index
    %get3A_34 = tpu.vector_load %arg15[%get3A_33] {strides = array<i32>} : memref<32xi32, #tpu.memory_space<vmem>>, vector<16xi32>,
    %get3A_35 = arith.constant 0 : index
    %get3A_36 = tpu.vector_load %arg16[%get3A_35] {strides = array<i32>} : memref<32xi32, #tpu.memory_space<vmem>>, vector<16xi32>,
    %get3A_37 = arith.constant 0 : index
    %get3A_38 = tpu.vector_load %arg17[%get3A_37] {strides = array<i32>} : memref<32xi32, #tpu.memory_space<vmem>>, vector<16xi32>,
    %slice3A = vector.extract_strided_slice %get3A_34 {offsets = [0], sizes = [1], strides = [1]} : vector<16xi32> to vector<1xi32>
    %squeeze3A = vector.extract %slice3A[0] : i32 from vector<1xi32>
    %slice3A_39 = vector.extract_strided_slice %get3A_36 {offsets = [0], sizes = [1], strides = [1]} : vector<16xi32> to vector<1xi32>
    %squeeze3A_40 = vector.extract %slice3A_39[0] : i32 from vector<1xi32>
    %slice3A_41 = vector.extract_strided_slice %get3A_38 {offsets = [0], sizes = [1], strides = [1]} : vector<16xi32> to vector<1xi32>
    %squeeze3A_42 = vector.extract %slice3A_41[0] : i32 from vector<1xi32>
    %dma_start3A_43 = arith.constant 0 : i32
    %dma_start3A_44 = arith.constant 0 : i32
    %dma_start3A_45 = tpu.memref_slice %arg20[%dma_start3A_43, %dma_start3A_44] : memref<32x16xf32, #tpu.memory_space<vmem>> -> memref<1x16xf32, #tpu.memory_space<vmem>>
    %dma_start3A_46 = arith.constant 0 : i32
    %dma_start3A_47 = tpu.memref_slice %arg5[%squeeze3A, %dma_start3A_46] : memref<1000000x16xf32, #tpu.memory_space<hbm>> -> memref<1x16xf32, #tpu.memory_space<hbm>>
    %dma_start3A_48 = arith.constant 0 : i32
    %dma_start3A_49 = arith.constant 0 : i32
    %dma_start3A_50 = tpu.memref_slice %arg20[%dma_start3A_48, %dma_start3A_49] : memref<32x16xf32, #tpu.memory_space<vmem>> -> memref<1x16xf32, #tpu.memory_space<vmem>>
    %dma_start3A_51 = arith.constant 0 : i32
    %dma_start3A_52 = tpu.memref_slice %arg5[%squeeze3A, %dma_start3A_51] : memref<1000000x16xf32, #tpu.memory_space<hbm>> -> memref<1x16xf32, #tpu.memory_space<hbm>>
    tpu.enqueue_dma source(%dma_start3A_52 : memref<1x16xf32, #tpu.memory_space<hbm>>) target(%dma_start3A_50 : memref<1x16xf32, #tpu.memory_space<vmem>>) target_semaphore(%arg28 : memref<!tpu.dma_semaphore, #tpu.memory_space<semaphore_mem>>)
    %dma_start3A_53 = arith.constant 0 : i32
    %dma_start3A_54 = arith.constant 0 : i32
    %dma_start3A_55 = tpu.memref_slice %arg21[%dma_start3A_53, %dma_start3A_54] : memref<32x16xf32, #tpu.memory_space<vmem>> -> memref<1x16xf32, #tpu.memory_space<vmem>>
    %dma_start3A_56 = arith.constant 0 : i32
    %dma_start3A_57 = tpu.memref_slice %arg6[%squeeze3A_40, %dma_start3A_56] : memref<1000000x16xf32, #tpu.memory_space<hbm>> -> memref<1x16xf32, #tpu.memory_space<hbm>>
    %dma_start3A_58 = arith.constant 0 : i32
    %dma_start3A_59 = arith.constant 0 : i32
    %dma_start3A_60 = tpu.memref_slice %arg21[%dma_start3A_58, %dma_start3A_59] : memref<32x16xf32, #tpu.memory_space<vmem>> -> memref<1x16xf32, #tpu.memory_space<vmem>>
    %dma_start3A_61 = arith.constant 0 : i32
    %dma_start3A_62 = tpu.memref_slice %arg6[%squeeze3A_40, %dma_start3A_61] : memref<1000000x16xf32, #tpu.memory_space<hbm>> -> memref<1x16xf32, #tpu.memory_space<hbm>>
    tpu.enqueue_dma source(%dma_start3A_62 : memref<1x16xf32, #tpu.memory_space<hbm>>) target(%dma_start3A_60 : memref<1x16xf32, #tpu.memory_space<vmem>>) target_semaphore(%arg28 : memref<!tpu.dma_semaphore, #tpu.memory_space<semaphore_mem>>)
    %dma_start3A_63 = arith.constant 0 : i32
    %dma_start3A_64 = arith.constant 0 : i32
    %dma_start3A_65 = tpu.memref_slice %arg22[%dma_start3A_63, %dma_start3A_64] : memref<32x16xf32, #tpu.memory_space<vmem>> -> memref<1x16xf32, #tpu.memory_space<vmem>>
    %dma_start3A_66 = arith.constant 0 : i32
    %dma_start3A_67 = tpu.memref_slice %arg6[%squeeze3A_42, %dma_start3A_66] : memref<1000000x16xf32, #tpu.memory_space<hbm>> -> memref<1x16xf32, #tpu.memory_space<hbm>>
    %dma_start3A_68 = arith.constant 0 : i32
    %dma_start3A_69 = arith.constant 0 : i32
    %dma_start3A_70 = tpu.memref_slice %arg22[%dma_start3A_68, %dma_start3A_69] : memref<32x16xf32, #tpu.memory_space<vmem>> -> memref<1x16xf32, #tpu.memory_space<vmem>>
    %dma_start3A_71 = arith.constant 0 : i32
    %dma_start3A_72 = tpu.memref_slice %arg6[%squeeze3A_42, %dma_start3A_71] : memref<1000000x16xf32, #tpu.memory_space<hbm>> -> memref<1x16xf32, #tpu.memory_space<hbm>>
    tpu.enqueue_dma source(%dma_start3A_72 : memref<1x16xf32, #tpu.memory_space<hbm>>) target(%dma_start3A_70 : memref<1x16xf32, #tpu.memory_space<vmem>>) target_semaphore(%arg28 : memref<!tpu.dma_semaphore, #tpu.memory_space<semaphore_mem>>)
    %dma_start3A_73 = arith.constant 0 : i32
    %dma_start3A_74 = arith.constant 0 : i32
    %dma_start3A_75 = tpu.memref_slice %arg23[%dma_start3A_73, %dma_start3A_74] : memref<32x16xf32, #tpu.memory_space<vmem>> -> memref<1x16xf32, #tpu.memory_space<vmem>>
    %dma_start3A_76 = arith.constant 0 : i32
    %dma_start3A_77 = tpu.memref_slice %arg7[%squeeze3A, %dma_start3A_76] : memref<1000000x16xf32, #tpu.memory_space<hbm>> -> memref<1x16xf32, #tpu.memory_space<hbm>>
    %dma_start3A_78 = arith.constant 0 : i32
    %dma_start3A_79 = arith.constant 0 : i32
    %dma_start3A_80 = tpu.memref_slice %arg23[%dma_start3A_78, %dma_start3A_79] : memref<32x16xf32, #tpu.memory_space<vmem>> -> memref<1x16xf32, #tpu.memory_space<vmem>>
    %dma_start3A_81 = arith.constant 0 : i32
    %dma_start3A_82 = tpu.memref_slice %arg7[%squeeze3A, %dma_start3A_81] : memref<1000000x16xf32, #tpu.memory_space<hbm>> -> memref<1x16xf32, #tpu.memory_space<hbm>>
    tpu.enqueue_dma source(%dma_start3A_82 : memref<1x16xf32, #tpu.memory_space<hbm>>) target(%dma_start3A_80 : memref<1x16xf32, #tpu.memory_space<vmem>>) target_semaphore(%arg28 : memref<!tpu.dma_semaphore, #tpu.memory_space<semaphore_mem>>)
    %slice3A_83 = vector.extract_strided_slice %get3A_34 {offsets = [1], sizes = [1], strides = [1]} : vector<16xi32> to vector<1xi32>
    %squeeze3A_84 = vector.extract %slice3A_83[0] : i32 from vector<1xi32>
    %slice3A_85 = vector.extract_strided_slice %get3A_36 {offsets = [1], sizes = [1], strides = [1]} : vector<16xi32> to vector<1xi32>
    %squeeze3A_86 = vector.extract %slice3A_85[0] : i32 from vector<1xi32>
    %slice3A_87 = vector.extract_strided_slice %get3A_38 {offsets = [1], sizes = [1], strides = [1]} : vector<16xi32> to vector<1xi32>
    %squeeze3A_88 = vector.extract %slice3A_87[0] : i32 from vector<1xi32>
    %dma_start3A_89 = arith.constant 1 : i32
    %dma_start3A_90 = arith.constant 0 : i32
    %dma_start3A_91 = tpu.memref_slice %arg20[%dma_start3A_89, %dma_start3A_90] : memref<32x16xf32, #tpu.memory_space<vmem>> -> memref<1x16xf32, #tpu.memory_space<vmem>>
    %dma_start3A_92 = arith.constant 0 : i32
    %dma_start3A_93 = tpu.memref_slice %arg5[%squeeze3A_84, %dma_start3A_92] : memref<1000000x16xf32, #tpu.memory_space<hbm>> -> memref<1x16xf32, #tpu.memory_space<hbm>>
    %dma_start3A_94 = arith.constant 1 : i32
    %dma_start3A_95 = arith.constant 0 : i32
    %dma_start3A_96 = tpu.memref_slice %arg20[%dma_start3A_94, %dma_start3A_95] : memref<32x16xf32, #tpu.memory_space<vmem>> -> memref<1x16xf32, #tpu.memory_space<vmem>>
    %dma_start3A_97 = arith.constant 0 : i32
    %dma_start3A_98 = tpu.memref_slice %arg5[%squeeze3A_84, %dma_start3A_97] : memref<1000000x16xf32, #tpu.memory_space<hbm>> -> memref<1x16xf32, #tpu.memory_space<hbm>>
    tpu.enqueue_dma source(%dma_start3A_98 : memref<1x16xf32, #tpu.memory_space<hbm>>) target(%dma_start3A_96 : memref<1x16xf32, #tpu.memory_space<vmem>>) target_semaphore(%arg28 : memref<!tpu.dma_semaphore, #tpu.memory_space<semaphore_mem>>)
    %dma_start3A_99 = arith.constant 1 : i32
    %dma_start3A_100 = arith.constant 0 : i32
    %dma_start3A_101 = tpu.memref_slice %arg21[%dma_start3A_99, %dma_start3A_100] : memref<32x16xf32, #tpu.memory_space<vmem>> -> memref<1x16xf32, #tpu.memory_space<vmem>>
    %dma_start3A_102 = arith.constant 0 : i32
    %dma_start3A_103 = tpu.memref_slice %arg6[%squeeze3A_86, %dma_start3A_102] : memref<1000000x16xf32, #tpu.memory_space<hbm>> -> memref<1x16xf32, #tpu.memory_space<hbm>>
    %dma_start3A_104 = arith.constant 1 : i32
    %dma_start3A_105 = arith.constant 0 : i32
    %dma_start3A_106 = tpu.memref_slice %arg21[%dma_start3A_104, %dma_start3A_105] : memref<32x16xf32, #tpu.memory_space<vmem>> -> memref<1x16xf32, #tpu.memory_space<vmem>>
    %dma_start3A_107 = arith.constant 0 : i32
    %dma_start3A_108 = tpu.memref_slice %arg6[%squeeze3A_86, %dma_start3A_107] : memref<1000000x16xf32, #tpu.memory_space<hbm>> -> memref<1x16xf32, #tpu.memory_space<hbm>>
    tpu.enqueue_dma source(%dma_start3A_108 : memref<1x16xf32, #tpu.memory_space<hbm>>) target(%dma_start3A_106 : memref<1x16xf32, #tpu.memory_space<vmem>>) target_semaphore(%arg28 : memref<!tpu.dma_semaphore, #tpu.memory_space<semaphore_mem>>)
    %dma_start3A_109 = arith.constant 1 : i32
    %dma_start3A_110 = arith.constant 0 : i32
    %dma_start3A_111 = tpu.memref_slice %arg22[%dma_start3A_109, %dma_start3A_110] : memref<32x16xf32, #tpu.memory_space<vmem>> -> memref<1x16xf32, #tpu.memory_space<vmem>>
    %dma_start3A_112 = arith.constant 0 : i32
    %dma_start3A_113 = tpu.memref_slice %arg6[%squeeze3A_88, %dma_start3A_112] : memref<1000000x16xf32, #tpu.memory_space<hbm>> -> memref<1x16xf32, #tpu.memory_space<hbm>>
    %dma_start3A_114 = arith.constant 1 : i32
    %dma_start3A_115 = arith.constant 0 : i32
    %dma_start3A_116 = tpu.memref_slice %arg22[%dma_start3A_114, %dma_start3A_115] : memref<32x16xf32, #tpu.memory_space<vmem>> -> memref<1x16xf32, #tpu.memory_space<vmem>>
    %dma_start3A_117 = arith.constant 0 : i32
    %dma_start3A_118 = tpu.memref_slice %arg6[%squeeze3A_88, %dma_start3A_117] : memref<1000000x16xf32, #tpu.memory_space<hbm>> -> memref<1x16xf32, #tpu.memory_space<hbm>>
    tpu.enqueue_dma source(%dma_start3A_118 : memref<1x16xf32, #tpu.memory_space<hbm>>) target(%dma_start3A_116 : memref<1x16xf32, #tpu.memory_space<vmem>>) target_semaphore(%arg28 : memref<!tpu.dma_semaphore, #tpu.memory_space<semaphore_mem>>)
    %dma_start3A_119 = arith.constant 1 : i32
    %dma_start3A_120 = arith.constant 0 : i32
    %dma_start3A_121 = tpu.memref_slice %arg23[%dma_start3A_119, %dma_start3A_120] : memref<32x16xf32, #tpu.memory_space<vmem>> -> memref<1x16xf32, #tpu.memory_space<vmem>>
    %dma_start3A_122 = arith.constant 0 : i32
    %dma_start3A_123 = tpu.memref_slice %arg7[%squeeze3A_84, %dma_start3A_122] : memref<1000000x16xf32, #tpu.memory_space<hbm>> -> memref<1x16xf32, #tpu.memory_space<hbm>>
    %dma_start3A_124 = arith.constant 1 : i32
    %dma_start3A_125 = arith.constant 0 : i32
    %dma_start3A_126 = tpu.memref_slice %arg23[%dma_start3A_124, %dma_start3A_125] : memref<32x16xf32, #tpu.memory_space<vmem>> -> memref<1x16xf32, #tpu.memory_space<vmem>>
    %dma_start3A_127 = arith.constant 0 : i32
    %dma_start3A_128 = tpu.memref_slice %arg7[%squeeze3A_84, %dma_start3A_127] : memref<1000000x16xf32, #tpu.memory_space<hbm>> -> memref<1x16xf32, #tpu.memory_space<hbm>>
    tpu.enqueue_dma source(%dma_start3A_128 : memref<1x16xf32, #tpu.memory_space<hbm>>) target(%dma_start3A_126 : memref<1x16xf32, #tpu.memory_space<vmem>>) target_semaphore(%arg28 : memref<!tpu.dma_semaphore, #tpu.memory_space<semaphore_mem>>)
    %slice3A_129 = vector.extract_strided_slice %get3A_34 {offsets = [2], sizes = [1], strides = [1]} : vector<16xi32> to vector<1xi32>
    %squeeze3A_130 = vector.extract %slice3A_129[0] : i32 from vector<1xi32>
    %slice3A_131 = vector.extract_strided_slice %get3A_36 {offsets = [2], sizes = [1], strides = [1]} : vector<16xi32> to vector<1xi32>
    %squeeze3A_132 = vector.extract %slice3A_131[0] : i32 from vector<1xi32>
    %slice3A_133 = vector.extract_strided_slice %get3A_38 {offsets = [2], sizes = [1], strides = [1]} : vector<16xi32> to vector<1xi32>
    %squeeze3A_134 = vector.extract %slice3A_133[0] : i32 from vector<1xi32>
    %dma_start3A_135 = arith.constant 2 : i32
    %dma_start3A_136 = arith.constant 0 : i32
    %dma_start3A_137 = tpu.memref_slice %arg20[%dma_start3A_135, %dma_start3A_136] : memref<32x16xf32, #tpu.memory_space<vmem>> -> memref<1x16xf32, #tpu.memory_space<vmem>>
    %dma_start3A_138 = arith.constant 0 : i32
    %dma_start3A_139 = tpu.memref_slice %arg5[%squeeze3A_130, %dma_start3A_138] : memref<1000000x16xf32, #tpu.memory_space<hbm>> -> memref<1x16xf32, #tpu.memory_space<hbm>>
    %dma_start3A_140 = arith.constant 2 : i32
    %dma_start3A_141 = arith.constant 0 : i32
    %dma_start3A_142 = tpu.memref_slice %arg20[%dma_start3A_140, %dma_start3A_141] : memref<32x16xf32, #tpu.memory_space<vmem>> -> memref<1x16xf32, #tpu.memory_space<vmem>>
    %dma_start3A_143 = arith.constant 0 : i32
    %dma_start3A_144 = tpu.memref_slice %arg5[%squeeze3A_130, %dma_start3A_143] : memref<1000000x16xf32, #tpu.memory_space<hbm>> -> memref<1x16xf32, #tpu.memory_space<hbm>>
    tpu.enqueue_dma source(%dma_start3A_144 : memref<1x16xf32, #tpu.memory_space<hbm>>) target(%dma_start3A_142 : memref<1x16xf32, #tpu.memory_space<vmem>>) target_semaphore(%arg28 : memref<!tpu.dma_semaphore, #tpu.memory_space<semaphore_mem>>)
    %dma_start3A_145 = arith.constant 2 : i32
    %dma_start3A_146 = arith.constant 0 : i32
    %dma_start3A_147 = tpu.memref_slice %arg21[%dma_start3A_145, %dma_start3A_146] : memref<32x16xf32, #tpu.memory_space<vmem>> -> memref<1x16xf32, #tpu.memory_space<vmem>>
    %dma_start3A_148 = arith.constant 0 : i32
    %dma_start3A_149 = tpu.memref_slice %arg6[%squeeze3A_132, %dma_start3A_148] : memref<1000000x16xf32, #tpu.memory_space<hbm>> -> memref<1x16xf32, #tpu.memory_space<hbm>>
    %dma_start3A_150 = arith.constant 2 : i32
    %dma_start3A_151 = arith.constant 0 : i32
    %dma_start3A_152 = tpu.memref_slice %arg21[%dma_start3A_150, %dma_start3A_151] : memref<32x16xf32, #tpu.memory_space<vmem>> -> memref<1x16xf32, #tpu.memory_space<vmem>>
    %dma_start3A_153 = arith.constant 0 : i32
    %dma_start3A_154 = tpu.memref_slice %arg6[%squeeze3A_132, %dma_start3A_153] : memref<1000000x16xf32, #tpu.memory_space<hbm>> -> memref<1x16xf32, #tpu.memory_space<hbm>>
    tpu.enqueue_dma source(%dma_start3A_154 : memref<1x16xf32, #tpu.memory_space<hbm>>) target(%dma_start3A_152 : memref<1x16xf32, #tpu.memory_space<vmem>>) target_semaphore(%arg28 : memref<!tpu.dma_semaphore, #tpu.memory_space<semaphore_mem>>)
    %dma_start3A_155 = arith.constant 2 : i32
    %dma_start3A_156 = arith.constant 0 : i32
    %dma_start3A_157 = tpu.memref_slice %arg22[%dma_start3A_155, %dma_start3A_156] : memref<32x16xf32, #tpu.memory_space<vmem>> -> memref<1x16xf32, #tpu.memory_space<vmem>>
    %dma_start3A_158 = arith.constant 0 : i32
    %dma_start3A_159 = tpu.memref_slice %arg6[%squeeze3A_134, %dma_start3A_158] : memref<1000000x16xf32, #tpu.memory_space<hbm>> -> memref<1x16xf32, #tpu.memory_space<hbm>>
    %dma_start3A_160 = arith.constant 2 : i32
    %dma_start3A_161 = arith.constant 0 : i32
    %dma_start3A_162 = tpu.memref_slice %arg22[%dma_start3A_160, %dma_start3A_161] : memref<32x16xf32, #tpu.memory_space<vmem>> -> memref<1x16xf32, #tpu.memory_space<vmem>>
    %dma_start3A_163 = arith.constant 0 : i32
    %dma_start3A_164 = tpu.memref_slice %arg6[%squeeze3A_134, %dma_start3A_163] : memref<1000000x16xf32, #tpu.memory_space<hbm>> -> memref<1x16xf32, #tpu.memory_space<hbm>>
    tpu.enqueue_dma source(%dma_start3A_164 : memref<1x16xf32, #tpu.memory_space<hbm>>) target(%dma_start3A_162 : memref<1x16xf32, #tpu.memory_space<vmem>>) target_semaphore(%arg28 : memref<!tpu.dma_semaphore, #tpu.memory_space<semaphore_mem>>)
    %dma_start3A_165 = arith.constant 2 : i32
    %dma_start3A_166 = arith.constant 0 : i32
    %dma_start3A_167 = tpu.memref_slice %arg23[%dma_start3A_165, %dma_start3A_166] : memref<32x16xf32, #tpu.memory_space<vmem>> -> memref<1x16xf32, #tpu.memory_space<vmem>>
    %dma_start3A_168 = arith.constant 0 : i32
    %dma_start3A_169 = tpu.memref_slice %arg7[%squeeze3A_130, %dma_start3A_168] : memref<1000000x16xf32, #tpu.memory_space<hbm>> -> memref<1x16xf32, #tpu.memory_space<hbm>>
    %dma_start3A_170 = arith.constant 2 : i32
    %dma_start3A_171 = arith.constant 0 : i32
    %dma_start3A_172 = tpu.memref_slice %arg23[%dma_start3A_170, %dma_start3A_171] : memref<32x16xf32, #tpu.memory_space<vmem>> -> memref<1x16xf32, #tpu.memory_space<vmem>>
    %dma_start3A_173 = arith.constant 0 : i32
    %dma_start3A_174 = tpu.memref_slice %arg7[%squeeze3A_130, %dma_start3A_173] : memref<1000000x16xf32, #tpu.memory_space<hbm>> -> memref<1x16xf32, #tpu.memory_space<hbm>>
    tpu.enqueue_dma source(%dma_start3A_174 : memref<1x16xf32, #tpu.memory_space<hbm>>) target(%dma_start3A_172 : memref<1x16xf32, #tpu.memory_space<vmem>>) target_semaphore(%arg28 : memref<!tpu.dma_semaphore, #tpu.memory_space<semaphore_mem>>)
    %slice3A_175 = vector.extract_strided_slice %get3A_34 {offsets = [3], sizes = [1], strides = [1]} : vector<16xi32> to vector<1xi32>
    %squeeze3A_176 = vector.extract %slice3A_175[0] : i32 from vector<1xi32>
    %slice3A_177 = vector.extract_strided_slice %get3A_36 {offsets = [3], sizes = [1], strides = [1]} : vector<16xi32> to vector<1xi32>
    %squeeze3A_178 = vector.extract %slice3A_177[0] : i32 from vector<1xi32>
    %slice3A_179 = vector.extract_strided_slice %get3A_38 {offsets = [3], sizes = [1], strides = [1]} : vector<16xi32> to vector<1xi32>
    %squeeze3A_180 = vector.extract %slice3A_179[0] : i32 from vector<1xi32>
    %dma_start3A_181 = arith.constant 3 : i32
    %dma_start3A_182 = arith.constant 0 : i32
    %dma_start3A_183 = tpu.memref_slice %arg20[%dma_start3A_181, %dma_start3A_182] : memref<32x16xf32, #tpu.memory_space<vmem>> -> memref<1x16xf32, #tpu.memory_space<vmem>>
    %dma_start3A_184 = arith.constant 0 : i32
    %dma_start3A_185 = tpu.memref_slice %arg5[%squeeze3A_176, %dma_start3A_184] : memref<1000000x16xf32, #tpu.memory_space<hbm>> -> memref<1x16xf32, #tpu.memory_space<hbm>>
    %dma_start3A_186 = arith.constant 3 : i32
    %dma_start3A_187 = arith.constant 0 : i32
    %dma_start3A_188 = tpu.memref_slice %arg20[%dma_start3A_186, %dma_start3A_187] : memref<32x16xf32, #tpu.memory_space<vmem>> -> memref<1x16xf32, #tpu.memory_space<vmem>>
    %dma_start3A_189 = arith.constant 0 : i32
    %dma_start3A_190 = tpu.memref_slice %arg5[%squeeze3A_176, %dma_start3A_189] : memref<1000000x16xf32, #tpu.memory_space<hbm>> -> memref<1x16xf32, #tpu.memory_space<hbm>>
    tpu.enqueue_dma source(%dma_start3A_190 : memref<1x16xf32, #tpu.memory_space<hbm>>) target(%dma_start3A_188 : memref<1x16xf32, #tpu.memory_space<vmem>>) target_semaphore(%arg28 : memref<!tpu.dma_semaphore, #tpu.memory_space<semaphore_mem>>)
    %dma_start3A_191 = arith.constant 3 : i32
    %dma_start3A_192 = arith.constant 0 : i32
    %dma_start3A_193 = tpu.memref_slice %arg21[%dma_start3A_191, %dma_start3A_192] : memref<32x16xf32, #tpu.memory_space<vmem>> -> memref<1x16xf32, #tpu.memory_space<vmem>>
    %dma_start3A_194 = arith.constant 0 : i32
    %dma_start3A_195 = tpu.memref_slice %arg6[%squeeze3A_178, %dma_start3A_194] : memref<1000000x16xf32, #tpu.memory_space<hbm>> -> memref<1x16xf32, #tpu.memory_space<hbm>>
    %dma_start3A_196 = arith.constant 3 : i32
    %dma_start3A_197 = arith.constant 0 : i32
    %dma_start3A_198 = tpu.memref_slice %arg21[%dma_start3A_196, %dma_start3A_197] : memref<32x16xf32, #tpu.memory_space<vmem>> -> memref<1x16xf32, #tpu.memory_space<vmem>>
    %dma_start3A_199 = arith.constant 0 : i32
    %dma_start3A_200 = tpu.memref_slice %arg6[%squeeze3A_178, %dma_start3A_199] : memref<1000000x16xf32, #tpu.memory_space<hbm>> -> memref<1x16xf32, #tpu.memory_space<hbm>>
    tpu.enqueue_dma source(%dma_start3A_200 : memref<1x16xf32, #tpu.memory_space<hbm>>) target(%dma_start3A_198 : memref<1x16xf32, #tpu.memory_space<vmem>>) target_semaphore(%arg28 : memref<!tpu.dma_semaphore, #tpu.memory_space<semaphore_mem>>)
    %dma_start3A_201 = arith.constant 3 : i32
    %dma_start3A_202 = arith.constant 0 : i32
    %dma_start3A_203 = tpu.memref_slice %arg22[%dma_start3A_201, %dma_start3A_202] : memref<32x16xf32, #tpu.memory_space<vmem>> -> memref<1x16xf32, #tpu.memory_space<vmem>>
    %dma_start3A_204 = arith.constant 0 : i32
    %dma_start3A_205 = tpu.memref_slice %arg6[%squeeze3A_180, %dma_start3A_204] : memref<1000000x16xf32, #tpu.memory_space<hbm>> -> memref<1x16xf32, #tpu.memory_space<hbm>>
    %dma_start3A_206 = arith.constant 3 : i32
    %dma_start3A_207 = arith.constant 0 : i32
    %dma_start3A_208 = tpu.memref_slice %arg22[%dma_start3A_206, %dma_start3A_207] : memref<32x16xf32, #tpu.memory_space<vmem>> -> memref<1x16xf32, #tpu.memory_space<vmem>>
    %dma_start3A_209 = arith.constant 0 : i32
    %dma_start3A_210 = tpu.memref_slice %arg6[%squeeze3A_180, %dma_start3A_209] : memref<1000000x16xf32, #tpu.memory_space<hbm>> -> memref<1x16xf32, #tpu.memory_space<hbm>>
    tpu.enqueue_dma source(%dma_start3A_210 : memref<1x16xf32, #tpu.memory_space<hbm>>) target(%dma_start3A_208 : memref<1x16xf32, #tpu.memory_space<vmem>>) target_semaphore(%arg28 : memref<!tpu.dma_semaphore, #tpu.memory_space<semaphore_mem>>)
    %dma_start3A_211 = arith.constant 3 : i32
    %dma_start3A_212 = arith.constant 0 : i32
    %dma_start3A_213 = tpu.memref_slice %arg23[%dma_start3A_211, %dma_start3A_212] : memref<32x16xf32, #tpu.memory_space<vmem>> -> memref<1x16xf32, #tpu.memory_space<vmem>>
    %dma_start3A_214 = arith.constant 0 : i32
    %dma_start3A_215 = tpu.memref_slice %arg7[%squeeze3A_176, %dma_start3A_214] : memref<1000000x16xf32, #tpu.memory_space<hbm>> -> memref<1x16xf32, #tpu.memory_space<hbm>>
    %dma_start3A_216 = arith.constant 3 : i32
    %dma_start3A_217 = arith.constant 0 : i32
    %dma_start3A_218 = tpu.memref_slice %arg23[%dma_start3A_216, %dma_start3A_217] : memref<32x16xf32, #tpu.memory_space<vmem>> -> memref<1x16xf32, #tpu.memory_space<vmem>>
    %dma_start3A_219 = arith.constant 0 : i32
    %dma_start3A_220 = tpu.memref_slice %arg7[%squeeze3A_176, %dma_start3A_219] : memref<1000000x16xf32, #tpu.memory_space<hbm>> -> memref<1x16xf32, #tpu.memory_space<hbm>>
    tpu.enqueue_dma source(%dma_start3A_220 : memref<1x16xf32, #tpu.memory_space<hbm>>) target(%dma_start3A_218 : memref<1x16xf32, #tpu.memory_space<vmem>>) target_semaphore(%arg28 : memref<!tpu.dma_semaphore, #tpu.memory_space<semaphore_mem>>)
    %slice3A_221 = vector.extract_strided_slice %get3A_34 {offsets = [4], sizes = [1], strides = [1]} : vector<16xi32> to vector<1xi32>
    %squeeze3A_222 = vector.extract %slice3A_221[0] : i32 from vector<1xi32>
    %slice3A_223 = vector.extract_strided_slice %get3A_36 {offsets = [4], sizes = [1], strides = [1]} : vector<16xi32> to vector<1xi32>
    %squeeze3A_224 = vector.extract %slice3A_223[0] : i32 from vector<1xi32>
    %slice3A_225 = vector.extract_strided_slice %get3A_38 {offsets = [4], sizes = [1], strides = [1]} : vector<16xi32> to vector<1xi32>
    %squeeze3A_226 = vector.extract %slice3A_225[0] : i32 from vector<1xi32>
    %dma_start3A_227 = arith.constant 4 : i32
    %dma_start3A_228 = arith.constant 0 : i32
    %dma_start3A_229 = tpu.memref_slice %arg20[%dma_start3A_227, %dma_start3A_228] : memref<32x16xf32, #tpu.memory_space<vmem>> -> memref<1x16xf32, #tpu.memory_space<vmem>>
    %dma_start3A_230 = arith.constant 0 : i32
    %dma_start3A_231 = tpu.memref_slice %arg5[%squeeze3A_222, %dma_start3A_230] : memref<1000000x16xf32, #tpu.memory_space<hbm>> -> memref<1x16xf32, #tpu.memory_space<hbm>>
    %dma_start3A_232 = arith.constant 4 : i32
    %dma_start3A_233 = arith.constant 0 : i32
    %dma_start3A_234 = tpu.memref_slice %arg20[%dma_start3A_232, %dma_start3A_233] : memref<32x16xf32, #tpu.memory_space<vmem>> -> memref<1x16xf32, #tpu.memory_space<vmem>>
    %dma_start3A_235 = arith.constant 0 : i32
    %dma_start3A_236 = tpu.memref_slice %arg5[%squeeze3A_222, %dma_start3A_235] : memref<1000000x16xf32, #tpu.memory_space<hbm>> -> memref<1x16xf32, #tpu.memory_space<hbm>>
    tpu.enqueue_dma source(%dma_start3A_236 : memref<1x16xf32, #tpu.memory_space<hbm>>) target(%dma_start3A_234 : memref<1x16xf32, #tpu.memory_space<vmem>>) target_semaphore(%arg28 : memref<!tpu.dma_semaphore, #tpu.memory_space<semaphore_mem>>)
    %dma_start3A_237 = arith.constant 4 : i32
    %dma_start3A_238 = arith.constant 0 : i32
    %dma_start3A_239 = tpu.memref_slice %arg21[%dma_start3A_237, %dma_start3A_238] : memref<32x16xf32, #tpu.memory_space<vmem>> -> memref<1x16xf32, #tpu.memory_space<vmem>>
    %dma_start3A_240 = arith.constant 0 : i32
    %dma_start3A_241 = tpu.memref_slice %arg6[%squeeze3A_224, %dma_start3A_240] : memref<1000000x16xf32, #tpu.memory_space<hbm>> -> memref<1x16xf32, #tpu.memory_space<hbm>>
    %dma_start3A_242 = arith.constant 4 : i32
    %dma_start3A_243 = arith.constant 0 : i32
    %dma_start3A_244 = tpu.memref_slice %arg21[%dma_start3A_242, %dma_start3A_243] : memref<32x16xf32, #tpu.memory_space<vmem>> -> memref<1x16xf32, #tpu.memory_space<vmem>>
    %dma_start3A_245 = arith.constant 0 : i32
    %dma_start3A_246 = tpu.memref_slice %arg6[%squeeze3A_224, %dma_start3A_245] : memref<1000000x16xf32, #tpu.memory_space<hbm>> -> memref<1x16xf32, #tpu.memory_space<hbm>>
    tpu.enqueue_dma source(%dma_start3A_246 : memref<1x16xf32, #tpu.memory_space<hbm>>) target(%dma_start3A_244 : memref<1x16xf32, #tpu.memory_space<vmem>>) target_semaphore(%arg28 : memref<!tpu.dma_semaphore, #tpu.memory_space<semaphore_mem>>)
    %dma_start3A_247 = arith.constant 4 : i32
    %dma_start3A_248 = arith.constant 0 : i32
    %dma_start3A_249 = tpu.memref_slice %arg22[%dma_start3A_247, %dma_start3A_248] : memref<32x16xf32, #tpu.memory_space<vmem>> -> memref<1x16xf32, #tpu.memory_space<vmem>>
    %dma_start3A_250 = arith.constant 0 : i32
    %dma_start3A_251 = tpu.memref_slice %arg6[%squeeze3A_226, %dma_start3A_250] : memref<1000000x16xf32, #tpu.memory_space<hbm>> -> memref<1x16xf32, #tpu.memory_space<hbm>>
    %dma_start3A_252 = arith.constant 4 : i32
    %dma_start3A_253 = arith.constant 0 : i32
    %dma_start3A_254 = tpu.memref_slice %arg22[%dma_start3A_252, %dma_start3A_253] : memref<32x16xf32, #tpu.memory_space<vmem>> -> memref<1x16xf32, #tpu.memory_space<vmem>>
    %dma_start3A_255 = arith.constant 0 : i32
    %dma_start3A_256 = tpu.memref_slice %arg6[%squeeze3A_226, %dma_start3A_255] : memref<1000000x16xf32, #tpu.memory_space<hbm>> -> memref<1x16xf32, #tpu.memory_space<hbm>>
    tpu.enqueue_dma source(%dma_start3A_256 : memref<1x16xf32, #tpu.memory_space<hbm>>) target(%dma_start3A_254 : memref<1x16xf32, #tpu.memory_space<vmem>>) target_semaphore(%arg28 : memref<!tpu.dma_semaphore, #tpu.memory_space<semaphore_mem>>)
    %dma_start3A_257 = arith.constant 4 : i32
    %dma_start3A_258 = arith.constant 0 : i32
    %dma_start3A_259 = tpu.memref_slice %arg23[%dma_start3A_257, %dma_start3A_258] : memref<32x16xf32, #tpu.memory_space<vmem>> -> memref<1x16xf32, #tpu.memory_space<vmem>>
    %dma_start3A_260 = arith.constant 0 : i32
    %dma_start3A_261 = tpu.memref_slice %arg7[%squeeze3A_222, %dma_start3A_260] : memref<1000000x16xf32, #tpu.memory_space<hbm>> -> memref<1x16xf32, #tpu.memory_space<hbm>>
    %dma_start3A_262 = arith.constant 4 : i32
    %dma_start3A_263 = arith.constant 0 : i32
    %dma_start3A_264 = tpu.memref_slice %arg23[%dma_start3A_262, %dma_start3A_263] : memref<32x16xf32, #tpu.memory_space<vmem>> -> memref<1x16xf32, #tpu.memory_space<vmem>>
    %dma_start3A_265 = arith.constant 0 : i32
    %dma_start3A_266 = tpu.memref_slice %arg7[%squeeze3A_222, %dma_start3A_265] : memref<1000000x16xf32, #tpu.memory_space<hbm>> -> memref<1x16xf32, #tpu.memory_space<hbm>>
    tpu.enqueue_dma source(%dma_start3A_266 : memref<1x16xf32, #tpu.memory_space<hbm>>) target(%dma_start3A_264 : memref<1x16xf32, #tpu.memory_space<vmem>>) target_semaphore(%arg28 : memref<!tpu.dma_semaphore, #tpu.memory_space<semaphore_mem>>)
    %slice3A_267 = vector.extract_strided_slice %get3A_34 {offsets = [5], sizes = [1], strides = [1]} : vector<16xi32> to vector<1xi32>
    %squeeze3A_268 = vector.extract %slice3A_267[0] : i32 from vector<1xi32>
    %slice3A_269 = vector.extract_strided_slice %get3A_36 {offsets = [5], sizes = [1], strides = [1]} : vector<16xi32> to vector<1xi32>
    %squeeze3A_270 = vector.extract %slice3A_269[0] : i32 from vector<1xi32>
    %slice3A_271 = vector.extract_strided_slice %get3A_38 {offsets = [5], sizes = [1], strides = [1]} : vector<16xi32> to vector<1xi32>
    %squeeze3A_272 = vector.extract %slice3A_271[0] : i32 from vector<1xi32>
    %dma_start3A_273 = arith.constant 5 : i32
    %dma_start3A_274 = arith.constant 0 : i32
    %dma_start3A_275 = tpu.memref_slice %arg20[%dma_start3A_273, %dma_start3A_274] : memref<32x16xf32, #tpu.memory_space<vmem>> -> memref<1x16xf32, #tpu.memory_space<vmem>>
    %dma_start3A_276 = arith.constant 0 : i32
    %dma_start3A_277 = tpu.memref_slice %arg5[%squeeze3A_268, %dma_start3A_276] : memref<1000000x16xf32, #tpu.memory_space<hbm>> -> memref<1x16xf32, #tpu.memory_space<hbm>>
    %dma_start3A_278 = arith.constant 5 : i32
    %dma_start3A_279 = arith.constant 0 : i32
    %dma_start3A_280 = tpu.memref_slice %arg20[%dma_start3A_278, %dma_start3A_279] : memref<32x16xf32, #tpu.memory_space<vmem>> -> memref<1x16xf32, #tpu.memory_space<vmem>>
    %dma_start3A_281 = arith.constant 0 : i32
    %dma_start3A_282 = tpu.memref_slice %arg5[%squeeze3A_268, %dma_start3A_281] : memref<1000000x16xf32, #tpu.memory_space<hbm>> -> memref<1x16xf32, #tpu.memory_space<hbm>>
    tpu.enqueue_dma source(%dma_start3A_282 : memref<1x16xf32, #tpu.memory_space<hbm>>) target(%dma_start3A_280 : memref<1x16xf32, #tpu.memory_space<vmem>>) target_semaphore(%arg28 : memref<!tpu.dma_semaphore, #tpu.memory_space<semaphore_mem>>)
    %dma_start3A_283 = arith.constant 5 : i32
    %dma_start3A_284 = arith.constant 0 : i32
    %dma_start3A_285 = tpu.memref_slice %arg21[%dma_start3A_283, %dma_start3A_284] : memref<32x16xf32, #tpu.memory_space<vmem>> -> memref<1x16xf32, #tpu.memory_space<vmem>>
    %dma_start3A_286 = arith.constant 0 : i32
    %dma_start3A_287 = tpu.memref_slice %arg6[%squeeze3A_270, %dma_start3A_286] : memref<1000000x16xf32, #tpu.memory_space<hbm>> -> memref<1x16xf32, #tpu.memory_space<hbm>>
    %dma_start3A_288 = arith.constant 5 : i32
    %dma_start3A_289 = arith.constant 0 : i32
    %dma_start3A_290 = tpu.memref_slice %arg21[%dma_start3A_288, %dma_start3A_289] : memref<32x16xf32, #tpu.memory_space<vmem>> -> memref<1x16xf32, #tpu.memory_space<vmem>>
    %dma_start3A_291 = arith.constant 0 : i32
    %dma_start3A_292 = tpu.memref_slice %arg6[%squeeze3A_270, %dma_start3A_291] : memref<1000000x16xf32, #tpu.memory_space<hbm>> -> memref<1x16xf32, #tpu.memory_space<hbm>>
    tpu.enqueue_dma source(%dma_start3A_292 : memref<1x16xf32, #tpu.memory_space<hbm>>) target(%dma_start3A_290 : memref<1x16xf32, #tpu.memory_space<vmem>>) target_semaphore(%arg28 : memref<!tpu.dma_semaphore, #tpu.memory_space<semaphore_mem>>)
    %dma_start3A_293 = arith.constant 5 : i32
    %dma_start3A_294 = arith.constant 0 : i32
    %dma_start3A_295 = tpu.memref_slice %arg22[%dma_start3A_293, %dma_start3A_294] : memref<32x16xf32, #tpu.memory_space<vmem>> -> memref<1x16xf32, #tpu.memory_space<vmem>>
    %dma_start3A_296 = arith.constant 0 : i32
    %dma_start3A_297 = tpu.memref_slice %arg6[%squeeze3A_272, %dma_start3A_296] : memref<1000000x16xf32, #tpu.memory_space<hbm>> -> memref<1x16xf32, #tpu.memory_space<hbm>>
    %dma_start3A_298 = arith.constant 5 : i32
    %dma_start3A_299 = arith.constant 0 : i32
    %dma_start3A_300 = tpu.memref_slice %arg22[%dma_start3A_298, %dma_start3A_299] : memref<32x16xf32, #tpu.memory_space<vmem>> -> memref<1x16xf32, #tpu.memory_space<vmem>>
    %dma_start3A_301 = arith.constant 0 : i32
    %dma_start3A_302 = tpu.memref_slice %arg6[%squeeze3A_272, %dma_start3A_301] : memref<1000000x16xf32, #tpu.memory_space<hbm>> -> memref<1x16xf32, #tpu.memory_space<hbm>>
    tpu.enqueue_dma source(%dma_start3A_302 : memref<1x16xf32, #tpu.memory_space<hbm>>) target(%dma_start3A_300 : memref<1x16xf32, #tpu.memory_space<vmem>>) target_semaphore(%arg28 : memref<!tpu.dma_semaphore, #tpu.memory_space<semaphore_mem>>)
    %dma_start3A_303 = arith.constant 5 : i32
    %dma_start3A_304 = arith.constant 0 : i32
    %dma_start3A_305 = tpu.memref_slice %arg23[%dma_start3A_303, %dma_start3A_304] : memref<32x16xf32, #tpu.memory_space<vmem>> -> memref<1x16xf32, #tpu.memory_space<vmem>>
    %dma_start3A_306 = arith.constant 0 : i32
    %dma_start3A_307 = tpu.memref_slice %arg7[%squeeze3A_268, %dma_start3A_306] : memref<1000000x16xf32, #tpu.memory_space<hbm>> -> memref<1x16xf32, #tpu.memory_space<hbm>>
    %dma_start3A_308 = arith.constant 5 : i32
    %dma_start3A_309 = arith.constant 0 : i32
    %dma_start3A_310 = tpu.memref_slice %arg23[%dma_start3A_308, %dma_start3A_309] : memref<32x16xf32, #tpu.memory_space<vmem>> -> memref<1x16xf32, #tpu.memory_space<vmem>>
    %dma_start3A_311 = arith.constant 0 : i32
    %dma_start3A_312 = tpu.memref_slice %arg7[%squeeze3A_268, %dma_start3A_311] : memref<1000000x16xf32, #tpu.memory_space<hbm>> -> memref<1x16xf32, #tpu.memory_space<hbm>>
    tpu.enqueue_dma source(%dma_start3A_312 : memref<1x16xf32, #tpu.memory_space<hbm>>) target(%dma_start3A_310 : memref<1x16xf32, #tpu.memory_space<vmem>>) target_semaphore(%arg28 : memref<!tpu.dma_semaphore, #tpu.memory_space<semaphore_mem>>)
    %slice3A_313 = vector.extract_strided_slice %get3A_34 {offsets = [6], sizes = [1], strides = [1]} : vector<16xi32> to vector<1xi32>
    %squeeze3A_314 = vector.extract %slice3A_313[0] : i32 from vector<1xi32>
    %slice3A_315 = vector.extract_strided_slice %get3A_36 {offsets = [6], sizes = [1], strides = [1]} : vector<16xi32> to vector<1xi32>
    %squeeze3A_316 = vector.extract %slice3A_315[0] : i32 from vector<1xi32>
    %slice3A_317 = vector.extract_strided_slice %get3A_38 {offsets = [6], sizes = [1], strides = [1]} : vector<16xi32> to vector<1xi32>
    %squeeze3A_318 = vector.extract %slice3A_317[0] : i32 from vector<1xi32>
    %dma_start3A_319 = arith.constant 6 : i32
    %dma_start3A_320 = arith.constant 0 : i32
    %dma_start3A_321 = tpu.memref_slice %arg20[%dma_start3A_319, %dma_start3A_320] : memref<32x16xf32, #tpu.memory_space<vmem>> -> memref<1x16xf32, #tpu.memory_space<vmem>>
    %dma_start3A_322 = arith.constant 0 : i32
    %dma_start3A_323 = tpu.memref_slice %arg5[%squeeze3A_314, %dma_start3A_322] : memref<1000000x16xf32, #tpu.memory_space<hbm>> -> memref<1x16xf32, #tpu.memory_space<hbm>>
    %dma_start3A_324 = arith.constant 6 : i32
    %dma_start3A_325 = arith.constant 0 : i32
    %dma_start3A_326 = tpu.memref_slice %arg20[%dma_start3A_324, %dma_start3A_325] : memref<32x16xf32, #tpu.memory_space<vmem>> -> memref<1x16xf32, #tpu.memory_space<vmem>>
    %dma_start3A_327 = arith.constant 0 : i32
    %dma_start3A_328 = tpu.memref_slice %arg5[%squeeze3A_314, %dma_start3A_327] : memref<1000000x16xf32, #tpu.memory_space<hbm>> -> memref<1x16xf32, #tpu.memory_space<hbm>>
    tpu.enqueue_dma source(%dma_start3A_328 : memref<1x16xf32, #tpu.memory_space<hbm>>) target(%dma_start3A_326 : memref<1x16xf32, #tpu.memory_space<vmem>>) target_semaphore(%arg28 : memref<!tpu.dma_semaphore, #tpu.memory_space<semaphore_mem>>)
    %dma_start3A_329 = arith.constant 6 : i32
    %dma_start3A_330 = arith.constant 0 : i32
    %dma_start3A_331 = tpu.memref_slice %arg21[%dma_start3A_329, %dma_start3A_330] : memref<32x16xf32, #tpu.memory_space<vmem>> -> memref<1x16xf32, #tpu.memory_space<vmem>>
    %dma_start3A_332 = arith.constant 0 : i32
    %dma_start3A_333 = tpu.memref_slice %arg6[%squeeze3A_316, %dma_start3A_332] : memref<1000000x16xf32, #tpu.memory_space<hbm>> -> memref<1x16xf32, #tpu.memory_space<hbm>>
    %dma_start3A_334 = arith.constant 6 : i32
    %dma_start3A_335 = arith.constant 0 : i32
    %dma_start3A_336 = tpu.memref_slice %arg21[%dma_start3A_334, %dma_start3A_335] : memref<32x16xf32, #tpu.memory_space<vmem>> -> memref<1x16xf32, #tpu.memory_space<vmem>>
    %dma_start3A_337 = arith.constant 0 : i32
    %dma_start3A_338 = tpu.memref_slice %arg6[%squeeze3A_316, %dma_start3A_337] : memref<1000000x16xf32, #tpu.memory_space<hbm>> -> memref<1x16xf32, #tpu.memory_space<hbm>>
    tpu.enqueue_dma source(%dma_start3A_338 : memref<1x16xf32, #tpu.memory_space<hbm>>) target(%dma_start3A_336 : memref<1x16xf32, #tpu.memory_space<vmem>>) target_semaphore(%arg28 : memref<!tpu.dma_semaphore, #tpu.memory_space<semaphore_mem>>)
    %dma_start3A_339 = arith.constant 6 : i32
    %dma_start3A_340 = arith.constant 0 : i32
    %dma_start3A_341 = tpu.memref_slice %arg22[%dma_start3A_339, %dma_start3A_340] : memref<32x16xf32, #tpu.memory_space<vmem>> -> memref<1x16xf32, #tpu.memory_space<vmem>>
    %dma_start3A_342 = arith.constant 0 : i32
    %dma_start3A_343 = tpu.memref_slice %arg6[%squeeze3A_318, %dma_start3A_342] : memref<1000000x16xf32, #tpu.memory_space<hbm>> -> memref<1x16xf32, #tpu.memory_space<hbm>>
    %dma_start3A_344 = arith.constant 6 : i32
    %dma_start3A_345 = arith.constant 0 : i32
    %dma_start3A_346 = tpu.memref_slice %arg22[%dma_start3A_344, %dma_start3A_345] : memref<32x16xf32, #tpu.memory_space<vmem>> -> memref<1x16xf32, #tpu.memory_space<vmem>>
    %dma_start3A_347 = arith.constant 0 : i32
    %dma_start3A_348 = tpu.memref_slice %arg6[%squeeze3A_318, %dma_start3A_347] : memref<1000000x16xf32, #tpu.memory_space<hbm>> -> memref<1x16xf32, #tpu.memory_space<hbm>>
    tpu.enqueue_dma source(%dma_start3A_348 : memref<1x16xf32, #tpu.memory_space<hbm>>) target(%dma_start3A_346 : memref<1x16xf32, #tpu.memory_space<vmem>>) target_semaphore(%arg28 : memref<!tpu.dma_semaphore, #tpu.memory_space<semaphore_mem>>)
    %dma_start3A_349 = arith.constant 6 : i32
    %dma_start3A_350 = arith.constant 0 : i32
    %dma_start3A_351 = tpu.memref_slice %arg23[%dma_start3A_349, %dma_start3A_350] : memref<32x16xf32, #tpu.memory_space<vmem>> -> memref<1x16xf32, #tpu.memory_space<vmem>>
    %dma_start3A_352 = arith.constant 0 : i32
    %dma_start3A_353 = tpu.memref_slice %arg7[%squeeze3A_314, %dma_start3A_352] : memref<1000000x16xf32, #tpu.memory_space<hbm>> -> memref<1x16xf32, #tpu.memory_space<hbm>>
    %dma_start3A_354 = arith.constant 6 : i32
    %dma_start3A_355 = arith.constant 0 : i32
    %dma_start3A_356 = tpu.memref_slice %arg23[%dma_start3A_354, %dma_start3A_355] : memref<32x16xf32, #tpu.memory_space<vmem>> -> memref<1x16xf32, #tpu.memory_space<vmem>>
    %dma_start3A_357 = arith.constant 0 : i32
    %dma_start3A_358 = tpu.memref_slice %arg7[%squeeze3A_314, %dma_start3A_357] : memref<1000000x16xf32, #tpu.memory_space<hbm>> -> memref<1x16xf32, #tpu.memory_space<hbm>>
    tpu.enqueue_dma source(%dma_start3A_358 : memref<1x16xf32, #tpu.memory_space<hbm>>) target(%dma_start3A_356 : memref<1x16xf32, #tpu.memory_space<vmem>>) target_semaphore(%arg28 : memref<!tpu.dma_semaphore, #tpu.memory_space<semaphore_mem>>)
    %slice3A_359 = vector.extract_strided_slice %get3A_34 {offsets = [7], sizes = [1], strides = [1]} : vector<16xi32> to vector<1xi32>
    %squeeze3A_360 = vector.extract %slice3A_359[0] : i32 from vector<1xi32>
    %slice3A_361 = vector.extract_strided_slice %get3A_36 {offsets = [7], sizes = [1], strides = [1]} : vector<16xi32> to vector<1xi32>
    %squeeze3A_362 = vector.extract %slice3A_361[0] : i32 from vector<1xi32>
    %slice3A_363 = vector.extract_strided_slice %get3A_38 {offsets = [7], sizes = [1], strides = [1]} : vector<16xi32> to vector<1xi32>
    %squeeze3A_364 = vector.extract %slice3A_363[0] : i32 from vector<1xi32>
    %dma_start3A_365 = arith.constant 7 : i32
    %dma_start3A_366 = arith.constant 0 : i32
    %dma_start3A_367 = tpu.memref_slice %arg20[%dma_start3A_365, %dma_start3A_366] : memref<32x16xf32, #tpu.memory_space<vmem>> -> memref<1x16xf32, #tpu.memory_space<vmem>>
    %dma_start3A_368 = arith.constant 0 : i32
    %dma_start3A_369 = tpu.memref_slice %arg5[%squeeze3A_360, %dma_start3A_368] : memref<1000000x16xf32, #tpu.memory_space<hbm>> -> memref<1x16xf32, #tpu.memory_space<hbm>>
    %dma_start3A_370 = arith.constant 7 : i32
    %dma_start3A_371 = arith.constant 0 : i32
    %dma_start3A_372 = tpu.memref_slice %arg20[%dma_start3A_370, %dma_start3A_371] : memref<32x16xf32, #tpu.memory_space<vmem>> -> memref<1x16xf32, #tpu.memory_space<vmem>>
    %dma_start3A_373 = arith.constant 0 : i32
    %dma_start3A_374 = tpu.memref_slice %arg5[%squeeze3A_360, %dma_start3A_373] : memref<1000000x16xf32, #tpu.memory_space<hbm>> -> memref<1x16xf32, #tpu.memory_space<hbm>>
    tpu.enqueue_dma source(%dma_start3A_374 : memref<1x16xf32, #tpu.memory_space<hbm>>) target(%dma_start3A_372 : memref<1x16xf32, #tpu.memory_space<vmem>>) target_semaphore(%arg28 : memref<!tpu.dma_semaphore, #tpu.memory_space<semaphore_mem>>)
    %dma_start3A_375 = arith.constant 7 : i32
    %dma_start3A_376 = arith.constant 0 : i32
    %dma_start3A_377 = tpu.memref_slice %arg21[%dma_start3A_375, %dma_start3A_376] : memref<32x16xf32, #tpu.memory_space<vmem>> -> memref<1x16xf32, #tpu.memory_space<vmem>>
    %dma_start3A_378 = arith.constant 0 : i32
    %dma_start3A_379 = tpu.memref_slice %arg6[%squeeze3A_362, %dma_start3A_378] : memref<1000000x16xf32, #tpu.memory_space<hbm>> -> memref<1x16xf32, #tpu.memory_space<hbm>>
    %dma_start3A_380 = arith.constant 7 : i32
    %dma_start3A_381 = arith.constant 0 : i32
    %dma_start3A_382 = tpu.memref_slice %arg21[%dma_start3A_380, %dma_start3A_381] : memref<32x16xf32, #tpu.memory_space<vmem>> -> memref<1x16xf32, #tpu.memory_space<vmem>>
    %dma_start3A_383 = arith.constant 0 : i32
    %dma_start3A_384 = tpu.memref_slice %arg6[%squeeze3A_362, %dma_start3A_383] : memref<1000000x16xf32, #tpu.memory_space<hbm>> -> memref<1x16xf32, #tpu.memory_space<hbm>>
    tpu.enqueue_dma source(%dma_start3A_384 : memref<1x16xf32, #tpu.memory_space<hbm>>) target(%dma_start3A_382 : memref<1x16xf32, #tpu.memory_space<vmem>>) target_semaphore(%arg28 : memref<!tpu.dma_semaphore, #tpu.memory_space<semaphore_mem>>)
    %dma_start3A_385 = arith.constant 7 : i32
    %dma_start3A_386 = arith.constant 0 : i32
    %dma_start3A_387 = tpu.memref_slice %arg22[%dma_start3A_385, %dma_start3A_386] : memref<32x16xf32, #tpu.memory_space<vmem>> -> memref<1x16xf32, #tpu.memory_space<vmem>>
    %dma_start3A_388 = arith.constant 0 : i32
    %dma_start3A_389 = tpu.memref_slice %arg6[%squeeze3A_364, %dma_start3A_388] : memref<1000000x16xf32, #tpu.memory_space<hbm>> -> memref<1x16xf32, #tpu.memory_space<hbm>>
    %dma_start3A_390 = arith.constant 7 : i32
    %dma_start3A_391 = arith.constant 0 : i32
    %dma_start3A_392 = tpu.memref_slice %arg22[%dma_start3A_390, %dma_start3A_391] : memref<32x16xf32, #tpu.memory_space<vmem>> -> memref<1x16xf32, #tpu.memory_space<vmem>>
    %dma_start3A_393 = arith.constant 0 : i32
    %dma_start3A_394 = tpu.memref_slice %arg6[%squeeze3A_364, %dma_start3A_393] : memref<1000000x16xf32, #tpu.memory_space<hbm>> -> memref<1x16xf32, #tpu.memory_space<hbm>>
    tpu.enqueue_dma source(%dma_start3A_394 : memref<1x16xf32, #tpu.memory_space<hbm>>) target(%dma_start3A_392 : memref<1x16xf32, #tpu.memory_space<vmem>>) target_semaphore(%arg28 : memref<!tpu.dma_semaphore, #tpu.memory_space<semaphore_mem>>)
    %dma_start3A_395 = arith.constant 7 : i32
    %dma_start3A_396 = arith.constant 0 : i32
    %dma_start3A_397 = tpu.memref_slice %arg23[%dma_start3A_395, %dma_start3A_396] : memref<32x16xf32, #tpu.memory_space<vmem>> -> memref<1x16xf32, #tpu.memory_space<vmem>>
    %dma_start3A_398 = arith.constant 0 : i32
    %dma_start3A_399 = tpu.memref_slice %arg7[%squeeze3A_360, %dma_start3A_398] : memref<1000000x16xf32, #tpu.memory_space<hbm>> -> memref<1x16xf32, #tpu.memory_space<hbm>>
    %dma_start3A_400 = arith.constant 7 : i32
    %dma_start3A_401 = arith.constant 0 : i32
    %dma_start3A_402 = tpu.memref_slice %arg23[%dma_start3A_400, %dma_start3A_401] : memref<32x16xf32, #tpu.memory_space<vmem>> -> memref<1x16xf32, #tpu.memory_space<vmem>>
    %dma_start3A_403 = arith.constant 0 : i32
    %dma_start3A_404 = tpu.memref_slice %arg7[%squeeze3A_360, %dma_start3A_403] : memref<1000000x16xf32, #tpu.memory_space<hbm>> -> memref<1x16xf32, #tpu.memory_space<hbm>>
    tpu.enqueue_dma source(%dma_start3A_404 : memref<1x16xf32, #tpu.memory_space<hbm>>) target(%dma_start3A_402 : memref<1x16xf32, #tpu.memory_space<vmem>>) target_semaphore(%arg28 : memref<!tpu.dma_semaphore, #tpu.memory_space<semaphore_mem>>)
    %slice3A_405 = vector.extract_strided_slice %get3A_34 {offsets = [8], sizes = [1], strides = [1]} : vector<16xi32> to vector<1xi32>
    %squeeze3A_406 = vector.extract %slice3A_405[0] : i32 from vector<1xi32>
    %slice3A_407 = vector.extract_strided_slice %get3A_36 {offsets = [8], sizes = [1], strides = [1]} : vector<16xi32> to vector<1xi32>
    %squeeze3A_408 = vector.extract %slice3A_407[0] : i32 from vector<1xi32>
    %slice3A_409 = vector.extract_strided_slice %get3A_38 {offsets = [8], sizes = [1], strides = [1]} : vector<16xi32> to vector<1xi32>
    %squeeze3A_410 = vector.extract %slice3A_409[0] : i32 from vector<1xi32>
    %dma_start3A_411 = arith.constant 8 : i32
    %dma_start3A_412 = arith.constant 0 : i32
    %dma_start3A_413 = tpu.memref_slice %arg20[%dma_start3A_411, %dma_start3A_412] : memref<32x16xf32, #tpu.memory_space<vmem>> -> memref<1x16xf32, #tpu.memory_space<vmem>>
    %dma_start3A_414 = arith.constant 0 : i32
    %dma_start3A_415 = tpu.memref_slice %arg5[%squeeze3A_406, %dma_start3A_414] : memref<1000000x16xf32, #tpu.memory_space<hbm>> -> memref<1x16xf32, #tpu.memory_space<hbm>>
    %dma_start3A_416 = arith.constant 8 : i32
    %dma_start3A_417 = arith.constant 0 : i32
    %dma_start3A_418 = tpu.memref_slice %arg20[%dma_start3A_416, %dma_start3A_417] : memref<32x16xf32, #tpu.memory_space<vmem>> -> memref<1x16xf32, #tpu.memory_space<vmem>>
    %dma_start3A_419 = arith.constant 0 : i32
    %dma_start3A_420 = tpu.memref_slice %arg5[%squeeze3A_406, %dma_start3A_419] : memref<1000000x16xf32, #tpu.memory_space<hbm>> -> memref<1x16xf32, #tpu.memory_space<hbm>>
    tpu.enqueue_dma source(%dma_start3A_420 : memref<1x16xf32, #tpu.memory_space<hbm>>) target(%dma_start3A_418 : memref<1x16xf32, #tpu.memory_space<vmem>>) target_semaphore(%arg28 : memref<!tpu.dma_semaphore, #tpu.memory_space<semaphore_mem>>)
    %dma_start3A_421 = arith.constant 8 : i32
    %dma_start3A_422 = arith.constant 0 : i32
    %dma_start3A_423 = tpu.memref_slice %arg21[%dma_start3A_421, %dma_start3A_422] : memref<32x16xf32, #tpu.memory_space<vmem>> -> memref<1x16xf32, #tpu.memory_space<vmem>>
    %dma_start3A_424 = arith.constant 0 : i32
    %dma_start3A_425 = tpu.memref_slice %arg6[%squeeze3A_408, %dma_start3A_424] : memref<1000000x16xf32, #tpu.memory_space<hbm>> -> memref<1x16xf32, #tpu.memory_space<hbm>>
    %dma_start3A_426 = arith.constant 8 : i32
    %dma_start3A_427 = arith.constant 0 : i32
    %dma_start3A_428 = tpu.memref_slice %arg21[%dma_start3A_426, %dma_start3A_427] : memref<32x16xf32, #tpu.memory_space<vmem>> -> memref<1x16xf32, #tpu.memory_space<vmem>>
    %dma_start3A_429 = arith.constant 0 : i32
    %dma_start3A_430 = tpu.memref_slice %arg6[%squeeze3A_408, %dma_start3A_429] : memref<1000000x16xf32, #tpu.memory_space<hbm>> -> memref<1x16xf32, #tpu.memory_space<hbm>>
    tpu.enqueue_dma source(%dma_start3A_430 : memref<1x16xf32, #tpu.memory_space<hbm>>) target(%dma_start3A_428 : memref<1x16xf32, #tpu.memory_space<vmem>>) target_semaphore(%arg28 : memref<!tpu.dma_semaphore, #tpu.memory_space<semaphore_mem>>)
    %dma_start3A_431 = arith.constant 8 : i32
    %dma_start3A_432 = arith.constant 0 : i32
    %dma_start3A_433 = tpu.memref_slice %arg22[%dma_start3A_431, %dma_start3A_432] : memref<32x16xf32, #tpu.memory_space<vmem>> -> memref<1x16xf32, #tpu.memory_space<vmem>>
    %dma_start3A_434 = arith.constant 0 : i32
    %dma_start3A_435 = tpu.memref_slice %arg6[%squeeze3A_410, %dma_start3A_434] : memref<1000000x16xf32, #tpu.memory_space<hbm>> -> memref<1x16xf32, #tpu.memory_space<hbm>>
    %dma_start3A_436 = arith.constant 8 : i32
    %dma_start3A_437 = arith.constant 0 : i32
    %dma_start3A_438 = tpu.memref_slice %arg22[%dma_start3A_436, %dma_start3A_437] : memref<32x16xf32, #tpu.memory_space<vmem>> -> memref<1x16xf32, #tpu.memory_space<vmem>>
    %dma_start3A_439 = arith.constant 0 : i32
    %dma_start3A_440 = tpu.memref_slice %arg6[%squeeze3A_410, %dma_start3A_439] : memref<1000000x16xf32, #tpu.memory_space<hbm>> -> memref<1x16xf32, #tpu.memory_space<hbm>>
    tpu.enqueue_dma source(%dma_start3A_440 : memref<1x16xf32, #tpu.memory_space<hbm>>) target(%dma_start3A_438 : memref<1x16xf32, #tpu.memory_space<vmem>>) target_semaphore(%arg28 : memref<!tpu.dma_semaphore, #tpu.memory_space<semaphore_mem>>)
    %dma_start3A_441 = arith.constant 8 : i32
    %dma_start3A_442 = arith.constant 0 : i32
    %dma_start3A_443 = tpu.memref_slice %arg23[%dma_start3A_441, %dma_start3A_442] : memref<32x16xf32, #tpu.memory_space<vmem>> -> memref<1x16xf32, #tpu.memory_space<vmem>>
    %dma_start3A_444 = arith.constant 0 : i32
    %dma_start3A_445 = tpu.memref_slice %arg7[%squeeze3A_406, %dma_start3A_444] : memref<1000000x16xf32, #tpu.memory_space<hbm>> -> memref<1x16xf32, #tpu.memory_space<hbm>>
    %dma_start3A_446 = arith.constant 8 : i32
    %dma_start3A_447 = arith.constant 0 : i32
    %dma_start3A_448 = tpu.memref_slice %arg23[%dma_start3A_446, %dma_start3A_447] : memref<32x16xf32, #tpu.memory_space<vmem>> -> memref<1x16xf32, #tpu.memory_space<vmem>>
    %dma_start3A_449 = arith.constant 0 : i32
    %dma_start3A_450 = tpu.memref_slice %arg7[%squeeze3A_406, %dma_start3A_449] : memref<1000000x16xf32, #tpu.memory_space<hbm>> -> memref<1x16xf32, #tpu.memory_space<hbm>>
    tpu.enqueue_dma source(%dma_start3A_450 : memref<1x16xf32, #tpu.memory_space<hbm>>) target(%dma_start3A_448 : memref<1x16xf32, #tpu.memory_space<vmem>>) target_semaphore(%arg28 : memref<!tpu.dma_semaphore, #tpu.memory_space<semaphore_mem>>)
    %slice3A_451 = vector.extract_strided_slice %get3A_34 {offsets = [9], sizes = [1], strides = [1]} : vector<16xi32> to vector<1xi32>
    %squeeze3A_452 = vector.extract %slice3A_451[0] : i32 from vector<1xi32>
    %slice3A_453 = vector.extract_strided_slice %get3A_36 {offsets = [9], sizes = [1], strides = [1]} : vector<16xi32> to vector<1xi32>
    %squeeze3A_454 = vector.extract %slice3A_453[0] : i32 from vector<1xi32>
    %slice3A_455 = vector.extract_strided_slice %get3A_38 {offsets = [9], sizes = [1], strides = [1]} : vector<16xi32> to vector<1xi32>
    %squeeze3A_456 = vector.extract %slice3A_455[0] : i32 from vector<1xi32>
    %dma_start3A_457 = arith.constant 9 : i32
    %dma_start3A_458 = arith.constant 0 : i32
    %dma_start3A_459 = tpu.memref_slice %arg20[%dma_start3A_457, %dma_start3A_458] : memref<32x16xf32, #tpu.memory_space<vmem>> -> memref<1x16xf32, #tpu.memory_space<vmem>>
    %dma_start3A_460 = arith.constant 0 : i32
    %dma_start3A_461 = tpu.memref_slice %arg5[%squeeze3A_452, %dma_start3A_460] : memref<1000000x16xf32, #tpu.memory_space<hbm>> -> memref<1x16xf32, #tpu.memory_space<hbm>>
    %dma_start3A_462 = arith.constant 9 : i32
    %dma_start3A_463 = arith.constant 0 : i32
    %dma_start3A_464 = tpu.memref_slice %arg20[%dma_start3A_462, %dma_start3A_463] : memref<32x16xf32, #tpu.memory_space<vmem>> -> memref<1x16xf32, #tpu.memory_space<vmem>>
    %dma_start3A_465 = arith.constant 0 : i32
    %dma_start3A_466 = tpu.memref_slice %arg5[%squeeze3A_452, %dma_start3A_465] : memref<1000000x16xf32, #tpu.memory_space<hbm>> -> memref<1x16xf32, #tpu.memory_space<hbm>>
    tpu.enqueue_dma source(%dma_start3A_466 : memref<1x16xf32, #tpu.memory_space<hbm>>) target(%dma_start3A_464 : memref<1x16xf32, #tpu.memory_space<vmem>>) target_semaphore(%arg28 : memref<!tpu.dma_semaphore, #tpu.memory_space<semaphore_mem>>)
    %dma_start3A_467 = arith.constant 9 : i32
    %dma_start3A_468 = arith.constant 0 : i32
    %dma_start3A_469 = tpu.memref_slice %arg21[%dma_start3A_467, %dma_start3A_468] : memref<32x16xf32, #tpu.memory_space<vmem>> -> memref<1x16xf32, #tpu.memory_space<vmem>>
    %dma_start3A_470 = arith.constant 0 : i32
    %dma_start3A_471 = tpu.memref_slice %arg6[%squeeze3A_454, %dma_start3A_470] : memref<1000000x16xf32, #tpu.memory_space<hbm>> -> memref<1x16xf32, #tpu.memory_space<hbm>>
    %dma_start3A_472 = arith.constant 9 : i32
    %dma_start3A_473 = arith.constant 0 : i32
    %dma_start3A_474 = tpu.memref_slice %arg21[%dma_start3A_472, %dma_start3A_473] : memref<32x16xf32, #tpu.memory_space<vmem>> -> memref<1x16xf32, #tpu.memory_space<vmem>>
    %dma_start3A_475 = arith.constant 0 : i32
    %dma_start3A_476 = tpu.memref_slice %arg6[%squeeze3A_454, %dma_start3A_475] : memref<1000000x16xf32, #tpu.memory_space<hbm>> -> memref<1x16xf32, #tpu.memory_space<hbm>>
    tpu.enqueue_dma source(%dma_start3A_476 : memref<1x16xf32, #tpu.memory_space<hbm>>) target(%dma_start3A_474 : memref<1x16xf32, #tpu.memory_space<vmem>>) target_semaphore(%arg28 : memref<!tpu.dma_semaphore, #tpu.memory_space<semaphore_mem>>)
    %dma_start3A_477 = arith.constant 9 : i32
    %dma_start3A_478 = arith.constant 0 : i32
    %dma_start3A_479 = tpu.memref_slice %arg22[%dma_start3A_477, %dma_start3A_478] : memref<32x16xf32, #tpu.memory_space<vmem>> -> memref<1x16xf32, #tpu.memory_space<vmem>>
    %dma_start3A_480 = arith.constant 0 : i32
    %dma_start3A_481 = tpu.memref_slice %arg6[%squeeze3A_456, %dma_start3A_480] : memref<1000000x16xf32, #tpu.memory_space<hbm>> -> memref<1x16xf32, #tpu.memory_space<hbm>>
    %dma_start3A_482 = arith.constant 9 : i32
    %dma_start3A_483 = arith.constant 0 : i32
    %dma_start3A_484 = tpu.memref_slice %arg22[%dma_start3A_482, %dma_start3A_483] : memref<32x16xf32, #tpu.memory_space<vmem>> -> memref<1x16xf32, #tpu.memory_space<vmem>>
    %dma_start3A_485 = arith.constant 0 : i32
    %dma_start3A_486 = tpu.memref_slice %arg6[%squeeze3A_456, %dma_start3A_485] : memref<1000000x16xf32, #tpu.memory_space<hbm>> -> memref<1x16xf32, #tpu.memory_space<hbm>>
    tpu.enqueue_dma source(%dma_start3A_486 : memref<1x16xf32, #tpu.memory_space<hbm>>) target(%dma_start3A_484 : memref<1x16xf32, #tpu.memory_space<vmem>>) target_semaphore(%arg28 : memref<!tpu.dma_semaphore, #tpu.memory_space<semaphore_mem>>)
    %dma_start3A_487 = arith.constant 9 : i32
    %dma_start3A_488 = arith.constant 0 : i32
    %dma_start3A_489 = tpu.memref_slice %arg23[%dma_start3A_487, %dma_start3A_488] : memref<32x16xf32, #tpu.memory_space<vmem>> -> memref<1x16xf32, #tpu.memory_space<vmem>>
    %dma_start3A_490 = arith.constant 0 : i32
    %dma_start3A_491 = tpu.memref_slice %arg7[%squeeze3A_452, %dma_start3A_490] : memref<1000000x16xf32, #tpu.memory_space<hbm>> -> memref<1x16xf32, #tpu.memory_space<hbm>>
    %dma_start3A_492 = arith.constant 9 : i32
    %dma_start3A_493 = arith.constant 0 : i32
    %dma_start3A_494 = tpu.memref_slice %arg23[%dma_start3A_492, %dma_start3A_493] : memref<32x16xf32, #tpu.memory_space<vmem>> -> memref<1x16xf32, #tpu.memory_space<vmem>>
    %dma_start3A_495 = arith.constant 0 : i32
    %dma_start3A_496 = tpu.memref_slice %arg7[%squeeze3A_452, %dma_start3A_495] : memref<1000000x16xf32, #tpu.memory_space<hbm>> -> memref<1x16xf32, #tpu.memory_space<hbm>>
    tpu.enqueue_dma source(%dma_start3A_496 : memref<1x16xf32, #tpu.memory_space<hbm>>) target(%dma_start3A_494 : memref<1x16xf32, #tpu.memory_space<vmem>>) target_semaphore(%arg28 : memref<!tpu.dma_semaphore, #tpu.memory_space<semaphore_mem>>)
    %slice3A_497 = vector.extract_strided_slice %get3A_34 {offsets = [10], sizes = [1], strides = [1]} : vector<16xi32> to vector<1xi32>
    %squeeze3A_498 = vector.extract %slice3A_497[0] : i32 from vector<1xi32>
    %slice3A_499 = vector.extract_strided_slice %get3A_36 {offsets = [10], sizes = [1], strides = [1]} : vector<16xi32> to vector<1xi32>
    %squeeze3A_500 = vector.extract %slice3A_499[0] : i32 from vector<1xi32>
    %slice3A_501 = vector.extract_strided_slice %get3A_38 {offsets = [10], sizes = [1], strides = [1]} : vector<16xi32> to vector<1xi32>
    %squeeze3A_502 = vector.extract %slice3A_501[0] : i32 from vector<1xi32>
    %dma_start3A_503 = arith.constant 10 : i32
    %dma_start3A_504 = arith.constant 0 : i32
    %dma_start3A_505 = tpu.memref_slice %arg20[%dma_start3A_503, %dma_start3A_504] : memref<32x16xf32, #tpu.memory_space<vmem>> -> memref<1x16xf32, #tpu.memory_space<vmem>>
    %dma_start3A_506 = arith.constant 0 : i32
    %dma_start3A_507 = tpu.memref_slice %arg5[%squeeze3A_498, %dma_start3A_506] : memref<1000000x16xf32, #tpu.memory_space<hbm>> -> memref<1x16xf32, #tpu.memory_space<hbm>>
    %dma_start3A_508 = arith.constant 10 : i32
    %dma_start3A_509 = arith.constant 0 : i32
    %dma_start3A_510 = tpu.memref_slice %arg20[%dma_start3A_508, %dma_start3A_509] : memref<32x16xf32, #tpu.memory_space<vmem>> -> memref<1x16xf32, #tpu.memory_space<vmem>>
    %dma_start3A_511 = arith.constant 0 : i32
    %dma_start3A_512 = tpu.memref_slice %arg5[%squeeze3A_498, %dma_start3A_511] : memref<1000000x16xf32, #tpu.memory_space<hbm>> -> memref<1x16xf32, #tpu.memory_space<hbm>>
    tpu.enqueue_dma source(%dma_start3A_512 : memref<1x16xf32, #tpu.memory_space<hbm>>) target(%dma_start3A_510 : memref<1x16xf32, #tpu.memory_space<vmem>>) target_semaphore(%arg28 : memref<!tpu.dma_semaphore, #tpu.memory_space<semaphore_mem>>)
    %dma_start3A_513 = arith.constant 10 : i32
    %dma_start3A_514 = arith.constant 0 : i32
    %dma_start3A_515 = tpu.memref_slice %arg21[%dma_start3A_513, %dma_start3A_514] : memref<32x16xf32, #tpu.memory_space<vmem>> -> memref<1x16xf32, #tpu.memory_space<vmem>>
    %dma_start3A_516 = arith.constant 0 : i32
    %dma_start3A_517 = tpu.memref_slice %arg6[%squeeze3A_500, %dma_start3A_516] : memref<1000000x16xf32, #tpu.memory_space<hbm>> -> memref<1x16xf32, #tpu.memory_space<hbm>>
    %dma_start3A_518 = arith.constant 10 : i32
    %dma_start3A_519 = arith.constant 0 : i32
    %dma_start3A_520 = tpu.memref_slice %arg21[%dma_start3A_518, %dma_start3A_519] : memref<32x16xf32, #tpu.memory_space<vmem>> -> memref<1x16xf32, #tpu.memory_space<vmem>>
    %dma_start3A_521 = arith.constant 0 : i32
    %dma_start3A_522 = tpu.memref_slice %arg6[%squeeze3A_500, %dma_start3A_521] : memref<1000000x16xf32, #tpu.memory_space<hbm>> -> memref<1x16xf32, #tpu.memory_space<hbm>>
    tpu.enqueue_dma source(%dma_start3A_522 : memref<1x16xf32, #tpu.memory_space<hbm>>) target(%dma_start3A_520 : memref<1x16xf32, #tpu.memory_space<vmem>>) target_semaphore(%arg28 : memref<!tpu.dma_semaphore, #tpu.memory_space<semaphore_mem>>)
    %dma_start3A_523 = arith.constant 10 : i32
    %dma_start3A_524 = arith.constant 0 : i32
    %dma_start3A_525 = tpu.memref_slice %arg22[%dma_start3A_523, %dma_start3A_524] : memref<32x16xf32, #tpu.memory_space<vmem>> -> memref<1x16xf32, #tpu.memory_space<vmem>>
    %dma_start3A_526 = arith.constant 0 : i32
    %dma_start3A_527 = tpu.memref_slice %arg6[%squeeze3A_502, %dma_start3A_526] : memref<1000000x16xf32, #tpu.memory_space<hbm>> -> memref<1x16xf32, #tpu.memory_space<hbm>>
    %dma_start3A_528 = arith.constant 10 : i32
    %dma_start3A_529 = arith.constant 0 : i32
    %dma_start3A_530 = tpu.memref_slice %arg22[%dma_start3A_528, %dma_start3A_529] : memref<32x16xf32, #tpu.memory_space<vmem>> -> memref<1x16xf32, #tpu.memory_space<vmem>>
    %dma_start3A_531 = arith.constant 0 : i32
    %dma_start3A_532 = tpu.memref_slice %arg6[%squeeze3A_502, %dma_start3A_531] : memref<1000000x16xf32, #tpu.memory_space<hbm>> -> memref<1x16xf32, #tpu.memory_space<hbm>>
    tpu.enqueue_dma source(%dma_start3A_532 : memref<1x16xf32, #tpu.memory_space<hbm>>) target(%dma_start3A_530 : memref<1x16xf32, #tpu.memory_space<vmem>>) target_semaphore(%arg28 : memref<!tpu.dma_semaphore, #tpu.memory_space<semaphore_mem>>)
    %dma_start3A_533 = arith.constant 10 : i32
    %dma_start3A_534 = arith.constant 0 : i32
    %dma_start3A_535 = tpu.memref_slice %arg23[%dma_start3A_533, %dma_start3A_534] : memref<32x16xf32, #tpu.memory_space<vmem>> -> memref<1x16xf32, #tpu.memory_space<vmem>>
    %dma_start3A_536 = arith.constant 0 : i32
    %dma_start3A_537 = tpu.memref_slice %arg7[%squeeze3A_498, %dma_start3A_536] : memref<1000000x16xf32, #tpu.memory_space<hbm>> -> memref<1x16xf32, #tpu.memory_space<hbm>>
    %dma_start3A_538 = arith.constant 10 : i32
    %dma_start3A_539 = arith.constant 0 : i32
    %dma_start3A_540 = tpu.memref_slice %arg23[%dma_start3A_538, %dma_start3A_539] : memref<32x16xf32, #tpu.memory_space<vmem>> -> memref<1x16xf32, #tpu.memory_space<vmem>>
    %dma_start3A_541 = arith.constant 0 : i32
    %dma_start3A_542 = tpu.memref_slice %arg7[%squeeze3A_498, %dma_start3A_541] : memref<1000000x16xf32, #tpu.memory_space<hbm>> -> memref<1x16xf32, #tpu.memory_space<hbm>>
    tpu.enqueue_dma source(%dma_start3A_542 : memref<1x16xf32, #tpu.memory_space<hbm>>) target(%dma_start3A_540 : memref<1x16xf32, #tpu.memory_space<vmem>>) target_semaphore(%arg28 : memref<!tpu.dma_semaphore, #tpu.memory_space<semaphore_mem>>)
    %slice3A_543 = vector.extract_strided_slice %get3A_34 {offsets = [11], sizes = [1], strides = [1]} : vector<16xi32> to vector<1xi32>
    %squeeze3A_544 = vector.extract %slice3A_543[0] : i32 from vector<1xi32>
    %slice3A_545 = vector.extract_strided_slice %get3A_36 {offsets = [11], sizes = [1], strides = [1]} : vector<16xi32> to vector<1xi32>
    %squeeze3A_546 = vector.extract %slice3A_545[0] : i32 from vector<1xi32>
    %slice3A_547 = vector.extract_strided_slice %get3A_38 {offsets = [11], sizes = [1], strides = [1]} : vector<16xi32> to vector<1xi32>
    %squeeze3A_548 = vector.extract %slice3A_547[0] : i32 from vector<1xi32>
    %dma_start3A_549 = arith.constant 11 : i32
    %dma_start3A_550 = arith.constant 0 : i32
    %dma_start3A_551 = tpu.memref_slice %arg20[%dma_start3A_549, %dma_start3A_550] : memref<32x16xf32, #tpu.memory_space<vmem>> -> memref<1x16xf32, #tpu.memory_space<vmem>>
    %dma_start3A_552 = arith.constant 0 : i32
    %dma_start3A_553 = tpu.memref_slice %arg5[%squeeze3A_544, %dma_start3A_552] : memref<1000000x16xf32, #tpu.memory_space<hbm>> -> memref<1x16xf32, #tpu.memory_space<hbm>>
    %dma_start3A_554 = arith.constant 11 : i32
    %dma_start3A_555 = arith.constant 0 : i32
    %dma_start3A_556 = tpu.memref_slice %arg20[%dma_start3A_554, %dma_start3A_555] : memref<32x16xf32, #tpu.memory_space<vmem>> -> memref<1x16xf32, #tpu.memory_space<vmem>>
    %dma_start3A_557 = arith.constant 0 : i32
    %dma_start3A_558 = tpu.memref_slice %arg5[%squeeze3A_544, %dma_start3A_557] : memref<1000000x16xf32, #tpu.memory_space<hbm>> -> memref<1x16xf32, #tpu.memory_space<hbm>>
    tpu.enqueue_dma source(%dma_start3A_558 : memref<1x16xf32, #tpu.memory_space<hbm>>) target(%dma_start3A_556 : memref<1x16xf32, #tpu.memory_space<vmem>>) target_semaphore(%arg28 : memref<!tpu.dma_semaphore, #tpu.memory_space<semaphore_mem>>)
    %dma_start3A_559 = arith.constant 11 : i32
    %dma_start3A_560 = arith.constant 0 : i32
    %dma_start3A_561 = tpu.memref_slice %arg21[%dma_start3A_559, %dma_start3A_560] : memref<32x16xf32, #tpu.memory_space<vmem>> -> memref<1x16xf32, #tpu.memory_space<vmem>>
    %dma_start3A_562 = arith.constant 0 : i32
    %dma_start3A_563 = tpu.memref_slice %arg6[%squeeze3A_546, %dma_start3A_562] : memref<1000000x16xf32, #tpu.memory_space<hbm>> -> memref<1x16xf32, #tpu.memory_space<hbm>>
    %dma_start3A_564 = arith.constant 11 : i32
    %dma_start3A_565 = arith.constant 0 : i32
    %dma_start3A_566 = tpu.memref_slice %arg21[%dma_start3A_564, %dma_start3A_565] : memref<32x16xf32, #tpu.memory_space<vmem>> -> memref<1x16xf32, #tpu.memory_space<vmem>>
    %dma_start3A_567 = arith.constant 0 : i32
    %dma_start3A_568 = tpu.memref_slice %arg6[%squeeze3A_546, %dma_start3A_567] : memref<1000000x16xf32, #tpu.memory_space<hbm>> -> memref<1x16xf32, #tpu.memory_space<hbm>>
    tpu.enqueue_dma source(%dma_start3A_568 : memref<1x16xf32, #tpu.memory_space<hbm>>) target(%dma_start3A_566 : memref<1x16xf32, #tpu.memory_space<vmem>>) target_semaphore(%arg28 : memref<!tpu.dma_semaphore, #tpu.memory_space<semaphore_mem>>)
    %dma_start3A_569 = arith.constant 11 : i32
    %dma_start3A_570 = arith.constant 0 : i32
    %dma_start3A_571 = tpu.memref_slice %arg22[%dma_start3A_569, %dma_start3A_570] : memref<32x16xf32, #tpu.memory_space<vmem>> -> memref<1x16xf32, #tpu.memory_space<vmem>>
    %dma_start3A_572 = arith.constant 0 : i32
    %dma_start3A_573 = tpu.memref_slice %arg6[%squeeze3A_548, %dma_start3A_572] : memref<1000000x16xf32, #tpu.memory_space<hbm>> -> memref<1x16xf32, #tpu.memory_space<hbm>>
    %dma_start3A_574 = arith.constant 11 : i32
    %dma_start3A_575 = arith.constant 0 : i32
    %dma_start3A_576 = tpu.memref_slice %arg22[%dma_start3A_574, %dma_start3A_575] : memref<32x16xf32, #tpu.memory_space<vmem>> -> memref<1x16xf32, #tpu.memory_space<vmem>>
    %dma_start3A_577 = arith.constant 0 : i32
    %dma_start3A_578 = tpu.memref_slice %arg6[%squeeze3A_548, %dma_start3A_577] : memref<1000000x16xf32, #tpu.memory_space<hbm>> -> memref<1x16xf32, #tpu.memory_space<hbm>>
    tpu.enqueue_dma source(%dma_start3A_578 : memref<1x16xf32, #tpu.memory_space<hbm>>) target(%dma_start3A_576 : memref<1x16xf32, #tpu.memory_space<vmem>>) target_semaphore(%arg28 : memref<!tpu.dma_semaphore, #tpu.memory_space<semaphore_mem>>)
    %dma_start3A_579 = arith.constant 11 : i32
    %dma_start3A_580 = arith.constant 0 : i32
    %dma_start3A_581 = tpu.memref_slice %arg23[%dma_start3A_579, %dma_start3A_580] : memref<32x16xf32, #tpu.memory_space<vmem>> -> memref<1x16xf32, #tpu.memory_space<vmem>>
    %dma_start3A_582 = arith.constant 0 : i32
    %dma_start3A_583 = tpu.memref_slice %arg7[%squeeze3A_544, %dma_start3A_582] : memref<1000000x16xf32, #tpu.memory_space<hbm>> -> memref<1x16xf32, #tpu.memory_space<hbm>>
    %dma_start3A_584 = arith.constant 11 : i32
    %dma_start3A_585 = arith.constant 0 : i32
    %dma_start3A_586 = tpu.memref_slice %arg23[%dma_start3A_584, %dma_start3A_585] : memref<32x16xf32, #tpu.memory_space<vmem>> -> memref<1x16xf32, #tpu.memory_space<vmem>>
    %dma_start3A_587 = arith.constant 0 : i32
    %dma_start3A_588 = tpu.memref_slice %arg7[%squeeze3A_544, %dma_start3A_587] : memref<1000000x16xf32, #tpu.memory_space<hbm>> -> memref<1x16xf32, #tpu.memory_space<hbm>>
    tpu.enqueue_dma source(%dma_start3A_588 : memref<1x16xf32, #tpu.memory_space<hbm>>) target(%dma_start3A_586 : memref<1x16xf32, #tpu.memory_space<vmem>>) target_semaphore(%arg28 : memref<!tpu.dma_semaphore, #tpu.memory_space<semaphore_mem>>)
    %slice3A_589 = vector.extract_strided_slice %get3A_34 {offsets = [12], sizes = [1], strides = [1]} : vector<16xi32> to vector<1xi32>
    %squeeze3A_590 = vector.extract %slice3A_589[0] : i32 from vector<1xi32>
    %slice3A_591 = vector.extract_strided_slice %get3A_36 {offsets = [12], sizes = [1], strides = [1]} : vector<16xi32> to vector<1xi32>
    %squeeze3A_592 = vector.extract %slice3A_591[0] : i32 from vector<1xi32>
    %slice3A_593 = vector.extract_strided_slice %get3A_38 {offsets = [12], sizes = [1], strides = [1]} : vector<16xi32> to vector<1xi32>
    %squeeze3A_594 = vector.extract %slice3A_593[0] : i32 from vector<1xi32>
    %dma_start3A_595 = arith.constant 12 : i32
    %dma_start3A_596 = arith.constant 0 : i32
    %dma_start3A_597 = tpu.memref_slice %arg20[%dma_start3A_595, %dma_start3A_596] : memref<32x16xf32, #tpu.memory_space<vmem>> -> memref<1x16xf32, #tpu.memory_space<vmem>>
    %dma_start3A_598 = arith.constant 0 : i32
    %dma_start3A_599 = tpu.memref_slice %arg5[%squeeze3A_590, %dma_start3A_598] : memref<1000000x16xf32, #tpu.memory_space<hbm>> -> memref<1x16xf32, #tpu.memory_space<hbm>>
    %dma_start3A_600 = arith.constant 12 : i32
    %dma_start3A_601 = arith.constant 0 : i32
    %dma_start3A_602 = tpu.memref_slice %arg20[%dma_start3A_600, %dma_start3A_601] : memref<32x16xf32, #tpu.memory_space<vmem>> -> memref<1x16xf32, #tpu.memory_space<vmem>>
    %dma_start3A_603 = arith.constant 0 : i32
    %dma_start3A_604 = tpu.memref_slice %arg5[%squeeze3A_590, %dma_start3A_603] : memref<1000000x16xf32, #tpu.memory_space<hbm>> -> memref<1x16xf32, #tpu.memory_space<hbm>>
    tpu.enqueue_dma source(%dma_start3A_604 : memref<1x16xf32, #tpu.memory_space<hbm>>) target(%dma_start3A_602 : memref<1x16xf32, #tpu.memory_space<vmem>>) target_semaphore(%arg28 : memref<!tpu.dma_semaphore, #tpu.memory_space<semaphore_mem>>)
    %dma_start3A_605 = arith.constant 12 : i32
    %dma_start3A_606 = arith.constant 0 : i32
    %dma_start3A_607 = tpu.memref_slice %arg21[%dma_start3A_605, %dma_start3A_606] : memref<32x16xf32, #tpu.memory_space<vmem>> -> memref<1x16xf32, #tpu.memory_space<vmem>>
    %dma_start3A_608 = arith.constant 0 : i32
    %dma_start3A_609 = tpu.memref_slice %arg6[%squeeze3A_592, %dma_start3A_608] : memref<1000000x16xf32, #tpu.memory_space<hbm>> -> memref<1x16xf32, #tpu.memory_space<hbm>>
    %dma_start3A_610 = arith.constant 12 : i32
    %dma_start3A_611 = arith.constant 0 : i32
    %dma_start3A_612 = tpu.memref_slice %arg21[%dma_start3A_610, %dma_start3A_611] : memref<32x16xf32, #tpu.memory_space<vmem>> -> memref<1x16xf32, #tpu.memory_space<vmem>>
    %dma_start3A_613 = arith.constant 0 : i32
    %dma_start3A_614 = tpu.memref_slice %arg6[%squeeze3A_592, %dma_start3A_613] : memref<1000000x16xf32, #tpu.memory_space<hbm>> -> memref<1x16xf32, #tpu.memory_space<hbm>>
    tpu.enqueue_dma source(%dma_start3A_614 : memref<1x16xf32, #tpu.memory_space<hbm>>) target(%dma_start3A_612 : memref<1x16xf32, #tpu.memory_space<vmem>>) target_semaphore(%arg28 : memref<!tpu.dma_semaphore, #tpu.memory_space<semaphore_mem>>)
    %dma_start3A_615 = arith.constant 12 : i32
    %dma_start3A_616 = arith.constant 0 : i32
    %dma_start3A_617 = tpu.memref_slice %arg22[%dma_start3A_615, %dma_start3A_616] : memref<32x16xf32, #tpu.memory_space<vmem>> -> memref<1x16xf32, #tpu.memory_space<vmem>>
    %dma_start3A_618 = arith.constant 0 : i32
    %dma_start3A_619 = tpu.memref_slice %arg6[%squeeze3A_594, %dma_start3A_618] : memref<1000000x16xf32, #tpu.memory_space<hbm>> -> memref<1x16xf32, #tpu.memory_space<hbm>>
    %dma_start3A_620 = arith.constant 12 : i32
    %dma_start3A_621 = arith.constant 0 : i32
    %dma_start3A_622 = tpu.memref_slice %arg22[%dma_start3A_620, %dma_start3A_621] : memref<32x16xf32, #tpu.memory_space<vmem>> -> memref<1x16xf32, #tpu.memory_space<vmem>>
    %dma_start3A_623 = arith.constant 0 : i32
    %dma_start3A_624 = tpu.memref_slice %arg6[%squeeze3A_594, %dma_start3A_623] : memref<1000000x16xf32, #tpu.memory_space<hbm>> -> memref<1x16xf32, #tpu.memory_space<hbm>>
    tpu.enqueue_dma source(%dma_start3A_624 : memref<1x16xf32, #tpu.memory_space<hbm>>) target(%dma_start3A_622 : memref<1x16xf32, #tpu.memory_space<vmem>>) target_semaphore(%arg28 : memref<!tpu.dma_semaphore, #tpu.memory_space<semaphore_mem>>)
    %dma_start3A_625 = arith.constant 12 : i32
    %dma_start3A_626 = arith.constant 0 : i32
    %dma_start3A_627 = tpu.memref_slice %arg23[%dma_start3A_625, %dma_start3A_626] : memref<32x16xf32, #tpu.memory_space<vmem>> -> memref<1x16xf32, #tpu.memory_space<vmem>>
    %dma_start3A_628 = arith.constant 0 : i32
    %dma_start3A_629 = tpu.memref_slice %arg7[%squeeze3A_590, %dma_start3A_628] : memref<1000000x16xf32, #tpu.memory_space<hbm>> -> memref<1x16xf32, #tpu.memory_space<hbm>>
    %dma_start3A_630 = arith.constant 12 : i32
    %dma_start3A_631 = arith.constant 0 : i32
    %dma_start3A_632 = tpu.memref_slice %arg23[%dma_start3A_630, %dma_start3A_631] : memref<32x16xf32, #tpu.memory_space<vmem>> -> memref<1x16xf32, #tpu.memory_space<vmem>>
    %dma_start3A_633 = arith.constant 0 : i32
    %dma_start3A_634 = tpu.memref_slice %arg7[%squeeze3A_590, %dma_start3A_633] : memref<1000000x16xf32, #tpu.memory_space<hbm>> -> memref<1x16xf32, #tpu.memory_space<hbm>>
    tpu.enqueue_dma source(%dma_start3A_634 : memref<1x16xf32, #tpu.memory_space<hbm>>) target(%dma_start3A_632 : memref<1x16xf32, #tpu.memory_space<vmem>>) target_semaphore(%arg28 : memref<!tpu.dma_semaphore, #tpu.memory_space<semaphore_mem>>)
    %slice3A_635 = vector.extract_strided_slice %get3A_34 {offsets = [13], sizes = [1], strides = [1]} : vector<16xi32> to vector<1xi32>
    %squeeze3A_636 = vector.extract %slice3A_635[0] : i32 from vector<1xi32>
    %slice3A_637 = vector.extract_strided_slice %get3A_36 {offsets = [13], sizes = [1], strides = [1]} : vector<16xi32> to vector<1xi32>
    %squeeze3A_638 = vector.extract %slice3A_637[0] : i32 from vector<1xi32>
    %slice3A_639 = vector.extract_strided_slice %get3A_38 {offsets = [13], sizes = [1], strides = [1]} : vector<16xi32> to vector<1xi32>
    %squeeze3A_640 = vector.extract %slice3A_639[0] : i32 from vector<1xi32>
    %dma_start3A_641 = arith.constant 13 : i32
    %dma_start3A_642 = arith.constant 0 : i32
    %dma_start3A_643 = tpu.memref_slice %arg20[%dma_start3A_641, %dma_start3A_642] : memref<32x16xf32, #tpu.memory_space<vmem>> -> memref<1x16xf32, #tpu.memory_space<vmem>>
    %dma_start3A_644 = arith.constant 0 : i32
    %dma_start3A_645 = tpu.memref_slice %arg5[%squeeze3A_636, %dma_start3A_644] : memref<1000000x16xf32, #tpu.memory_space<hbm>> -> memref<1x16xf32, #tpu.memory_space<hbm>>
    %dma_start3A_646 = arith.constant 13 : i32
    %dma_start3A_647 = arith.constant 0 : i32
    %dma_start3A_648 = tpu.memref_slice %arg20[%dma_start3A_646, %dma_start3A_647] : memref<32x16xf32, #tpu.memory_space<vmem>> -> memref<1x16xf32, #tpu.memory_space<vmem>>
    %dma_start3A_649 = arith.constant 0 : i32
    %dma_start3A_650 = tpu.memref_slice %arg5[%squeeze3A_636, %dma_start3A_649] : memref<1000000x16xf32, #tpu.memory_space<hbm>> -> memref<1x16xf32, #tpu.memory_space<hbm>>
    tpu.enqueue_dma source(%dma_start3A_650 : memref<1x16xf32, #tpu.memory_space<hbm>>) target(%dma_start3A_648 : memref<1x16xf32, #tpu.memory_space<vmem>>) target_semaphore(%arg28 : memref<!tpu.dma_semaphore, #tpu.memory_space<semaphore_mem>>)
    %dma_start3A_651 = arith.constant 13 : i32
    %dma_start3A_652 = arith.constant 0 : i32
    %dma_start3A_653 = tpu.memref_slice %arg21[%dma_start3A_651, %dma_start3A_652] : memref<32x16xf32, #tpu.memory_space<vmem>> -> memref<1x16xf32, #tpu.memory_space<vmem>>
    %dma_start3A_654 = arith.constant 0 : i32
    %dma_start3A_655 = tpu.memref_slice %arg6[%squeeze3A_638, %dma_start3A_654] : memref<1000000x16xf32, #tpu.memory_space<hbm>> -> memref<1x16xf32, #tpu.memory_space<hbm>>
    %dma_start3A_656 = arith.constant 13 : i32
    %dma_start3A_657 = arith.constant 0 : i32
    %dma_start3A_658 = tpu.memref_slice %arg21[%dma_start3A_656, %dma_start3A_657] : memref<32x16xf32, #tpu.memory_space<vmem>> -> memref<1x16xf32, #tpu.memory_space<vmem>>
    %dma_start3A_659 = arith.constant 0 : i32
    %dma_start3A_660 = tpu.memref_slice %arg6[%squeeze3A_638, %dma_start3A_659] : memref<1000000x16xf32, #tpu.memory_space<hbm>> -> memref<1x16xf32, #tpu.memory_space<hbm>>
    tpu.enqueue_dma source(%dma_start3A_660 : memref<1x16xf32, #tpu.memory_space<hbm>>) target(%dma_start3A_658 : memref<1x16xf32, #tpu.memory_space<vmem>>) target_semaphore(%arg28 : memref<!tpu.dma_semaphore, #tpu.memory_space<semaphore_mem>>)
    %dma_start3A_661 = arith.constant 13 : i32
    %dma_start3A_662 = arith.constant 0 : i32
    %dma_start3A_663 = tpu.memref_slice %arg22[%dma_start3A_661, %dma_start3A_662] : memref<32x16xf32, #tpu.memory_space<vmem>> -> memref<1x16xf32, #tpu.memory_space<vmem>>
    %dma_start3A_664 = arith.constant 0 : i32
    %dma_start3A_665 = tpu.memref_slice %arg6[%squeeze3A_640, %dma_start3A_664] : memref<1000000x16xf32, #tpu.memory_space<hbm>> -> memref<1x16xf32, #tpu.memory_space<hbm>>
    %dma_start3A_666 = arith.constant 13 : i32
    %dma_start3A_667 = arith.constant 0 : i32
    %dma_start3A_668 = tpu.memref_slice %arg22[%dma_start3A_666, %dma_start3A_667] : memref<32x16xf32, #tpu.memory_space<vmem>> -> memref<1x16xf32, #tpu.memory_space<vmem>>
    %dma_start3A_669 = arith.constant 0 : i32
    %dma_start3A_670 = tpu.memref_slice %arg6[%squeeze3A_640, %dma_start3A_669] : memref<1000000x16xf32, #tpu.memory_space<hbm>> -> memref<1x16xf32, #tpu.memory_space<hbm>>
    tpu.enqueue_dma source(%dma_start3A_670 : memref<1x16xf32, #tpu.memory_space<hbm>>) target(%dma_start3A_668 : memref<1x16xf32, #tpu.memory_space<vmem>>) target_semaphore(%arg28 : memref<!tpu.dma_semaphore, #tpu.memory_space<semaphore_mem>>)
    %dma_start3A_671 = arith.constant 13 : i32
    %dma_start3A_672 = arith.constant 0 : i32
    %dma_start3A_673 = tpu.memref_slice %arg23[%dma_start3A_671, %dma_start3A_672] : memref<32x16xf32, #tpu.memory_space<vmem>> -> memref<1x16xf32, #tpu.memory_space<vmem>>
    %dma_start3A_674 = arith.constant 0 : i32
    %dma_start3A_675 = tpu.memref_slice %arg7[%squeeze3A_636, %dma_start3A_674] : memref<1000000x16xf32, #tpu.memory_space<hbm>> -> memref<1x16xf32, #tpu.memory_space<hbm>>
    %dma_start3A_676 = arith.constant 13 : i32
    %dma_start3A_677 = arith.constant 0 : i32
    %dma_start3A_678 = tpu.memref_slice %arg23[%dma_start3A_676, %dma_start3A_677] : memref<32x16xf32, #tpu.memory_space<vmem>> -> memref<1x16xf32, #tpu.memory_space<vmem>>
    %dma_start3A_679 = arith.constant 0 : i32
    %dma_start3A_680 = tpu.memref_slice %arg7[%squeeze3A_636, %dma_start3A_679] : memref<1000000x16xf32, #tpu.memory_space<hbm>> -> memref<1x16xf32, #tpu.memory_space<hbm>>
    tpu.enqueue_dma source(%dma_start3A_680 : memref<1x16xf32, #tpu.memory_space<hbm>>) target(%dma_start3A_678 : memref<1x16xf32, #tpu.memory_space<vmem>>) target_semaphore(%arg28 : memref<!tpu.dma_semaphore, #tpu.memory_space<semaphore_mem>>)
    %slice3A_681 = vector.extract_strided_slice %get3A_34 {offsets = [14], sizes = [1], strides = [1]} : vector<16xi32> to vector<1xi32>
    %squeeze3A_682 = vector.extract %slice3A_681[0] : i32 from vector<1xi32>
    %slice3A_683 = vector.extract_strided_slice %get3A_36 {offsets = [14], sizes = [1], strides = [1]} : vector<16xi32> to vector<1xi32>
    %squeeze3A_684 = vector.extract %slice3A_683[0] : i32 from vector<1xi32>
    %slice3A_685 = vector.extract_strided_slice %get3A_38 {offsets = [14], sizes = [1], strides = [1]} : vector<16xi32> to vector<1xi32>
    %squeeze3A_686 = vector.extract %slice3A_685[0] : i32 from vector<1xi32>
    %dma_start3A_687 = arith.constant 14 : i32
    %dma_start3A_688 = arith.constant 0 : i32
    %dma_start3A_689 = tpu.memref_slice %arg20[%dma_start3A_687, %dma_start3A_688] : memref<32x16xf32, #tpu.memory_space<vmem>> -> memref<1x16xf32, #tpu.memory_space<vmem>>
    %dma_start3A_690 = arith.constant 0 : i32
    %dma_start3A_691 = tpu.memref_slice %arg5[%squeeze3A_682, %dma_start3A_690] : memref<1000000x16xf32, #tpu.memory_space<hbm>> -> memref<1x16xf32, #tpu.memory_space<hbm>>
    %dma_start3A_692 = arith.constant 14 : i32
    %dma_start3A_693 = arith.constant 0 : i32
    %dma_start3A_694 = tpu.memref_slice %arg20[%dma_start3A_692, %dma_start3A_693] : memref<32x16xf32, #tpu.memory_space<vmem>> -> memref<1x16xf32, #tpu.memory_space<vmem>>
    %dma_start3A_695 = arith.constant 0 : i32
    %dma_start3A_696 = tpu.memref_slice %arg5[%squeeze3A_682, %dma_start3A_695] : memref<1000000x16xf32, #tpu.memory_space<hbm>> -> memref<1x16xf32, #tpu.memory_space<hbm>>
    tpu.enqueue_dma source(%dma_start3A_696 : memref<1x16xf32, #tpu.memory_space<hbm>>) target(%dma_start3A_694 : memref<1x16xf32, #tpu.memory_space<vmem>>) target_semaphore(%arg28 : memref<!tpu.dma_semaphore, #tpu.memory_space<semaphore_mem>>)
    %dma_start3A_697 = arith.constant 14 : i32
    %dma_start3A_698 = arith.constant 0 : i32
    %dma_start3A_699 = tpu.memref_slice %arg21[%dma_start3A_697, %dma_start3A_698] : memref<32x16xf32, #tpu.memory_space<vmem>> -> memref<1x16xf32, #tpu.memory_space<vmem>>
    %dma_start3A_700 = arith.constant 0 : i32
    %dma_start3A_701 = tpu.memref_slice %arg6[%squeeze3A_684, %dma_start3A_700] : memref<1000000x16xf32, #tpu.memory_space<hbm>> -> memref<1x16xf32, #tpu.memory_space<hbm>>
    %dma_start3A_702 = arith.constant 14 : i32
    %dma_start3A_703 = arith.constant 0 : i32
    %dma_start3A_704 = tpu.memref_slice %arg21[%dma_start3A_702, %dma_start3A_703] : memref<32x16xf32, #tpu.memory_space<vmem>> -> memref<1x16xf32, #tpu.memory_space<vmem>>
    %dma_start3A_705 = arith.constant 0 : i32
    %dma_start3A_706 = tpu.memref_slice %arg6[%squeeze3A_684, %dma_start3A_705] : memref<1000000x16xf32, #tpu.memory_space<hbm>> -> memref<1x16xf32, #tpu.memory_space<hbm>>
    tpu.enqueue_dma source(%dma_start3A_706 : memref<1x16xf32, #tpu.memory_space<hbm>>) target(%dma_start3A_704 : memref<1x16xf32, #tpu.memory_space<vmem>>) target_semaphore(%arg28 : memref<!tpu.dma_semaphore, #tpu.memory_space<semaphore_mem>>)
    %dma_start3A_707 = arith.constant 14 : i32
    %dma_start3A_708 = arith.constant 0 : i32
    %dma_start3A_709 = tpu.memref_slice %arg22[%dma_start3A_707, %dma_start3A_708] : memref<32x16xf32, #tpu.memory_space<vmem>> -> memref<1x16xf32, #tpu.memory_space<vmem>>
    %dma_start3A_710 = arith.constant 0 : i32
    %dma_start3A_711 = tpu.memref_slice %arg6[%squeeze3A_686, %dma_start3A_710] : memref<1000000x16xf32, #tpu.memory_space<hbm>> -> memref<1x16xf32, #tpu.memory_space<hbm>>
    %dma_start3A_712 = arith.constant 14 : i32
    %dma_start3A_713 = arith.constant 0 : i32
    %dma_start3A_714 = tpu.memref_slice %arg22[%dma_start3A_712, %dma_start3A_713] : memref<32x16xf32, #tpu.memory_space<vmem>> -> memref<1x16xf32, #tpu.memory_space<vmem>>
    %dma_start3A_715 = arith.constant 0 : i32
    %dma_start3A_716 = tpu.memref_slice %arg6[%squeeze3A_686, %dma_start3A_715] : memref<1000000x16xf32, #tpu.memory_space<hbm>> -> memref<1x16xf32, #tpu.memory_space<hbm>>
    tpu.enqueue_dma source(%dma_start3A_716 : memref<1x16xf32, #tpu.memory_space<hbm>>) target(%dma_start3A_714 : memref<1x16xf32, #tpu.memory_space<vmem>>) target_semaphore(%arg28 : memref<!tpu.dma_semaphore, #tpu.memory_space<semaphore_mem>>)
    %dma_start3A_717 = arith.constant 14 : i32
    %dma_start3A_718 = arith.constant 0 : i32
    %dma_start3A_719 = tpu.memref_slice %arg23[%dma_start3A_717, %dma_start3A_718] : memref<32x16xf32, #tpu.memory_space<vmem>> -> memref<1x16xf32, #tpu.memory_space<vmem>>
    %dma_start3A_720 = arith.constant 0 : i32
    %dma_start3A_721 = tpu.memref_slice %arg7[%squeeze3A_682, %dma_start3A_720] : memref<1000000x16xf32, #tpu.memory_space<hbm>> -> memref<1x16xf32, #tpu.memory_space<hbm>>
    %dma_start3A_722 = arith.constant 14 : i32
    %dma_start3A_723 = arith.constant 0 : i32
    %dma_start3A_724 = tpu.memref_slice %arg23[%dma_start3A_722, %dma_start3A_723] : memref<32x16xf32, #tpu.memory_space<vmem>> -> memref<1x16xf32, #tpu.memory_space<vmem>>
    %dma_start3A_725 = arith.constant 0 : i32
    %dma_start3A_726 = tpu.memref_slice %arg7[%squeeze3A_682, %dma_start3A_725] : memref<1000000x16xf32, #tpu.memory_space<hbm>> -> memref<1x16xf32, #tpu.memory_space<hbm>>
    tpu.enqueue_dma source(%dma_start3A_726 : memref<1x16xf32, #tpu.memory_space<hbm>>) target(%dma_start3A_724 : memref<1x16xf32, #tpu.memory_space<vmem>>) target_semaphore(%arg28 : memref<!tpu.dma_semaphore, #tpu.memory_space<semaphore_mem>>)
    %slice3A_727 = vector.extract_strided_slice %get3A_34 {offsets = [15], sizes = [1], strides = [1]} : vector<16xi32> to vector<1xi32>
    %squeeze3A_728 = vector.extract %slice3A_727[0] : i32 from vector<1xi32>
    %slice3A_729 = vector.extract_strided_slice %get3A_36 {offsets = [15], sizes = [1], strides = [1]} : vector<16xi32> to vector<1xi32>
    %squeeze3A_730 = vector.extract %slice3A_729[0] : i32 from vector<1xi32>
    %slice3A_731 = vector.extract_strided_slice %get3A_38 {offsets = [15], sizes = [1], strides = [1]} : vector<16xi32> to vector<1xi32>
    %squeeze3A_732 = vector.extract %slice3A_731[0] : i32 from vector<1xi32>
    %dma_start3A_733 = arith.constant 15 : i32
    %dma_start3A_734 = arith.constant 0 : i32
    %dma_start3A_735 = tpu.memref_slice %arg20[%dma_start3A_733, %dma_start3A_734] : memref<32x16xf32, #tpu.memory_space<vmem>> -> memref<1x16xf32, #tpu.memory_space<vmem>>
    %dma_start3A_736 = arith.constant 0 : i32
    %dma_start3A_737 = tpu.memref_slice %arg5[%squeeze3A_728, %dma_start3A_736] : memref<1000000x16xf32, #tpu.memory_space<hbm>> -> memref<1x16xf32, #tpu.memory_space<hbm>>
    %dma_start3A_738 = arith.constant 15 : i32
    %dma_start3A_739 = arith.constant 0 : i32
    %dma_start3A_740 = tpu.memref_slice %arg20[%dma_start3A_738, %dma_start3A_739] : memref<32x16xf32, #tpu.memory_space<vmem>> -> memref<1x16xf32, #tpu.memory_space<vmem>>
    %dma_start3A_741 = arith.constant 0 : i32
    %dma_start3A_742 = tpu.memref_slice %arg5[%squeeze3A_728, %dma_start3A_741] : memref<1000000x16xf32, #tpu.memory_space<hbm>> -> memref<1x16xf32, #tpu.memory_space<hbm>>
    tpu.enqueue_dma source(%dma_start3A_742 : memref<1x16xf32, #tpu.memory_space<hbm>>) target(%dma_start3A_740 : memref<1x16xf32, #tpu.memory_space<vmem>>) target_semaphore(%arg28 : memref<!tpu.dma_semaphore, #tpu.memory_space<semaphore_mem>>)
    %dma_start3A_743 = arith.constant 15 : i32
    %dma_start3A_744 = arith.constant 0 : i32
    %dma_start3A_745 = tpu.memref_slice %arg21[%dma_start3A_743, %dma_start3A_744] : memref<32x16xf32, #tpu.memory_space<vmem>> -> memref<1x16xf32, #tpu.memory_space<vmem>>
    %dma_start3A_746 = arith.constant 0 : i32
    %dma_start3A_747 = tpu.memref_slice %arg6[%squeeze3A_730, %dma_start3A_746] : memref<1000000x16xf32, #tpu.memory_space<hbm>> -> memref<1x16xf32, #tpu.memory_space<hbm>>
    %dma_start3A_748 = arith.constant 15 : i32
    %dma_start3A_749 = arith.constant 0 : i32
    %dma_start3A_750 = tpu.memref_slice %arg21[%dma_start3A_748, %dma_start3A_749] : memref<32x16xf32, #tpu.memory_space<vmem>> -> memref<1x16xf32, #tpu.memory_space<vmem>>
    %dma_start3A_751 = arith.constant 0 : i32
    %dma_start3A_752 = tpu.memref_slice %arg6[%squeeze3A_730, %dma_start3A_751] : memref<1000000x16xf32, #tpu.memory_space<hbm>> -> memref<1x16xf32, #tpu.memory_space<hbm>>
    tpu.enqueue_dma source(%dma_start3A_752 : memref<1x16xf32, #tpu.memory_space<hbm>>) target(%dma_start3A_750 : memref<1x16xf32, #tpu.memory_space<vmem>>) target_semaphore(%arg28 : memref<!tpu.dma_semaphore, #tpu.memory_space<semaphore_mem>>)
    %dma_start3A_753 = arith.constant 15 : i32
    %dma_start3A_754 = arith.constant 0 : i32
    %dma_start3A_755 = tpu.memref_slice %arg22[%dma_start3A_753, %dma_start3A_754] : memref<32x16xf32, #tpu.memory_space<vmem>> -> memref<1x16xf32, #tpu.memory_space<vmem>>
    %dma_start3A_756 = arith.constant 0 : i32
    %dma_start3A_757 = tpu.memref_slice %arg6[%squeeze3A_732, %dma_start3A_756] : memref<1000000x16xf32, #tpu.memory_space<hbm>> -> memref<1x16xf32, #tpu.memory_space<hbm>>
    %dma_start3A_758 = arith.constant 15 : i32
    %dma_start3A_759 = arith.constant 0 : i32
    %dma_start3A_760 = tpu.memref_slice %arg22[%dma_start3A_758, %dma_start3A_759] : memref<32x16xf32, #tpu.memory_space<vmem>> -> memref<1x16xf32, #tpu.memory_space<vmem>>
    %dma_start3A_761 = arith.constant 0 : i32
    %dma_start3A_762 = tpu.memref_slice %arg6[%squeeze3A_732, %dma_start3A_761] : memref<1000000x16xf32, #tpu.memory_space<hbm>> -> memref<1x16xf32, #tpu.memory_space<hbm>>
    tpu.enqueue_dma source(%dma_start3A_762 : memref<1x16xf32, #tpu.memory_space<hbm>>) target(%dma_start3A_760 : memref<1x16xf32, #tpu.memory_space<vmem>>) target_semaphore(%arg28 : memref<!tpu.dma_semaphore, #tpu.memory_space<semaphore_mem>>)
    %dma_start3A_763 = arith.constant 15 : i32
    %dma_start3A_764 = arith.constant 0 : i32
    %dma_start3A_765 = tpu.memref_slice %arg23[%dma_start3A_763, %dma_start3A_764] : memref<32x16xf32, #tpu.memory_space<vmem>> -> memref<1x16xf32, #tpu.memory_space<vmem>>
    %dma_start3A_766 = arith.constant 0 : i32
    %dma_start3A_767 = tpu.memref_slice %arg7[%squeeze3A_728, %dma_start3A_766] : memref<1000000x16xf32, #tpu.memory_space<hbm>> -> memref<1x16xf32, #tpu.memory_space<hbm>>
    %dma_start3A_768 = arith.constant 15 : i32
    %dma_start3A_769 = arith.constant 0 : i32
    %dma_start3A_770 = tpu.memref_slice %arg23[%dma_start3A_768, %dma_start3A_769] : memref<32x16xf32, #tpu.memory_space<vmem>> -> memref<1x16xf32, #tpu.memory_space<vmem>>
    %dma_start3A_771 = arith.constant 0 : i32
    %dma_start3A_772 = tpu.memref_slice %arg7[%squeeze3A_728, %dma_start3A_771] : memref<1000000x16xf32, #tpu.memory_space<hbm>> -> memref<1x16xf32, #tpu.memory_space<hbm>>
    tpu.enqueue_dma source(%dma_start3A_772 : memref<1x16xf32, #tpu.memory_space<hbm>>) target(%dma_start3A_770 : memref<1x16xf32, #tpu.memory_space<vmem>>) target_semaphore(%arg28 : memref<!tpu.dma_semaphore, #tpu.memory_space<semaphore_mem>>)
    %get3A_773 = arith.constant 16 : index
    %get3A_774 = tpu.vector_load %arg15[%get3A_773] {strides = array<i32>} : memref<32xi32, #tpu.memory_space<vmem>>, vector<16xi32>,
    %get3A_775 = arith.constant 16 : index
    %get3A_776 = tpu.vector_load %arg16[%get3A_775] {strides = array<i32>} : memref<32xi32, #tpu.memory_space<vmem>>, vector<16xi32>,
    %get3A_777 = arith.constant 16 : index
    %get3A_778 = tpu.vector_load %arg17[%get3A_777] {strides = array<i32>} : memref<32xi32, #tpu.memory_space<vmem>>, vector<16xi32>,
    %slice3A_779 = vector.extract_strided_slice %get3A_774 {offsets = [0], sizes = [1], strides = [1]} : vector<16xi32> to vector<1xi32>
    %squeeze3A_780 = vector.extract %slice3A_779[0] : i32 from vector<1xi32>
    %slice3A_781 = vector.extract_strided_slice %get3A_776 {offsets = [0], sizes = [1], strides = [1]} : vector<16xi32> to vector<1xi32>
    %squeeze3A_782 = vector.extract %slice3A_781[0] : i32 from vector<1xi32>
    %slice3A_783 = vector.extract_strided_slice %get3A_778 {offsets = [0], sizes = [1], strides = [1]} : vector<16xi32> to vector<1xi32>
    %squeeze3A_784 = vector.extract %slice3A_783[0] : i32 from vector<1xi32>
    %dma_start3A_785 = arith.constant 16 : i32
    %dma_start3A_786 = arith.constant 0 : i32
    %dma_start3A_787 = tpu.memref_slice %arg20[%dma_start3A_785, %dma_start3A_786] : memref<32x16xf32, #tpu.memory_space<vmem>> -> memref<1x16xf32, #tpu.memory_space<vmem>>
    %dma_start3A_788 = arith.constant 0 : i32
    %dma_start3A_789 = tpu.memref_slice %arg5[%squeeze3A_780, %dma_start3A_788] : memref<1000000x16xf32, #tpu.memory_space<hbm>> -> memref<1x16xf32, #tpu.memory_space<hbm>>
    %dma_start3A_790 = arith.constant 16 : i32
    %dma_start3A_791 = arith.constant 0 : i32
    %dma_start3A_792 = tpu.memref_slice %arg20[%dma_start3A_790, %dma_start3A_791] : memref<32x16xf32, #tpu.memory_space<vmem>> -> memref<1x16xf32, #tpu.memory_space<vmem>>
    %dma_start3A_793 = arith.constant 0 : i32
    %dma_start3A_794 = tpu.memref_slice %arg5[%squeeze3A_780, %dma_start3A_793] : memref<1000000x16xf32, #tpu.memory_space<hbm>> -> memref<1x16xf32, #tpu.memory_space<hbm>>
    tpu.enqueue_dma source(%dma_start3A_794 : memref<1x16xf32, #tpu.memory_space<hbm>>) target(%dma_start3A_792 : memref<1x16xf32, #tpu.memory_space<vmem>>) target_semaphore(%arg28 : memref<!tpu.dma_semaphore, #tpu.memory_space<semaphore_mem>>)
    %dma_start3A_795 = arith.constant 16 : i32
    %dma_start3A_796 = arith.constant 0 : i32
    %dma_start3A_797 = tpu.memref_slice %arg21[%dma_start3A_795, %dma_start3A_796] : memref<32x16xf32, #tpu.memory_space<vmem>> -> memref<1x16xf32, #tpu.memory_space<vmem>>
    %dma_start3A_798 = arith.constant 0 : i32
    %dma_start3A_799 = tpu.memref_slice %arg6[%squeeze3A_782, %dma_start3A_798] : memref<1000000x16xf32, #tpu.memory_space<hbm>> -> memref<1x16xf32, #tpu.memory_space<hbm>>
    %dma_start3A_800 = arith.constant 16 : i32
    %dma_start3A_801 = arith.constant 0 : i32
    %dma_start3A_802 = tpu.memref_slice %arg21[%dma_start3A_800, %dma_start3A_801] : memref<32x16xf32, #tpu.memory_space<vmem>> -> memref<1x16xf32, #tpu.memory_space<vmem>>
    %dma_start3A_803 = arith.constant 0 : i32
    %dma_start3A_804 = tpu.memref_slice %arg6[%squeeze3A_782, %dma_start3A_803] : memref<1000000x16xf32, #tpu.memory_space<hbm>> -> memref<1x16xf32, #tpu.memory_space<hbm>>
    tpu.enqueue_dma source(%dma_start3A_804 : memref<1x16xf32, #tpu.memory_space<hbm>>) target(%dma_start3A_802 : memref<1x16xf32, #tpu.memory_space<vmem>>) target_semaphore(%arg28 : memref<!tpu.dma_semaphore, #tpu.memory_space<semaphore_mem>>)
    %dma_start3A_805 = arith.constant 16 : i32
    %dma_start3A_806 = arith.constant 0 : i32
    %dma_start3A_807 = tpu.memref_slice %arg22[%dma_start3A_805, %dma_start3A_806] : memref<32x16xf32, #tpu.memory_space<vmem>> -> memref<1x16xf32, #tpu.memory_space<vmem>>
    %dma_start3A_808 = arith.constant 0 : i32
    %dma_start3A_809 = tpu.memref_slice %arg6[%squeeze3A_784, %dma_start3A_808] : memref<1000000x16xf32, #tpu.memory_space<hbm>> -> memref<1x16xf32, #tpu.memory_space<hbm>>
    %dma_start3A_810 = arith.constant 16 : i32
    %dma_start3A_811 = arith.constant 0 : i32
    %dma_start3A_812 = tpu.memref_slice %arg22[%dma_start3A_810, %dma_start3A_811] : memref<32x16xf32, #tpu.memory_space<vmem>> -> memref<1x16xf32, #tpu.memory_space<vmem>>
    %dma_start3A_813 = arith.constant 0 : i32
    %dma_start3A_814 = tpu.memref_slice %arg6[%squeeze3A_784, %dma_start3A_813] : memref<1000000x16xf32, #tpu.memory_space<hbm>> -> memref<1x16xf32, #tpu.memory_space<hbm>>
    tpu.enqueue_dma source(%dma_start3A_814 : memref<1x16xf32, #tpu.memory_space<hbm>>) target(%dma_start3A_812 : memref<1x16xf32, #tpu.memory_space<vmem>>) target_semaphore(%arg28 : memref<!tpu.dma_semaphore, #tpu.memory_space<semaphore_mem>>)
    %dma_start3A_815 = arith.constant 16 : i32
    %dma_start3A_816 = arith.constant 0 : i32
    %dma_start3A_817 = tpu.memref_slice %arg23[%dma_start3A_815, %dma_start3A_816] : memref<32x16xf32, #tpu.memory_space<vmem>> -> memref<1x16xf32, #tpu.memory_space<vmem>>
    %dma_start3A_818 = arith.constant 0 : i32
    %dma_start3A_819 = tpu.memref_slice %arg7[%squeeze3A_780, %dma_start3A_818] : memref<1000000x16xf32, #tpu.memory_space<hbm>> -> memref<1x16xf32, #tpu.memory_space<hbm>>
    %dma_start3A_820 = arith.constant 16 : i32
    %dma_start3A_821 = arith.constant 0 : i32
    %dma_start3A_822 = tpu.memref_slice %arg23[%dma_start3A_820, %dma_start3A_821] : memref<32x16xf32, #tpu.memory_space<vmem>> -> memref<1x16xf32, #tpu.memory_space<vmem>>
    %dma_start3A_823 = arith.constant 0 : i32
    %dma_start3A_824 = tpu.memref_slice %arg7[%squeeze3A_780, %dma_start3A_823] : memref<1000000x16xf32, #tpu.memory_space<hbm>> -> memref<1x16xf32, #tpu.memory_space<hbm>>
    tpu.enqueue_dma source(%dma_start3A_824 : memref<1x16xf32, #tpu.memory_space<hbm>>) target(%dma_start3A_822 : memref<1x16xf32, #tpu.memory_space<vmem>>) target_semaphore(%arg28 : memref<!tpu.dma_semaphore, #tpu.memory_space<semaphore_mem>>)
    %slice3A_825 = vector.extract_strided_slice %get3A_774 {offsets = [1], sizes = [1], strides = [1]} : vector<16xi32> to vector<1xi32>
    %squeeze3A_826 = vector.extract %slice3A_825[0] : i32 from vector<1xi32>
    %slice3A_827 = vector.extract_strided_slice %get3A_776 {offsets = [1], sizes = [1], strides = [1]} : vector<16xi32> to vector<1xi32>
    %squeeze3A_828 = vector.extract %slice3A_827[0] : i32 from vector<1xi32>
    %slice3A_829 = vector.extract_strided_slice %get3A_778 {offsets = [1], sizes = [1], strides = [1]} : vector<16xi32> to vector<1xi32>
    %squeeze3A_830 = vector.extract %slice3A_829[0] : i32 from vector<1xi32>
    %dma_start3A_831 = arith.constant 17 : i32
    %dma_start3A_832 = arith.constant 0 : i32
    %dma_start3A_833 = tpu.memref_slice %arg20[%dma_start3A_831, %dma_start3A_832] : memref<32x16xf32, #tpu.memory_space<vmem>> -> memref<1x16xf32, #tpu.memory_space<vmem>>
    %dma_start3A_834 = arith.constant 0 : i32
    %dma_start3A_835 = tpu.memref_slice %arg5[%squeeze3A_826, %dma_start3A_834] : memref<1000000x16xf32, #tpu.memory_space<hbm>> -> memref<1x16xf32, #tpu.memory_space<hbm>>
    %dma_start3A_836 = arith.constant 17 : i32
    %dma_start3A_837 = arith.constant 0 : i32
    %dma_start3A_838 = tpu.memref_slice %arg20[%dma_start3A_836, %dma_start3A_837] : memref<32x16xf32, #tpu.memory_space<vmem>> -> memref<1x16xf32, #tpu.memory_space<vmem>>
    %dma_start3A_839 = arith.constant 0 : i32
    %dma_start3A_840 = tpu.memref_slice %arg5[%squeeze3A_826, %dma_start3A_839] : memref<1000000x16xf32, #tpu.memory_space<hbm>> -> memref<1x16xf32, #tpu.memory_space<hbm>>
    tpu.enqueue_dma source(%dma_start3A_840 : memref<1x16xf32, #tpu.memory_space<hbm>>) target(%dma_start3A_838 : memref<1x16xf32, #tpu.memory_space<vmem>>) target_semaphore(%arg28 : memref<!tpu.dma_semaphore, #tpu.memory_space<semaphore_mem>>)
    %dma_start3A_841 = arith.constant 17 : i32
    %dma_start3A_842 = arith.constant 0 : i32
    %dma_start3A_843 = tpu.memref_slice %arg21[%dma_start3A_841, %dma_start3A_842] : memref<32x16xf32, #tpu.memory_space<vmem>> -> memref<1x16xf32, #tpu.memory_space<vmem>>
    %dma_start3A_844 = arith.constant 0 : i32
    %dma_start3A_845 = tpu.memref_slice %arg6[%squeeze3A_828, %dma_start3A_844] : memref<1000000x16xf32, #tpu.memory_space<hbm>> -> memref<1x16xf32, #tpu.memory_space<hbm>>
    %dma_start3A_846 = arith.constant 17 : i32
    %dma_start3A_847 = arith.constant 0 : i32
    %dma_start3A_848 = tpu.memref_slice %arg21[%dma_start3A_846, %dma_start3A_847] : memref<32x16xf32, #tpu.memory_space<vmem>> -> memref<1x16xf32, #tpu.memory_space<vmem>>
    %dma_start3A_849 = arith.constant 0 : i32
    %dma_start3A_850 = tpu.memref_slice %arg6[%squeeze3A_828, %dma_start3A_849] : memref<1000000x16xf32, #tpu.memory_space<hbm>> -> memref<1x16xf32, #tpu.memory_space<hbm>>
    tpu.enqueue_dma source(%dma_start3A_850 : memref<1x16xf32, #tpu.memory_space<hbm>>) target(%dma_start3A_848 : memref<1x16xf32, #tpu.memory_space<vmem>>) target_semaphore(%arg28 : memref<!tpu.dma_semaphore, #tpu.memory_space<semaphore_mem>>)
    %dma_start3A_851 = arith.constant 17 : i32
    %dma_start3A_852 = arith.constant 0 : i32
    %dma_start3A_853 = tpu.memref_slice %arg22[%dma_start3A_851, %dma_start3A_852] : memref<32x16xf32, #tpu.memory_space<vmem>> -> memref<1x16xf32, #tpu.memory_space<vmem>>
    %dma_start3A_854 = arith.constant 0 : i32
    %dma_start3A_855 = tpu.memref_slice %arg6[%squeeze3A_830, %dma_start3A_854] : memref<1000000x16xf32, #tpu.memory_space<hbm>> -> memref<1x16xf32, #tpu.memory_space<hbm>>
    %dma_start3A_856 = arith.constant 17 : i32
    %dma_start3A_857 = arith.constant 0 : i32
    %dma_start3A_858 = tpu.memref_slice %arg22[%dma_start3A_856, %dma_start3A_857] : memref<32x16xf32, #tpu.memory_space<vmem>> -> memref<1x16xf32, #tpu.memory_space<vmem>>
    %dma_start3A_859 = arith.constant 0 : i32
    %dma_start3A_860 = tpu.memref_slice %arg6[%squeeze3A_830, %dma_start3A_859] : memref<1000000x16xf32, #tpu.memory_space<hbm>> -> memref<1x16xf32, #tpu.memory_space<hbm>>
    tpu.enqueue_dma source(%dma_start3A_860 : memref<1x16xf32, #tpu.memory_space<hbm>>) target(%dma_start3A_858 : memref<1x16xf32, #tpu.memory_space<vmem>>) target_semaphore(%arg28 : memref<!tpu.dma_semaphore, #tpu.memory_space<semaphore_mem>>)
    %dma_start3A_861 = arith.constant 17 : i32
    %dma_start3A_862 = arith.constant 0 : i32
    %dma_start3A_863 = tpu.memref_slice %arg23[%dma_start3A_861, %dma_start3A_862] : memref<32x16xf32, #tpu.memory_space<vmem>> -> memref<1x16xf32, #tpu.memory_space<vmem>>
    %dma_start3A_864 = arith.constant 0 : i32
    %dma_start3A_865 = tpu.memref_slice %arg7[%squeeze3A_826, %dma_start3A_864] : memref<1000000x16xf32, #tpu.memory_space<hbm>> -> memref<1x16xf32, #tpu.memory_space<hbm>>
    %dma_start3A_866 = arith.constant 17 : i32
    %dma_start3A_867 = arith.constant 0 : i32
    %dma_start3A_868 = tpu.memref_slice %arg23[%dma_start3A_866, %dma_start3A_867] : memref<32x16xf32, #tpu.memory_space<vmem>> -> memref<1x16xf32, #tpu.memory_space<vmem>>
    %dma_start3A_869 = arith.constant 0 : i32
    %dma_start3A_870 = tpu.memref_slice %arg7[%squeeze3A_826, %dma_start3A_869] : memref<1000000x16xf32, #tpu.memory_space<hbm>> -> memref<1x16xf32, #tpu.memory_space<hbm>>
    tpu.enqueue_dma source(%dma_start3A_870 : memref<1x16xf32, #tpu.memory_space<hbm>>) target(%dma_start3A_868 : memref<1x16xf32, #tpu.memory_space<vmem>>) target_semaphore(%arg28 : memref<!tpu.dma_semaphore, #tpu.memory_space<semaphore_mem>>)
    %slice3A_871 = vector.extract_strided_slice %get3A_774 {offsets = [2], sizes = [1], strides = [1]} : vector<16xi32> to vector<1xi32>
    %squeeze3A_872 = vector.extract %slice3A_871[0] : i32 from vector<1xi32>
    %slice3A_873 = vector.extract_strided_slice %get3A_776 {offsets = [2], sizes = [1], strides = [1]} : vector<16xi32> to vector<1xi32>
    %squeeze3A_874 = vector.extract %slice3A_873[0] : i32 from vector<1xi32>
    %slice3A_875 = vector.extract_strided_slice %get3A_778 {offsets = [2], sizes = [1], strides = [1]} : vector<16xi32> to vector<1xi32>
    %squeeze3A_876 = vector.extract %slice3A_875[0] : i32 from vector<1xi32>
    %dma_start3A_877 = arith.constant 18 : i32
    %dma_start3A_878 = arith.constant 0 : i32
    %dma_start3A_879 = tpu.memref_slice %arg20[%dma_start3A_877, %dma_start3A_878] : memref<32x16xf32, #tpu.memory_space<vmem>> -> memref<1x16xf32, #tpu.memory_space<vmem>>
    %dma_start3A_880 = arith.constant 0 : i32
    %dma_start3A_881 = tpu.memref_slice %arg5[%squeeze3A_872, %dma_start3A_880] : memref<1000000x16xf32, #tpu.memory_space<hbm>> -> memref<1x16xf32, #tpu.memory_space<hbm>>
    %dma_start3A_882 = arith.constant 18 : i32
    %dma_start3A_883 = arith.constant 0 : i32
    %dma_start3A_884 = tpu.memref_slice %arg20[%dma_start3A_882, %dma_start3A_883] : memref<32x16xf32, #tpu.memory_space<vmem>> -> memref<1x16xf32, #tpu.memory_space<vmem>>
    %dma_start3A_885 = arith.constant 0 : i32
    %dma_start3A_886 = tpu.memref_slice %arg5[%squeeze3A_872, %dma_start3A_885] : memref<1000000x16xf32, #tpu.memory_space<hbm>> -> memref<1x16xf32, #tpu.memory_space<hbm>>
    tpu.enqueue_dma source(%dma_start3A_886 : memref<1x16xf32, #tpu.memory_space<hbm>>) target(%dma_start3A_884 : memref<1x16xf32, #tpu.memory_space<vmem>>) target_semaphore(%arg28 : memref<!tpu.dma_semaphore, #tpu.memory_space<semaphore_mem>>)
    %dma_start3A_887 = arith.constant 18 : i32
    %dma_start3A_888 = arith.constant 0 : i32
    %dma_start3A_889 = tpu.memref_slice %arg21[%dma_start3A_887, %dma_start3A_888] : memref<32x16xf32, #tpu.memory_space<vmem>> -> memref<1x16xf32, #tpu.memory_space<vmem>>
    %dma_start3A_890 = arith.constant 0 : i32
    %dma_start3A_891 = tpu.memref_slice %arg6[%squeeze3A_874, %dma_start3A_890] : memref<1000000x16xf32, #tpu.memory_space<hbm>> -> memref<1x16xf32, #tpu.memory_space<hbm>>
    %dma_start3A_892 = arith.constant 18 : i32
    %dma_start3A_893 = arith.constant 0 : i32
    %dma_start3A_894 = tpu.memref_slice %arg21[%dma_start3A_892, %dma_start3A_893] : memref<32x16xf32, #tpu.memory_space<vmem>> -> memref<1x16xf32, #tpu.memory_space<vmem>>
    %dma_start3A_895 = arith.constant 0 : i32
    %dma_start3A_896 = tpu.memref_slice %arg6[%squeeze3A_874, %dma_start3A_895] : memref<1000000x16xf32, #tpu.memory_space<hbm>> -> memref<1x16xf32, #tpu.memory_space<hbm>>
    tpu.enqueue_dma source(%dma_start3A_896 : memref<1x16xf32, #tpu.memory_space<hbm>>) target(%dma_start3A_894 : memref<1x16xf32, #tpu.memory_space<vmem>>) target_semaphore(%arg28 : memref<!tpu.dma_semaphore, #tpu.memory_space<semaphore_mem>>)
    %dma_start3A_897 = arith.constant 18 : i32
    %dma_start3A_898 = arith.constant 0 : i32
    %dma_start3A_899 = tpu.memref_slice %arg22[%dma_start3A_897, %dma_start3A_898] : memref<32x16xf32, #tpu.memory_space<vmem>> -> memref<1x16xf32, #tpu.memory_space<vmem>>
    %dma_start3A_900 = arith.constant 0 : i32
    %dma_start3A_901 = tpu.memref_slice %arg6[%squeeze3A_876, %dma_start3A_900] : memref<1000000x16xf32, #tpu.memory_space<hbm>> -> memref<1x16xf32, #tpu.memory_space<hbm>>
    %dma_start3A_902 = arith.constant 18 : i32
    %dma_start3A_903 = arith.constant 0 : i32
    %dma_start3A_904 = tpu.memref_slice %arg22[%dma_start3A_902, %dma_start3A_903] : memref<32x16xf32, #tpu.memory_space<vmem>> -> memref<1x16xf32, #tpu.memory_space<vmem>>
    %dma_start3A_905 = arith.constant 0 : i32
    %dma_start3A_906 = tpu.memref_slice %arg6[%squeeze3A_876, %dma_start3A_905] : memref<1000000x16xf32, #tpu.memory_space<hbm>> -> memref<1x16xf32, #tpu.memory_space<hbm>>
    tpu.enqueue_dma source(%dma_start3A_906 : memref<1x16xf32, #tpu.memory_space<hbm>>) target(%dma_start3A_904 : memref<1x16xf32, #tpu.memory_space<vmem>>) target_semaphore(%arg28 : memref<!tpu.dma_semaphore, #tpu.memory_space<semaphore_mem>>)
    %dma_start3A_907 = arith.constant 18 : i32
    %dma_start3A_908 = arith.constant 0 : i32
    %dma_start3A_909 = tpu.memref_slice %arg23[%dma_start3A_907, %dma_start3A_908] : memref<32x16xf32, #tpu.memory_space<vmem>> -> memref<1x16xf32, #tpu.memory_space<vmem>>
    %dma_start3A_910 = arith.constant 0 : i32
    %dma_start3A_911 = tpu.memref_slice %arg7[%squeeze3A_872, %dma_start3A_910] : memref<1000000x16xf32, #tpu.memory_space<hbm>> -> memref<1x16xf32, #tpu.memory_space<hbm>>
    %dma_start3A_912 = arith.constant 18 : i32
    %dma_start3A_913 = arith.constant 0 : i32
    %dma_start3A_914 = tpu.memref_slice %arg23[%dma_start3A_912, %dma_start3A_913] : memref<32x16xf32, #tpu.memory_space<vmem>> -> memref<1x16xf32, #tpu.memory_space<vmem>>
    %dma_start3A_915 = arith.constant 0 : i32
    %dma_start3A_916 = tpu.memref_slice %arg7[%squeeze3A_872, %dma_start3A_915] : memref<1000000x16xf32, #tpu.memory_space<hbm>> -> memref<1x16xf32, #tpu.memory_space<hbm>>
    tpu.enqueue_dma source(%dma_start3A_916 : memref<1x16xf32, #tpu.memory_space<hbm>>) target(%dma_start3A_914 : memref<1x16xf32, #tpu.memory_space<vmem>>) target_semaphore(%arg28 : memref<!tpu.dma_semaphore, #tpu.memory_space<semaphore_mem>>)
    %slice3A_917 = vector.extract_strided_slice %get3A_774 {offsets = [3], sizes = [1], strides = [1]} : vector<16xi32> to vector<1xi32>
    %squeeze3A_918 = vector.extract %slice3A_917[0] : i32 from vector<1xi32>
    %slice3A_919 = vector.extract_strided_slice %get3A_776 {offsets = [3], sizes = [1], strides = [1]} : vector<16xi32> to vector<1xi32>
    %squeeze3A_920 = vector.extract %slice3A_919[0] : i32 from vector<1xi32>
    %slice3A_921 = vector.extract_strided_slice %get3A_778 {offsets = [3], sizes = [1], strides = [1]} : vector<16xi32> to vector<1xi32>
    %squeeze3A_922 = vector.extract %slice3A_921[0] : i32 from vector<1xi32>
    %dma_start3A_923 = arith.constant 19 : i32
    %dma_start3A_924 = arith.constant 0 : i32
    %dma_start3A_925 = tpu.memref_slice %arg20[%dma_start3A_923, %dma_start3A_924] : memref<32x16xf32, #tpu.memory_space<vmem>> -> memref<1x16xf32, #tpu.memory_space<vmem>>
    %dma_start3A_926 = arith.constant 0 : i32
    %dma_start3A_927 = tpu.memref_slice %arg5[%squeeze3A_918, %dma_start3A_926] : memref<1000000x16xf32, #tpu.memory_space<hbm>> -> memref<1x16xf32, #tpu.memory_space<hbm>>
    %dma_start3A_928 = arith.constant 19 : i32
    %dma_start3A_929 = arith.constant 0 : i32
    %dma_start3A_930 = tpu.memref_slice %arg20[%dma_start3A_928, %dma_start3A_929] : memref<32x16xf32, #tpu.memory_space<vmem>> -> memref<1x16xf32, #tpu.memory_space<vmem>>
    %dma_start3A_931 = arith.constant 0 : i32
    %dma_start3A_932 = tpu.memref_slice %arg5[%squeeze3A_918, %dma_start3A_931] : memref<1000000x16xf32, #tpu.memory_space<hbm>> -> memref<1x16xf32, #tpu.memory_space<hbm>>
    tpu.enqueue_dma source(%dma_start3A_932 : memref<1x16xf32, #tpu.memory_space<hbm>>) target(%dma_start3A_930 : memref<1x16xf32, #tpu.memory_space<vmem>>) target_semaphore(%arg28 : memref<!tpu.dma_semaphore, #tpu.memory_space<semaphore_mem>>)
    %dma_start3A_933 = arith.constant 19 : i32
    %dma_start3A_934 = arith.constant 0 : i32
    %dma_start3A_935 = tpu.memref_slice %arg21[%dma_start3A_933, %dma_start3A_934] : memref<32x16xf32, #tpu.memory_space<vmem>> -> memref<1x16xf32, #tpu.memory_space<vmem>>
    %dma_start3A_936 = arith.constant 0 : i32
    %dma_start3A_937 = tpu.memref_slice %arg6[%squeeze3A_920, %dma_start3A_936] : memref<1000000x16xf32, #tpu.memory_space<hbm>> -> memref<1x16xf32, #tpu.memory_space<hbm>>
    %dma_start3A_938 = arith.constant 19 : i32
    %dma_start3A_939 = arith.constant 0 : i32
    %dma_start3A_940 = tpu.memref_slice %arg21[%dma_start3A_938, %dma_start3A_939] : memref<32x16xf32, #tpu.memory_space<vmem>> -> memref<1x16xf32, #tpu.memory_space<vmem>>
    %dma_start3A_941 = arith.constant 0 : i32
    %dma_start3A_942 = tpu.memref_slice %arg6[%squeeze3A_920, %dma_start3A_941] : memref<1000000x16xf32, #tpu.memory_space<hbm>> -> memref<1x16xf32, #tpu.memory_space<hbm>>
    tpu.enqueue_dma source(%dma_start3A_942 : memref<1x16xf32, #tpu.memory_space<hbm>>) target(%dma_start3A_940 : memref<1x16xf32, #tpu.memory_space<vmem>>) target_semaphore(%arg28 : memref<!tpu.dma_semaphore, #tpu.memory_space<semaphore_mem>>)
    %dma_start3A_943 = arith.constant 19 : i32
    %dma_start3A_944 = arith.constant 0 : i32
    %dma_start3A_945 = tpu.memref_slice %arg22[%dma_start3A_943, %dma_start3A_944] : memref<32x16xf32, #tpu.memory_space<vmem>> -> memref<1x16xf32, #tpu.memory_space<vmem>>
    %dma_start3A_946 = arith.constant 0 : i32
    %dma_start3A_947 = tpu.memref_slice %arg6[%squeeze3A_922, %dma_start3A_946] : memref<1000000x16xf32, #tpu.memory_space<hbm>> -> memref<1x16xf32, #tpu.memory_space<hbm>>
    %dma_start3A_948 = arith.constant 19 : i32
    %dma_start3A_949 = arith.constant 0 : i32
    %dma_start3A_950 = tpu.memref_slice %arg22[%dma_start3A_948, %dma_start3A_949] : memref<32x16xf32, #tpu.memory_space<vmem>> -> memref<1x16xf32, #tpu.memory_space<vmem>>
    %dma_start3A_951 = arith.constant 0 : i32
    %dma_start3A_952 = tpu.memref_slice %arg6[%squeeze3A_922, %dma_start3A_951] : memref<1000000x16xf32, #tpu.memory_space<hbm>> -> memref<1x16xf32, #tpu.memory_space<hbm>>
    tpu.enqueue_dma source(%dma_start3A_952 : memref<1x16xf32, #tpu.memory_space<hbm>>) target(%dma_start3A_950 : memref<1x16xf32, #tpu.memory_space<vmem>>) target_semaphore(%arg28 : memref<!tpu.dma_semaphore, #tpu.memory_space<semaphore_mem>>)
    %dma_start3A_953 = arith.constant 19 : i32
    %dma_start3A_954 = arith.constant 0 : i32
    %dma_start3A_955 = tpu.memref_slice %arg23[%dma_start3A_953, %dma_start3A_954] : memref<32x16xf32, #tpu.memory_space<vmem>> -> memref<1x16xf32, #tpu.memory_space<vmem>>
    %dma_start3A_956 = arith.constant 0 : i32
    %dma_start3A_957 = tpu.memref_slice %arg7[%squeeze3A_918, %dma_start3A_956] : memref<1000000x16xf32, #tpu.memory_space<hbm>> -> memref<1x16xf32, #tpu.memory_space<hbm>>
    %dma_start3A_958 = arith.constant 19 : i32
    %dma_start3A_959 = arith.constant 0 : i32
    %dma_start3A_960 = tpu.memref_slice %arg23[%dma_start3A_958, %dma_start3A_959] : memref<32x16xf32, #tpu.memory_space<vmem>> -> memref<1x16xf32, #tpu.memory_space<vmem>>
    %dma_start3A_961 = arith.constant 0 : i32
    %dma_start3A_962 = tpu.memref_slice %arg7[%squeeze3A_918, %dma_start3A_961] : memref<1000000x16xf32, #tpu.memory_space<hbm>> -> memref<1x16xf32, #tpu.memory_space<hbm>>
    tpu.enqueue_dma source(%dma_start3A_962 : memref<1x16xf32, #tpu.memory_space<hbm>>) target(%dma_start3A_960 : memref<1x16xf32, #tpu.memory_space<vmem>>) target_semaphore(%arg28 : memref<!tpu.dma_semaphore, #tpu.memory_space<semaphore_mem>>)
    %slice3A_963 = vector.extract_strided_slice %get3A_774 {offsets = [4], sizes = [1], strides = [1]} : vector<16xi32> to vector<1xi32>
    %squeeze3A_964 = vector.extract %slice3A_963[0] : i32 from vector<1xi32>
    %slice3A_965 = vector.extract_strided_slice %get3A_776 {offsets = [4], sizes = [1], strides = [1]} : vector<16xi32> to vector<1xi32>
    %squeeze3A_966 = vector.extract %slice3A_965[0] : i32 from vector<1xi32>
    %slice3A_967 = vector.extract_strided_slice %get3A_778 {offsets = [4], sizes = [1], strides = [1]} : vector<16xi32> to vector<1xi32>
    %squeeze3A_968 = vector.extract %slice3A_967[0] : i32 from vector<1xi32>
    %dma_start3A_969 = arith.constant 20 : i32
    %dma_start3A_970 = arith.constant 0 : i32
    %dma_start3A_971 = tpu.memref_slice %arg20[%dma_start3A_969, %dma_start3A_970] : memref<32x16xf32, #tpu.memory_space<vmem>> -> memref<1x16xf32, #tpu.memory_space<vmem>>
    %dma_start3A_972 = arith.constant 0 : i32
    %dma_start3A_973 = tpu.memref_slice %arg5[%squeeze3A_964, %dma_start3A_972] : memref<1000000x16xf32, #tpu.memory_space<hbm>> -> memref<1x16xf32, #tpu.memory_space<hbm>>
    %dma_start3A_974 = arith.constant 20 : i32
    %dma_start3A_975 = arith.constant 0 : i32
    %dma_start3A_976 = tpu.memref_slice %arg20[%dma_start3A_974, %dma_start3A_975] : memref<32x16xf32, #tpu.memory_space<vmem>> -> memref<1x16xf32, #tpu.memory_space<vmem>>
    %dma_start3A_977 = arith.constant 0 : i32
    %dma_start3A_978 = tpu.memref_slice %arg5[%squeeze3A_964, %dma_start3A_977] : memref<1000000x16xf32, #tpu.memory_space<hbm>> -> memref<1x16xf32, #tpu.memory_space<hbm>>
    tpu.enqueue_dma source(%dma_start3A_978 : memref<1x16xf32, #tpu.memory_space<hbm>>) target(%dma_start3A_976 : memref<1x16xf32, #tpu.memory_space<vmem>>) target_semaphore(%arg28 : memref<!tpu.dma_semaphore, #tpu.memory_space<semaphore_mem>>)
    %dma_start3A_979 = arith.constant 20 : i32
    %dma_start3A_980 = arith.constant 0 : i32
    %dma_start3A_981 = tpu.memref_slice %arg21[%dma_start3A_979, %dma_start3A_980] : memref<32x16xf32, #tpu.memory_space<vmem>> -> memref<1x16xf32, #tpu.memory_space<vmem>>
    %dma_start3A_982 = arith.constant 0 : i32
    %dma_start3A_983 = tpu.memref_slice %arg6[%squeeze3A_966, %dma_start3A_982] : memref<1000000x16xf32, #tpu.memory_space<hbm>> -> memref<1x16xf32, #tpu.memory_space<hbm>>
    %dma_start3A_984 = arith.constant 20 : i32
    %dma_start3A_985 = arith.constant 0 : i32
    %dma_start3A_986 = tpu.memref_slice %arg21[%dma_start3A_984, %dma_start3A_985] : memref<32x16xf32, #tpu.memory_space<vmem>> -> memref<1x16xf32, #tpu.memory_space<vmem>>
    %dma_start3A_987 = arith.constant 0 : i32
    %dma_start3A_988 = tpu.memref_slice %arg6[%squeeze3A_966, %dma_start3A_987] : memref<1000000x16xf32, #tpu.memory_space<hbm>> -> memref<1x16xf32, #tpu.memory_space<hbm>>
    tpu.enqueue_dma source(%dma_start3A_988 : memref<1x16xf32, #tpu.memory_space<hbm>>) target(%dma_start3A_986 : memref<1x16xf32, #tpu.memory_space<vmem>>) target_semaphore(%arg28 : memref<!tpu.dma_semaphore, #tpu.memory_space<semaphore_mem>>)
    %dma_start3A_989 = arith.constant 20 : i32
    %dma_start3A_990 = arith.constant 0 : i32
    %dma_start3A_991 = tpu.memref_slice %arg22[%dma_start3A_989, %dma_start3A_990] : memref<32x16xf32, #tpu.memory_space<vmem>> -> memref<1x16xf32, #tpu.memory_space<vmem>>
    %dma_start3A_992 = arith.constant 0 : i32
    %dma_start3A_993 = tpu.memref_slice %arg6[%squeeze3A_968, %dma_start3A_992] : memref<1000000x16xf32, #tpu.memory_space<hbm>> -> memref<1x16xf32, #tpu.memory_space<hbm>>
    %dma_start3A_994 = arith.constant 20 : i32
    %dma_start3A_995 = arith.constant 0 : i32
    %dma_start3A_996 = tpu.memref_slice %arg22[%dma_start3A_994, %dma_start3A_995] : memref<32x16xf32, #tpu.memory_space<vmem>> -> memref<1x16xf32, #tpu.memory_space<vmem>>
    %dma_start3A_997 = arith.constant 0 : i32
    %dma_start3A_998 = tpu.memref_slice %arg6[%squeeze3A_968, %dma_start3A_997] : memref<1000000x16xf32, #tpu.memory_space<hbm>> -> memref<1x16xf32, #tpu.memory_space<hbm>>
    tpu.enqueue_dma source(%dma_start3A_998 : memref<1x16xf32, #tpu.memory_space<hbm>>) target(%dma_start3A_996 : memref<1x16xf32, #tpu.memory_space<vmem>>) target_semaphore(%arg28 : memref<!tpu.dma_semaphore, #tpu.memory_space<semaphore_mem>>)
    %dma_start3A_999 = arith.constant 20 : i32
    %dma_start3A_1000 = arith.constant 0 : i32
    %dma_start3A_1001 = tpu.memref_slice %arg23[%dma_start3A_999, %dma_start3A_1000] : memref<32x16xf32, #tpu.memory_space<vmem>> -> memref<1x16xf32, #tpu.memory_space<vmem>>
    %dma_start3A_1002 = arith.constant 0 : i32
    %dma_start3A_1003 = tpu.memref_slice %arg7[%squeeze3A_964, %dma_start3A_1002] : memref<1000000x16xf32, #tpu.memory_space<hbm>> -> memref<1x16xf32, #tpu.memory_space<hbm>>
    %dma_start3A_1004 = arith.constant 20 : i32
    %dma_start3A_1005 = arith.constant 0 : i32
    %dma_start3A_1006 = tpu.memref_slice %arg23[%dma_start3A_1004, %dma_start3A_1005] : memref<32x16xf32, #tpu.memory_space<vmem>> -> memref<1x16xf32, #tpu.memory_space<vmem>>
    %dma_start3A_1007 = arith.constant 0 : i32
    %dma_start3A_1008 = tpu.memref_slice %arg7[%squeeze3A_964, %dma_start3A_1007] : memref<1000000x16xf32, #tpu.memory_space<hbm>> -> memref<1x16xf32, #tpu.memory_space<hbm>>
    tpu.enqueue_dma source(%dma_start3A_1008 : memref<1x16xf32, #tpu.memory_space<hbm>>) target(%dma_start3A_1006 : memref<1x16xf32, #tpu.memory_space<vmem>>) target_semaphore(%arg28 : memref<!tpu.dma_semaphore, #tpu.memory_space<semaphore_mem>>)
    %slice3A_1009 = vector.extract_strided_slice %get3A_774 {offsets = [5], sizes = [1], strides = [1]} : vector<16xi32> to vector<1xi32>
    %squeeze3A_1010 = vector.extract %slice3A_1009[0] : i32 from vector<1xi32>
    %slice3A_1011 = vector.extract_strided_slice %get3A_776 {offsets = [5], sizes = [1], strides = [1]} : vector<16xi32> to vector<1xi32>
    %squeeze3A_1012 = vector.extract %slice3A_1011[0] : i32 from vector<1xi32>
    %slice3A_1013 = vector.extract_strided_slice %get3A_778 {offsets = [5], sizes = [1], strides = [1]} : vector<16xi32> to vector<1xi32>
    %squeeze3A_1014 = vector.extract %slice3A_1013[0] : i32 from vector<1xi32>
    %dma_start3A_1015 = arith.constant 21 : i32
    %dma_start3A_1016 = arith.constant 0 : i32
    %dma_start3A_1017 = tpu.memref_slice %arg20[%dma_start3A_1015, %dma_start3A_1016] : memref<32x16xf32, #tpu.memory_space<vmem>> -> memref<1x16xf32, #tpu.memory_space<vmem>>
    %dma_start3A_1018 = arith.constant 0 : i32
    %dma_start3A_1019 = tpu.memref_slice %arg5[%squeeze3A_1010, %dma_start3A_1018] : memref<1000000x16xf32, #tpu.memory_space<hbm>> -> memref<1x16xf32, #tpu.memory_space<hbm>>
    %dma_start3A_1020 = arith.constant 21 : i32
    %dma_start3A_1021 = arith.constant 0 : i32
    %dma_start3A_1022 = tpu.memref_slice %arg20[%dma_start3A_1020, %dma_start3A_1021] : memref<32x16xf32, #tpu.memory_space<vmem>> -> memref<1x16xf32, #tpu.memory_space<vmem>>
    %dma_start3A_1023 = arith.constant 0 : i32
    %dma_start3A_1024 = tpu.memref_slice %arg5[%squeeze3A_1010, %dma_start3A_1023] : memref<1000000x16xf32, #tpu.memory_space<hbm>> -> memref<1x16xf32, #tpu.memory_space<hbm>>
    tpu.enqueue_dma source(%dma_start3A_1024 : memref<1x16xf32, #tpu.memory_space<hbm>>) target(%dma_start3A_1022 : memref<1x16xf32, #tpu.memory_space<vmem>>) target_semaphore(%arg28 : memref<!tpu.dma_semaphore, #tpu.memory_space<semaphore_mem>>)
    %dma_start3A_1025 = arith.constant 21 : i32
    %dma_start3A_1026 = arith.constant 0 : i32
    %dma_start3A_1027 = tpu.memref_slice %arg21[%dma_start3A_1025, %dma_start3A_1026] : memref<32x16xf32, #tpu.memory_space<vmem>> -> memref<1x16xf32, #tpu.memory_space<vmem>>
    %dma_start3A_1028 = arith.constant 0 : i32
    %dma_start3A_1029 = tpu.memref_slice %arg6[%squeeze3A_1012, %dma_start3A_1028] : memref<1000000x16xf32, #tpu.memory_space<hbm>> -> memref<1x16xf32, #tpu.memory_space<hbm>>
    %dma_start3A_1030 = arith.constant 21 : i32
    %dma_start3A_1031 = arith.constant 0 : i32
    %dma_start3A_1032 = tpu.memref_slice %arg21[%dma_start3A_1030, %dma_start3A_1031] : memref<32x16xf32, #tpu.memory_space<vmem>> -> memref<1x16xf32, #tpu.memory_space<vmem>>
    %dma_start3A_1033 = arith.constant 0 : i32
    %dma_start3A_1034 = tpu.memref_slice %arg6[%squeeze3A_1012, %dma_start3A_1033] : memref<1000000x16xf32, #tpu.memory_space<hbm>> -> memref<1x16xf32, #tpu.memory_space<hbm>>
    tpu.enqueue_dma source(%dma_start3A_1034 : memref<1x16xf32, #tpu.memory_space<hbm>>) target(%dma_start3A_1032 : memref<1x16xf32, #tpu.memory_space<vmem>>) target_semaphore(%arg28 : memref<!tpu.dma_semaphore, #tpu.memory_space<semaphore_mem>>)
    %dma_start3A_1035 = arith.constant 21 : i32
    %dma_start3A_1036 = arith.constant 0 : i32
    %dma_start3A_1037 = tpu.memref_slice %arg22[%dma_start3A_1035, %dma_start3A_1036] : memref<32x16xf32, #tpu.memory_space<vmem>> -> memref<1x16xf32, #tpu.memory_space<vmem>>
    %dma_start3A_1038 = arith.constant 0 : i32
    %dma_start3A_1039 = tpu.memref_slice %arg6[%squeeze3A_1014, %dma_start3A_1038] : memref<1000000x16xf32, #tpu.memory_space<hbm>> -> memref<1x16xf32, #tpu.memory_space<hbm>>
    %dma_start3A_1040 = arith.constant 21 : i32
    %dma_start3A_1041 = arith.constant 0 : i32
    %dma_start3A_1042 = tpu.memref_slice %arg22[%dma_start3A_1040, %dma_start3A_1041] : memref<32x16xf32, #tpu.memory_space<vmem>> -> memref<1x16xf32, #tpu.memory_space<vmem>>
    %dma_start3A_1043 = arith.constant 0 : i32
    %dma_start3A_1044 = tpu.memref_slice %arg6[%squeeze3A_1014, %dma_start3A_1043] : memref<1000000x16xf32, #tpu.memory_space<hbm>> -> memref<1x16xf32, #tpu.memory_space<hbm>>
    tpu.enqueue_dma source(%dma_start3A_1044 : memref<1x16xf32, #tpu.memory_space<hbm>>) target(%dma_start3A_1042 : memref<1x16xf32, #tpu.memory_space<vmem>>) target_semaphore(%arg28 : memref<!tpu.dma_semaphore, #tpu.memory_space<semaphore_mem>>)
    %dma_start3A_1045 = arith.constant 21 : i32
    %dma_start3A_1046 = arith.constant 0 : i32
    %dma_start3A_1047 = tpu.memref_slice %arg23[%dma_start3A_1045, %dma_start3A_1046] : memref<32x16xf32, #tpu.memory_space<vmem>> -> memref<1x16xf32, #tpu.memory_space<vmem>>
    %dma_start3A_1048 = arith.constant 0 : i32
    %dma_start3A_1049 = tpu.memref_slice %arg7[%squeeze3A_1010, %dma_start3A_1048] : memref<1000000x16xf32, #tpu.memory_space<hbm>> -> memref<1x16xf32, #tpu.memory_space<hbm>>
    %dma_start3A_1050 = arith.constant 21 : i32
    %dma_start3A_1051 = arith.constant 0 : i32
    %dma_start3A_1052 = tpu.memref_slice %arg23[%dma_start3A_1050, %dma_start3A_1051] : memref<32x16xf32, #tpu.memory_space<vmem>> -> memref<1x16xf32, #tpu.memory_space<vmem>>
    %dma_start3A_1053 = arith.constant 0 : i32
    %dma_start3A_1054 = tpu.memref_slice %arg7[%squeeze3A_1010, %dma_start3A_1053] : memref<1000000x16xf32, #tpu.memory_space<hbm>> -> memref<1x16xf32, #tpu.memory_space<hbm>>
    tpu.enqueue_dma source(%dma_start3A_1054 : memref<1x16xf32, #tpu.memory_space<hbm>>) target(%dma_start3A_1052 : memref<1x16xf32, #tpu.memory_space<vmem>>) target_semaphore(%arg28 : memref<!tpu.dma_semaphore, #tpu.memory_space<semaphore_mem>>)
    %slice3A_1055 = vector.extract_strided_slice %get3A_774 {offsets = [6], sizes = [1], strides = [1]} : vector<16xi32> to vector<1xi32>
    %squeeze3A_1056 = vector.extract %slice3A_1055[0] : i32 from vector<1xi32>
    %slice3A_1057 = vector.extract_strided_slice %get3A_776 {offsets = [6], sizes = [1], strides = [1]} : vector<16xi32> to vector<1xi32>
    %squeeze3A_1058 = vector.extract %slice3A_1057[0] : i32 from vector<1xi32>
    %slice3A_1059 = vector.extract_strided_slice %get3A_778 {offsets = [6], sizes = [1], strides = [1]} : vector<16xi32> to vector<1xi32>
    %squeeze3A_1060 = vector.extract %slice3A_1059[0] : i32 from vector<1xi32>
    %dma_start3A_1061 = arith.constant 22 : i32
    %dma_start3A_1062 = arith.constant 0 : i32
    %dma_start3A_1063 = tpu.memref_slice %arg20[%dma_start3A_1061, %dma_start3A_1062] : memref<32x16xf32, #tpu.memory_space<vmem>> -> memref<1x16xf32, #tpu.memory_space<vmem>>
    %dma_start3A_1064 = arith.constant 0 : i32
    %dma_start3A_1065 = tpu.memref_slice %arg5[%squeeze3A_1056, %dma_start3A_1064] : memref<1000000x16xf32, #tpu.memory_space<hbm>> -> memref<1x16xf32, #tpu.memory_space<hbm>>
    %dma_start3A_1066 = arith.constant 22 : i32
    %dma_start3A_1067 = arith.constant 0 : i32
    %dma_start3A_1068 = tpu.memref_slice %arg20[%dma_start3A_1066, %dma_start3A_1067] : memref<32x16xf32, #tpu.memory_space<vmem>> -> memref<1x16xf32, #tpu.memory_space<vmem>>
    %dma_start3A_1069 = arith.constant 0 : i32
    %dma_start3A_1070 = tpu.memref_slice %arg5[%squeeze3A_1056, %dma_start3A_1069] : memref<1000000x16xf32, #tpu.memory_space<hbm>> -> memref<1x16xf32, #tpu.memory_space<hbm>>
    tpu.enqueue_dma source(%dma_start3A_1070 : memref<1x16xf32, #tpu.memory_space<hbm>>) target(%dma_start3A_1068 : memref<1x16xf32, #tpu.memory_space<vmem>>) target_semaphore(%arg28 : memref<!tpu.dma_semaphore, #tpu.memory_space<semaphore_mem>>)
    %dma_start3A_1071 = arith.constant 22 : i32
    %dma_start3A_1072 = arith.constant 0 : i32
    %dma_start3A_1073 = tpu.memref_slice %arg21[%dma_start3A_1071, %dma_start3A_1072] : memref<32x16xf32, #tpu.memory_space<vmem>> -> memref<1x16xf32, #tpu.memory_space<vmem>>
    %dma_start3A_1074 = arith.constant 0 : i32
    %dma_start3A_1075 = tpu.memref_slice %arg6[%squeeze3A_1058, %dma_start3A_1074] : memref<1000000x16xf32, #tpu.memory_space<hbm>> -> memref<1x16xf32, #tpu.memory_space<hbm>>
    %dma_start3A_1076 = arith.constant 22 : i32
    %dma_start3A_1077 = arith.constant 0 : i32
    %dma_start3A_1078 = tpu.memref_slice %arg21[%dma_start3A_1076, %dma_start3A_1077] : memref<32x16xf32, #tpu.memory_space<vmem>> -> memref<1x16xf32, #tpu.memory_space<vmem>>
    %dma_start3A_1079 = arith.constant 0 : i32
    %dma_start3A_1080 = tpu.memref_slice %arg6[%squeeze3A_1058, %dma_start3A_1079] : memref<1000000x16xf32, #tpu.memory_space<hbm>> -> memref<1x16xf32, #tpu.memory_space<hbm>>
    tpu.enqueue_dma source(%dma_start3A_1080 : memref<1x16xf32, #tpu.memory_space<hbm>>) target(%dma_start3A_1078 : memref<1x16xf32, #tpu.memory_space<vmem>>) target_semaphore(%arg28 : memref<!tpu.dma_semaphore, #tpu.memory_space<semaphore_mem>>)
    %dma_start3A_1081 = arith.constant 22 : i32
    %dma_start3A_1082 = arith.constant 0 : i32
    %dma_start3A_1083 = tpu.memref_slice %arg22[%dma_start3A_1081, %dma_start3A_1082] : memref<32x16xf32, #tpu.memory_space<vmem>> -> memref<1x16xf32, #tpu.memory_space<vmem>>
    %dma_start3A_1084 = arith.constant 0 : i32
    %dma_start3A_1085 = tpu.memref_slice %arg6[%squeeze3A_1060, %dma_start3A_1084] : memref<1000000x16xf32, #tpu.memory_space<hbm>> -> memref<1x16xf32, #tpu.memory_space<hbm>>
    %dma_start3A_1086 = arith.constant 22 : i32
    %dma_start3A_1087 = arith.constant 0 : i32
    %dma_start3A_1088 = tpu.memref_slice %arg22[%dma_start3A_1086, %dma_start3A_1087] : memref<32x16xf32, #tpu.memory_space<vmem>> -> memref<1x16xf32, #tpu.memory_space<vmem>>
    %dma_start3A_1089 = arith.constant 0 : i32
    %dma_start3A_1090 = tpu.memref_slice %arg6[%squeeze3A_1060, %dma_start3A_1089] : memref<1000000x16xf32, #tpu.memory_space<hbm>> -> memref<1x16xf32, #tpu.memory_space<hbm>>
    tpu.enqueue_dma source(%dma_start3A_1090 : memref<1x16xf32, #tpu.memory_space<hbm>>) target(%dma_start3A_1088 : memref<1x16xf32, #tpu.memory_space<vmem>>) target_semaphore(%arg28 : memref<!tpu.dma_semaphore, #tpu.memory_space<semaphore_mem>>)
    %dma_start3A_1091 = arith.constant 22 : i32
    %dma_start3A_1092 = arith.constant 0 : i32
    %dma_start3A_1093 = tpu.memref_slice %arg23[%dma_start3A_1091, %dma_start3A_1092] : memref<32x16xf32, #tpu.memory_space<vmem>> -> memref<1x16xf32, #tpu.memory_space<vmem>>
    %dma_start3A_1094 = arith.constant 0 : i32
    %dma_start3A_1095 = tpu.memref_slice %arg7[%squeeze3A_1056, %dma_start3A_1094] : memref<1000000x16xf32, #tpu.memory_space<hbm>> -> memref<1x16xf32, #tpu.memory_space<hbm>>
    %dma_start3A_1096 = arith.constant 22 : i32
    %dma_start3A_1097 = arith.constant 0 : i32
    %dma_start3A_1098 = tpu.memref_slice %arg23[%dma_start3A_1096, %dma_start3A_1097] : memref<32x16xf32, #tpu.memory_space<vmem>> -> memref<1x16xf32, #tpu.memory_space<vmem>>
    %dma_start3A_1099 = arith.constant 0 : i32
    %dma_start3A_1100 = tpu.memref_slice %arg7[%squeeze3A_1056, %dma_start3A_1099] : memref<1000000x16xf32, #tpu.memory_space<hbm>> -> memref<1x16xf32, #tpu.memory_space<hbm>>
    tpu.enqueue_dma source(%dma_start3A_1100 : memref<1x16xf32, #tpu.memory_space<hbm>>) target(%dma_start3A_1098 : memref<1x16xf32, #tpu.memory_space<vmem>>) target_semaphore(%arg28 : memref<!tpu.dma_semaphore, #tpu.memory_space<semaphore_mem>>)
    %slice3A_1101 = vector.extract_strided_slice %get3A_774 {offsets = [7], sizes = [1], strides = [1]} : vector<16xi32> to vector<1xi32>
    %squeeze3A_1102 = vector.extract %slice3A_1101[0] : i32 from vector<1xi32>
    %slice3A_1103 = vector.extract_strided_slice %get3A_776 {offsets = [7], sizes = [1], strides = [1]} : vector<16xi32> to vector<1xi32>
    %squeeze3A_1104 = vector.extract %slice3A_1103[0] : i32 from vector<1xi32>
    %slice3A_1105 = vector.extract_strided_slice %get3A_778 {offsets = [7], sizes = [1], strides = [1]} : vector<16xi32> to vector<1xi32>
    %squeeze3A_1106 = vector.extract %slice3A_1105[0] : i32 from vector<1xi32>
    %dma_start3A_1107 = arith.constant 23 : i32
    %dma_start3A_1108 = arith.constant 0 : i32
    %dma_start3A_1109 = tpu.memref_slice %arg20[%dma_start3A_1107, %dma_start3A_1108] : memref<32x16xf32, #tpu.memory_space<vmem>> -> memref<1x16xf32, #tpu.memory_space<vmem>>
    %dma_start3A_1110 = arith.constant 0 : i32
    %dma_start3A_1111 = tpu.memref_slice %arg5[%squeeze3A_1102, %dma_start3A_1110] : memref<1000000x16xf32, #tpu.memory_space<hbm>> -> memref<1x16xf32, #tpu.memory_space<hbm>>
    %dma_start3A_1112 = arith.constant 23 : i32
    %dma_start3A_1113 = arith.constant 0 : i32
    %dma_start3A_1114 = tpu.memref_slice %arg20[%dma_start3A_1112, %dma_start3A_1113] : memref<32x16xf32, #tpu.memory_space<vmem>> -> memref<1x16xf32, #tpu.memory_space<vmem>>
    %dma_start3A_1115 = arith.constant 0 : i32
    %dma_start3A_1116 = tpu.memref_slice %arg5[%squeeze3A_1102, %dma_start3A_1115] : memref<1000000x16xf32, #tpu.memory_space<hbm>> -> memref<1x16xf32, #tpu.memory_space<hbm>>
    tpu.enqueue_dma source(%dma_start3A_1116 : memref<1x16xf32, #tpu.memory_space<hbm>>) target(%dma_start3A_1114 : memref<1x16xf32, #tpu.memory_space<vmem>>) target_semaphore(%arg28 : memref<!tpu.dma_semaphore, #tpu.memory_space<semaphore_mem>>)
    %dma_start3A_1117 = arith.constant 23 : i32
    %dma_start3A_1118 = arith.constant 0 : i32
    %dma_start3A_1119 = tpu.memref_slice %arg21[%dma_start3A_1117, %dma_start3A_1118] : memref<32x16xf32, #tpu.memory_space<vmem>> -> memref<1x16xf32, #tpu.memory_space<vmem>>
    %dma_start3A_1120 = arith.constant 0 : i32
    %dma_start3A_1121 = tpu.memref_slice %arg6[%squeeze3A_1104, %dma_start3A_1120] : memref<1000000x16xf32, #tpu.memory_space<hbm>> -> memref<1x16xf32, #tpu.memory_space<hbm>>
    %dma_start3A_1122 = arith.constant 23 : i32
    %dma_start3A_1123 = arith.constant 0 : i32
    %dma_start3A_1124 = tpu.memref_slice %arg21[%dma_start3A_1122, %dma_start3A_1123] : memref<32x16xf32, #tpu.memory_space<vmem>> -> memref<1x16xf32, #tpu.memory_space<vmem>>
    %dma_start3A_1125 = arith.constant 0 : i32
    %dma_start3A_1126 = tpu.memref_slice %arg6[%squeeze3A_1104, %dma_start3A_1125] : memref<1000000x16xf32, #tpu.memory_space<hbm>> -> memref<1x16xf32, #tpu.memory_space<hbm>>
    tpu.enqueue_dma source(%dma_start3A_1126 : memref<1x16xf32, #tpu.memory_space<hbm>>) target(%dma_start3A_1124 : memref<1x16xf32, #tpu.memory_space<vmem>>) target_semaphore(%arg28 : memref<!tpu.dma_semaphore, #tpu.memory_space<semaphore_mem>>)
    %dma_start3A_1127 = arith.constant 23 : i32
    %dma_start3A_1128 = arith.constant 0 : i32
    %dma_start3A_1129 = tpu.memref_slice %arg22[%dma_start3A_1127, %dma_start3A_1128] : memref<32x16xf32, #tpu.memory_space<vmem>> -> memref<1x16xf32, #tpu.memory_space<vmem>>
    %dma_start3A_1130 = arith.constant 0 : i32
    %dma_start3A_1131 = tpu.memref_slice %arg6[%squeeze3A_1106, %dma_start3A_1130] : memref<1000000x16xf32, #tpu.memory_space<hbm>> -> memref<1x16xf32, #tpu.memory_space<hbm>>
    %dma_start3A_1132 = arith.constant 23 : i32
    %dma_start3A_1133 = arith.constant 0 : i32
    %dma_start3A_1134 = tpu.memref_slice %arg22[%dma_start3A_1132, %dma_start3A_1133] : memref<32x16xf32, #tpu.memory_space<vmem>> -> memref<1x16xf32, #tpu.memory_space<vmem>>
    %dma_start3A_1135 = arith.constant 0 : i32
    %dma_start3A_1136 = tpu.memref_slice %arg6[%squeeze3A_1106, %dma_start3A_1135] : memref<1000000x16xf32, #tpu.memory_space<hbm>> -> memref<1x16xf32, #tpu.memory_space<hbm>>
    tpu.enqueue_dma source(%dma_start3A_1136 : memref<1x16xf32, #tpu.memory_space<hbm>>) target(%dma_start3A_1134 : memref<1x16xf32, #tpu.memory_space<vmem>>) target_semaphore(%arg28 : memref<!tpu.dma_semaphore, #tpu.memory_space<semaphore_mem>>)
    %dma_start3A_1137 = arith.constant 23 : i32
    %dma_start3A_1138 = arith.constant 0 : i32
    %dma_start3A_1139 = tpu.memref_slice %arg23[%dma_start3A_1137, %dma_start3A_1138] : memref<32x16xf32, #tpu.memory_space<vmem>> -> memref<1x16xf32, #tpu.memory_space<vmem>>
    %dma_start3A_1140 = arith.constant 0 : i32
    %dma_start3A_1141 = tpu.memref_slice %arg7[%squeeze3A_1102, %dma_start3A_1140] : memref<1000000x16xf32, #tpu.memory_space<hbm>> -> memref<1x16xf32, #tpu.memory_space<hbm>>
    %dma_start3A_1142 = arith.constant 23 : i32
    %dma_start3A_1143 = arith.constant 0 : i32
    %dma_start3A_1144 = tpu.memref_slice %arg23[%dma_start3A_1142, %dma_start3A_1143] : memref<32x16xf32, #tpu.memory_space<vmem>> -> memref<1x16xf32, #tpu.memory_space<vmem>>
    %dma_start3A_1145 = arith.constant 0 : i32
    %dma_start3A_1146 = tpu.memref_slice %arg7[%squeeze3A_1102, %dma_start3A_1145] : memref<1000000x16xf32, #tpu.memory_space<hbm>> -> memref<1x16xf32, #tpu.memory_space<hbm>>
    tpu.enqueue_dma source(%dma_start3A_1146 : memref<1x16xf32, #tpu.memory_space<hbm>>) target(%dma_start3A_1144 : memref<1x16xf32, #tpu.memory_space<vmem>>) target_semaphore(%arg28 : memref<!tpu.dma_semaphore, #tpu.memory_space<semaphore_mem>>)
    %slice3A_1147 = vector.extract_strided_slice %get3A_774 {offsets = [8], sizes = [1], strides = [1]} : vector<16xi32> to vector<1xi32>
    %squeeze3A_1148 = vector.extract %slice3A_1147[0] : i32 from vector<1xi32>
    %slice3A_1149 = vector.extract_strided_slice %get3A_776 {offsets = [8], sizes = [1], strides = [1]} : vector<16xi32> to vector<1xi32>
    %squeeze3A_1150 = vector.extract %slice3A_1149[0] : i32 from vector<1xi32>
    %slice3A_1151 = vector.extract_strided_slice %get3A_778 {offsets = [8], sizes = [1], strides = [1]} : vector<16xi32> to vector<1xi32>
    %squeeze3A_1152 = vector.extract %slice3A_1151[0] : i32 from vector<1xi32>
    %dma_start3A_1153 = arith.constant 24 : i32
    %dma_start3A_1154 = arith.constant 0 : i32
    %dma_start3A_1155 = tpu.memref_slice %arg20[%dma_start3A_1153, %dma_start3A_1154] : memref<32x16xf32, #tpu.memory_space<vmem>> -> memref<1x16xf32, #tpu.memory_space<vmem>>
    %dma_start3A_1156 = arith.constant 0 : i32
    %dma_start3A_1157 = tpu.memref_slice %arg5[%squeeze3A_1148, %dma_start3A_1156] : memref<1000000x16xf32, #tpu.memory_space<hbm>> -> memref<1x16xf32, #tpu.memory_space<hbm>>
    %dma_start3A_1158 = arith.constant 24 : i32
    %dma_start3A_1159 = arith.constant 0 : i32
    %dma_start3A_1160 = tpu.memref_slice %arg20[%dma_start3A_1158, %dma_start3A_1159] : memref<32x16xf32, #tpu.memory_space<vmem>> -> memref<1x16xf32, #tpu.memory_space<vmem>>
    %dma_start3A_1161 = arith.constant 0 : i32
    %dma_start3A_1162 = tpu.memref_slice %arg5[%squeeze3A_1148, %dma_start3A_1161] : memref<1000000x16xf32, #tpu.memory_space<hbm>> -> memref<1x16xf32, #tpu.memory_space<hbm>>
    tpu.enqueue_dma source(%dma_start3A_1162 : memref<1x16xf32, #tpu.memory_space<hbm>>) target(%dma_start3A_1160 : memref<1x16xf32, #tpu.memory_space<vmem>>) target_semaphore(%arg28 : memref<!tpu.dma_semaphore, #tpu.memory_space<semaphore_mem>>)
    %dma_start3A_1163 = arith.constant 24 : i32
    %dma_start3A_1164 = arith.constant 0 : i32
    %dma_start3A_1165 = tpu.memref_slice %arg21[%dma_start3A_1163, %dma_start3A_1164] : memref<32x16xf32, #tpu.memory_space<vmem>> -> memref<1x16xf32, #tpu.memory_space<vmem>>
    %dma_start3A_1166 = arith.constant 0 : i32
    %dma_start3A_1167 = tpu.memref_slice %arg6[%squeeze3A_1150, %dma_start3A_1166] : memref<1000000x16xf32, #tpu.memory_space<hbm>> -> memref<1x16xf32, #tpu.memory_space<hbm>>
    %dma_start3A_1168 = arith.constant 24 : i32
    %dma_start3A_1169 = arith.constant 0 : i32
    %dma_start3A_1170 = tpu.memref_slice %arg21[%dma_start3A_1168, %dma_start3A_1169] : memref<32x16xf32, #tpu.memory_space<vmem>> -> memref<1x16xf32, #tpu.memory_space<vmem>>
    %dma_start3A_1171 = arith.constant 0 : i32
    %dma_start3A_1172 = tpu.memref_slice %arg6[%squeeze3A_1150, %dma_start3A_1171] : memref<1000000x16xf32, #tpu.memory_space<hbm>> -> memref<1x16xf32, #tpu.memory_space<hbm>>
    tpu.enqueue_dma source(%dma_start3A_1172 : memref<1x16xf32, #tpu.memory_space<hbm>>) target(%dma_start3A_1170 : memref<1x16xf32, #tpu.memory_space<vmem>>) target_semaphore(%arg28 : memref<!tpu.dma_semaphore, #tpu.memory_space<semaphore_mem>>)
    %dma_start3A_1173 = arith.constant 24 : i32
    %dma_start3A_1174 = arith.constant 0 : i32
    %dma_start3A_1175 = tpu.memref_slice %arg22[%dma_start3A_1173, %dma_start3A_1174] : memref<32x16xf32, #tpu.memory_space<vmem>> -> memref<1x16xf32, #tpu.memory_space<vmem>>
    %dma_start3A_1176 = arith.constant 0 : i32
    %dma_start3A_1177 = tpu.memref_slice %arg6[%squeeze3A_1152, %dma_start3A_1176] : memref<1000000x16xf32, #tpu.memory_space<hbm>> -> memref<1x16xf32, #tpu.memory_space<hbm>>
    %dma_start3A_1178 = arith.constant 24 : i32
    %dma_start3A_1179 = arith.constant 0 : i32
    %dma_start3A_1180 = tpu.memref_slice %arg22[%dma_start3A_1178, %dma_start3A_1179] : memref<32x16xf32, #tpu.memory_space<vmem>> -> memref<1x16xf32, #tpu.memory_space<vmem>>
    %dma_start3A_1181 = arith.constant 0 : i32
    %dma_start3A_1182 = tpu.memref_slice %arg6[%squeeze3A_1152, %dma_start3A_1181] : memref<1000000x16xf32, #tpu.memory_space<hbm>> -> memref<1x16xf32, #tpu.memory_space<hbm>>
    tpu.enqueue_dma source(%dma_start3A_1182 : memref<1x16xf32, #tpu.memory_space<hbm>>) target(%dma_start3A_1180 : memref<1x16xf32, #tpu.memory_space<vmem>>) target_semaphore(%arg28 : memref<!tpu.dma_semaphore, #tpu.memory_space<semaphore_mem>>)
    %dma_start3A_1183 = arith.constant 24 : i32
    %dma_start3A_1184 = arith.constant 0 : i32
    %dma_start3A_1185 = tpu.memref_slice %arg23[%dma_start3A_1183, %dma_start3A_1184] : memref<32x16xf32, #tpu.memory_space<vmem>> -> memref<1x16xf32, #tpu.memory_space<vmem>>
    %dma_start3A_1186 = arith.constant 0 : i32
    %dma_start3A_1187 = tpu.memref_slice %arg7[%squeeze3A_1148, %dma_start3A_1186] : memref<1000000x16xf32, #tpu.memory_space<hbm>> -> memref<1x16xf32, #tpu.memory_space<hbm>>
    %dma_start3A_1188 = arith.constant 24 : i32
    %dma_start3A_1189 = arith.constant 0 : i32
    %dma_start3A_1190 = tpu.memref_slice %arg23[%dma_start3A_1188, %dma_start3A_1189] : memref<32x16xf32, #tpu.memory_space<vmem>> -> memref<1x16xf32, #tpu.memory_space<vmem>>
    %dma_start3A_1191 = arith.constant 0 : i32
    %dma_start3A_1192 = tpu.memref_slice %arg7[%squeeze3A_1148, %dma_start3A_1191] : memref<1000000x16xf32, #tpu.memory_space<hbm>> -> memref<1x16xf32, #tpu.memory_space<hbm>>
    tpu.enqueue_dma source(%dma_start3A_1192 : memref<1x16xf32, #tpu.memory_space<hbm>>) target(%dma_start3A_1190 : memref<1x16xf32, #tpu.memory_space<vmem>>) target_semaphore(%arg28 : memref<!tpu.dma_semaphore, #tpu.memory_space<semaphore_mem>>)
    %slice3A_1193 = vector.extract_strided_slice %get3A_774 {offsets = [9], sizes = [1], strides = [1]} : vector<16xi32> to vector<1xi32>
    %squeeze3A_1194 = vector.extract %slice3A_1193[0] : i32 from vector<1xi32>
    %slice3A_1195 = vector.extract_strided_slice %get3A_776 {offsets = [9], sizes = [1], strides = [1]} : vector<16xi32> to vector<1xi32>
    %squeeze3A_1196 = vector.extract %slice3A_1195[0] : i32 from vector<1xi32>
    %slice3A_1197 = vector.extract_strided_slice %get3A_778 {offsets = [9], sizes = [1], strides = [1]} : vector<16xi32> to vector<1xi32>
    %squeeze3A_1198 = vector.extract %slice3A_1197[0] : i32 from vector<1xi32>
    %dma_start3A_1199 = arith.constant 25 : i32
    %dma_start3A_1200 = arith.constant 0 : i32
    %dma_start3A_1201 = tpu.memref_slice %arg20[%dma_start3A_1199, %dma_start3A_1200] : memref<32x16xf32, #tpu.memory_space<vmem>> -> memref<1x16xf32, #tpu.memory_space<vmem>>
    %dma_start3A_1202 = arith.constant 0 : i32
    %dma_start3A_1203 = tpu.memref_slice %arg5[%squeeze3A_1194, %dma_start3A_1202] : memref<1000000x16xf32, #tpu.memory_space<hbm>> -> memref<1x16xf32, #tpu.memory_space<hbm>>
    %dma_start3A_1204 = arith.constant 25 : i32
    %dma_start3A_1205 = arith.constant 0 : i32
    %dma_start3A_1206 = tpu.memref_slice %arg20[%dma_start3A_1204, %dma_start3A_1205] : memref<32x16xf32, #tpu.memory_space<vmem>> -> memref<1x16xf32, #tpu.memory_space<vmem>>
    %dma_start3A_1207 = arith.constant 0 : i32
    %dma_start3A_1208 = tpu.memref_slice %arg5[%squeeze3A_1194, %dma_start3A_1207] : memref<1000000x16xf32, #tpu.memory_space<hbm>> -> memref<1x16xf32, #tpu.memory_space<hbm>>
    tpu.enqueue_dma source(%dma_start3A_1208 : memref<1x16xf32, #tpu.memory_space<hbm>>) target(%dma_start3A_1206 : memref<1x16xf32, #tpu.memory_space<vmem>>) target_semaphore(%arg28 : memref<!tpu.dma_semaphore, #tpu.memory_space<semaphore_mem>>)
    %dma_start3A_1209 = arith.constant 25 : i32
    %dma_start3A_1210 = arith.constant 0 : i32
    %dma_start3A_1211 = tpu.memref_slice %arg21[%dma_start3A_1209, %dma_start3A_1210] : memref<32x16xf32, #tpu.memory_space<vmem>> -> memref<1x16xf32, #tpu.memory_space<vmem>>
    %dma_start3A_1212 = arith.constant 0 : i32
    %dma_start3A_1213 = tpu.memref_slice %arg6[%squeeze3A_1196, %dma_start3A_1212] : memref<1000000x16xf32, #tpu.memory_space<hbm>> -> memref<1x16xf32, #tpu.memory_space<hbm>>
    %dma_start3A_1214 = arith.constant 25 : i32
    %dma_start3A_1215 = arith.constant 0 : i32
    %dma_start3A_1216 = tpu.memref_slice %arg21[%dma_start3A_1214, %dma_start3A_1215] : memref<32x16xf32, #tpu.memory_space<vmem>> -> memref<1x16xf32, #tpu.memory_space<vmem>>
    %dma_start3A_1217 = arith.constant 0 : i32
    %dma_start3A_1218 = tpu.memref_slice %arg6[%squeeze3A_1196, %dma_start3A_1217] : memref<1000000x16xf32, #tpu.memory_space<hbm>> -> memref<1x16xf32, #tpu.memory_space<hbm>>
    tpu.enqueue_dma source(%dma_start3A_1218 : memref<1x16xf32, #tpu.memory_space<hbm>>) target(%dma_start3A_1216 : memref<1x16xf32, #tpu.memory_space<vmem>>) target_semaphore(%arg28 : memref<!tpu.dma_semaphore, #tpu.memory_space<semaphore_mem>>)
    %dma_start3A_1219 = arith.constant 25 : i32
    %dma_start3A_1220 = arith.constant 0 : i32
    %dma_start3A_1221 = tpu.memref_slice %arg22[%dma_start3A_1219, %dma_start3A_1220] : memref<32x16xf32, #tpu.memory_space<vmem>> -> memref<1x16xf32, #tpu.memory_space<vmem>>
    %dma_start3A_1222 = arith.constant 0 : i32
    %dma_start3A_1223 = tpu.memref_slice %arg6[%squeeze3A_1198, %dma_start3A_1222] : memref<1000000x16xf32, #tpu.memory_space<hbm>> -> memref<1x16xf32, #tpu.memory_space<hbm>>
    %dma_start3A_1224 = arith.constant 25 : i32
    %dma_start3A_1225 = arith.constant 0 : i32
    %dma_start3A_1226 = tpu.memref_slice %arg22[%dma_start3A_1224, %dma_start3A_1225] : memref<32x16xf32, #tpu.memory_space<vmem>> -> memref<1x16xf32, #tpu.memory_space<vmem>>
    %dma_start3A_1227 = arith.constant 0 : i32
    %dma_start3A_1228 = tpu.memref_slice %arg6[%squeeze3A_1198, %dma_start3A_1227] : memref<1000000x16xf32, #tpu.memory_space<hbm>> -> memref<1x16xf32, #tpu.memory_space<hbm>>
    tpu.enqueue_dma source(%dma_start3A_1228 : memref<1x16xf32, #tpu.memory_space<hbm>>) target(%dma_start3A_1226 : memref<1x16xf32, #tpu.memory_space<vmem>>) target_semaphore(%arg28 : memref<!tpu.dma_semaphore, #tpu.memory_space<semaphore_mem>>)
    %dma_start3A_1229 = arith.constant 25 : i32
    %dma_start3A_1230 = arith.constant 0 : i32
    %dma_start3A_1231 = tpu.memref_slice %arg23[%dma_start3A_1229, %dma_start3A_1230] : memref<32x16xf32, #tpu.memory_space<vmem>> -> memref<1x16xf32, #tpu.memory_space<vmem>>
    %dma_start3A_1232 = arith.constant 0 : i32
    %dma_start3A_1233 = tpu.memref_slice %arg7[%squeeze3A_1194, %dma_start3A_1232] : memref<1000000x16xf32, #tpu.memory_space<hbm>> -> memref<1x16xf32, #tpu.memory_space<hbm>>
    %dma_start3A_1234 = arith.constant 25 : i32
    %dma_start3A_1235 = arith.constant 0 : i32
    %dma_start3A_1236 = tpu.memref_slice %arg23[%dma_start3A_1234, %dma_start3A_1235] : memref<32x16xf32, #tpu.memory_space<vmem>> -> memref<1x16xf32, #tpu.memory_space<vmem>>
    %dma_start3A_1237 = arith.constant 0 : i32
    %dma_start3A_1238 = tpu.memref_slice %arg7[%squeeze3A_1194, %dma_start3A_1237] : memref<1000000x16xf32, #tpu.memory_space<hbm>> -> memref<1x16xf32, #tpu.memory_space<hbm>>
    tpu.enqueue_dma source(%dma_start3A_1238 : memref<1x16xf32, #tpu.memory_space<hbm>>) target(%dma_start3A_1236 : memref<1x16xf32, #tpu.memory_space<vmem>>) target_semaphore(%arg28 : memref<!tpu.dma_semaphore, #tpu.memory_space<semaphore_mem>>)
    %slice3A_1239 = vector.extract_strided_slice %get3A_774 {offsets = [10], sizes = [1], strides = [1]} : vector<16xi32> to vector<1xi32>
    %squeeze3A_1240 = vector.extract %slice3A_1239[0] : i32 from vector<1xi32>
    %slice3A_1241 = vector.extract_strided_slice %get3A_776 {offsets = [10], sizes = [1], strides = [1]} : vector<16xi32> to vector<1xi32>
    %squeeze3A_1242 = vector.extract %slice3A_1241[0] : i32 from vector<1xi32>
    %slice3A_1243 = vector.extract_strided_slice %get3A_778 {offsets = [10], sizes = [1], strides = [1]} : vector<16xi32> to vector<1xi32>
    %squeeze3A_1244 = vector.extract %slice3A_1243[0] : i32 from vector<1xi32>
    %dma_start3A_1245 = arith.constant 26 : i32
    %dma_start3A_1246 = arith.constant 0 : i32
    %dma_start3A_1247 = tpu.memref_slice %arg20[%dma_start3A_1245, %dma_start3A_1246] : memref<32x16xf32, #tpu.memory_space<vmem>> -> memref<1x16xf32, #tpu.memory_space<vmem>>
    %dma_start3A_1248 = arith.constant 0 : i32
    %dma_start3A_1249 = tpu.memref_slice %arg5[%squeeze3A_1240, %dma_start3A_1248] : memref<1000000x16xf32, #tpu.memory_space<hbm>> -> memref<1x16xf32, #tpu.memory_space<hbm>>
    %dma_start3A_1250 = arith.constant 26 : i32
    %dma_start3A_1251 = arith.constant 0 : i32
    %dma_start3A_1252 = tpu.memref_slice %arg20[%dma_start3A_1250, %dma_start3A_1251] : memref<32x16xf32, #tpu.memory_space<vmem>> -> memref<1x16xf32, #tpu.memory_space<vmem>>
    %dma_start3A_1253 = arith.constant 0 : i32
    %dma_start3A_1254 = tpu.memref_slice %arg5[%squeeze3A_1240, %dma_start3A_1253] : memref<1000000x16xf32, #tpu.memory_space<hbm>> -> memref<1x16xf32, #tpu.memory_space<hbm>>
    tpu.enqueue_dma source(%dma_start3A_1254 : memref<1x16xf32, #tpu.memory_space<hbm>>) target(%dma_start3A_1252 : memref<1x16xf32, #tpu.memory_space<vmem>>) target_semaphore(%arg28 : memref<!tpu.dma_semaphore, #tpu.memory_space<semaphore_mem>>)
    %dma_start3A_1255 = arith.constant 26 : i32
    %dma_start3A_1256 = arith.constant 0 : i32
    %dma_start3A_1257 = tpu.memref_slice %arg21[%dma_start3A_1255, %dma_start3A_1256] : memref<32x16xf32, #tpu.memory_space<vmem>> -> memref<1x16xf32, #tpu.memory_space<vmem>>
    %dma_start3A_1258 = arith.constant 0 : i32
    %dma_start3A_1259 = tpu.memref_slice %arg6[%squeeze3A_1242, %dma_start3A_1258] : memref<1000000x16xf32, #tpu.memory_space<hbm>> -> memref<1x16xf32, #tpu.memory_space<hbm>>
    %dma_start3A_1260 = arith.constant 26 : i32
    %dma_start3A_1261 = arith.constant 0 : i32
    %dma_start3A_1262 = tpu.memref_slice %arg21[%dma_start3A_1260, %dma_start3A_1261] : memref<32x16xf32, #tpu.memory_space<vmem>> -> memref<1x16xf32, #tpu.memory_space<vmem>>
    %dma_start3A_1263 = arith.constant 0 : i32
    %dma_start3A_1264 = tpu.memref_slice %arg6[%squeeze3A_1242, %dma_start3A_1263] : memref<1000000x16xf32, #tpu.memory_space<hbm>> -> memref<1x16xf32, #tpu.memory_space<hbm>>
    tpu.enqueue_dma source(%dma_start3A_1264 : memref<1x16xf32, #tpu.memory_space<hbm>>) target(%dma_start3A_1262 : memref<1x16xf32, #tpu.memory_space<vmem>>) target_semaphore(%arg28 : memref<!tpu.dma_semaphore, #tpu.memory_space<semaphore_mem>>)
    %dma_start3A_1265 = arith.constant 26 : i32
    %dma_start3A_1266 = arith.constant 0 : i32
    %dma_start3A_1267 = tpu.memref_slice %arg22[%dma_start3A_1265, %dma_start3A_1266] : memref<32x16xf32, #tpu.memory_space<vmem>> -> memref<1x16xf32, #tpu.memory_space<vmem>>
    %dma_start3A_1268 = arith.constant 0 : i32
    %dma_start3A_1269 = tpu.memref_slice %arg6[%squeeze3A_1244, %dma_start3A_1268] : memref<1000000x16xf32, #tpu.memory_space<hbm>> -> memref<1x16xf32, #tpu.memory_space<hbm>>
    %dma_start3A_1270 = arith.constant 26 : i32
    %dma_start3A_1271 = arith.constant 0 : i32
    %dma_start3A_1272 = tpu.memref_slice %arg22[%dma_start3A_1270, %dma_start3A_1271] : memref<32x16xf32, #tpu.memory_space<vmem>> -> memref<1x16xf32, #tpu.memory_space<vmem>>
    %dma_start3A_1273 = arith.constant 0 : i32
    %dma_start3A_1274 = tpu.memref_slice %arg6[%squeeze3A_1244, %dma_start3A_1273] : memref<1000000x16xf32, #tpu.memory_space<hbm>> -> memref<1x16xf32, #tpu.memory_space<hbm>>
    tpu.enqueue_dma source(%dma_start3A_1274 : memref<1x16xf32, #tpu.memory_space<hbm>>) target(%dma_start3A_1272 : memref<1x16xf32, #tpu.memory_space<vmem>>) target_semaphore(%arg28 : memref<!tpu.dma_semaphore, #tpu.memory_space<semaphore_mem>>)
    %dma_start3A_1275 = arith.constant 26 : i32
    %dma_start3A_1276 = arith.constant 0 : i32
    %dma_start3A_1277 = tpu.memref_slice %arg23[%dma_start3A_1275, %dma_start3A_1276] : memref<32x16xf32, #tpu.memory_space<vmem>> -> memref<1x16xf32, #tpu.memory_space<vmem>>
    %dma_start3A_1278 = arith.constant 0 : i32
    %dma_start3A_1279 = tpu.memref_slice %arg7[%squeeze3A_1240, %dma_start3A_1278] : memref<1000000x16xf32, #tpu.memory_space<hbm>> -> memref<1x16xf32, #tpu.memory_space<hbm>>
    %dma_start3A_1280 = arith.constant 26 : i32
    %dma_start3A_1281 = arith.constant 0 : i32
    %dma_start3A_1282 = tpu.memref_slice %arg23[%dma_start3A_1280, %dma_start3A_1281] : memref<32x16xf32, #tpu.memory_space<vmem>> -> memref<1x16xf32, #tpu.memory_space<vmem>>
    %dma_start3A_1283 = arith.constant 0 : i32
    %dma_start3A_1284 = tpu.memref_slice %arg7[%squeeze3A_1240, %dma_start3A_1283] : memref<1000000x16xf32, #tpu.memory_space<hbm>> -> memref<1x16xf32, #tpu.memory_space<hbm>>
    tpu.enqueue_dma source(%dma_start3A_1284 : memref<1x16xf32, #tpu.memory_space<hbm>>) target(%dma_start3A_1282 : memref<1x16xf32, #tpu.memory_space<vmem>>) target_semaphore(%arg28 : memref<!tpu.dma_semaphore, #tpu.memory_space<semaphore_mem>>)
    %slice3A_1285 = vector.extract_strided_slice %get3A_774 {offsets = [11], sizes = [1], strides = [1]} : vector<16xi32> to vector<1xi32>
    %squeeze3A_1286 = vector.extract %slice3A_1285[0] : i32 from vector<1xi32>
    %slice3A_1287 = vector.extract_strided_slice %get3A_776 {offsets = [11], sizes = [1], strides = [1]} : vector<16xi32> to vector<1xi32>
    %squeeze3A_1288 = vector.extract %slice3A_1287[0] : i32 from vector<1xi32>
    %slice3A_1289 = vector.extract_strided_slice %get3A_778 {offsets = [11], sizes = [1], strides = [1]} : vector<16xi32> to vector<1xi32>
    %squeeze3A_1290 = vector.extract %slice3A_1289[0] : i32 from vector<1xi32>
    %dma_start3A_1291 = arith.constant 27 : i32
    %dma_start3A_1292 = arith.constant 0 : i32
    %dma_start3A_1293 = tpu.memref_slice %arg20[%dma_start3A_1291, %dma_start3A_1292] : memref<32x16xf32, #tpu.memory_space<vmem>> -> memref<1x16xf32, #tpu.memory_space<vmem>>
    %dma_start3A_1294 = arith.constant 0 : i32
    %dma_start3A_1295 = tpu.memref_slice %arg5[%squeeze3A_1286, %dma_start3A_1294] : memref<1000000x16xf32, #tpu.memory_space<hbm>> -> memref<1x16xf32, #tpu.memory_space<hbm>>
    %dma_start3A_1296 = arith.constant 27 : i32
    %dma_start3A_1297 = arith.constant 0 : i32
    %dma_start3A_1298 = tpu.memref_slice %arg20[%dma_start3A_1296, %dma_start3A_1297] : memref<32x16xf32, #tpu.memory_space<vmem>> -> memref<1x16xf32, #tpu.memory_space<vmem>>
    %dma_start3A_1299 = arith.constant 0 : i32
    %dma_start3A_1300 = tpu.memref_slice %arg5[%squeeze3A_1286, %dma_start3A_1299] : memref<1000000x16xf32, #tpu.memory_space<hbm>> -> memref<1x16xf32, #tpu.memory_space<hbm>>
    tpu.enqueue_dma source(%dma_start3A_1300 : memref<1x16xf32, #tpu.memory_space<hbm>>) target(%dma_start3A_1298 : memref<1x16xf32, #tpu.memory_space<vmem>>) target_semaphore(%arg28 : memref<!tpu.dma_semaphore, #tpu.memory_space<semaphore_mem>>)
    %dma_start3A_1301 = arith.constant 27 : i32
    %dma_start3A_1302 = arith.constant 0 : i32
    %dma_start3A_1303 = tpu.memref_slice %arg21[%dma_start3A_1301, %dma_start3A_1302] : memref<32x16xf32, #tpu.memory_space<vmem>> -> memref<1x16xf32, #tpu.memory_space<vmem>>
    %dma_start3A_1304 = arith.constant 0 : i32
    %dma_start3A_1305 = tpu.memref_slice %arg6[%squeeze3A_1288, %dma_start3A_1304] : memref<1000000x16xf32, #tpu.memory_space<hbm>> -> memref<1x16xf32, #tpu.memory_space<hbm>>
    %dma_start3A_1306 = arith.constant 27 : i32
    %dma_start3A_1307 = arith.constant 0 : i32
    %dma_start3A_1308 = tpu.memref_slice %arg21[%dma_start3A_1306, %dma_start3A_1307] : memref<32x16xf32, #tpu.memory_space<vmem>> -> memref<1x16xf32, #tpu.memory_space<vmem>>
    %dma_start3A_1309 = arith.constant 0 : i32
    %dma_start3A_1310 = tpu.memref_slice %arg6[%squeeze3A_1288, %dma_start3A_1309] : memref<1000000x16xf32, #tpu.memory_space<hbm>> -> memref<1x16xf32, #tpu.memory_space<hbm>>
    tpu.enqueue_dma source(%dma_start3A_1310 : memref<1x16xf32, #tpu.memory_space<hbm>>) target(%dma_start3A_1308 : memref<1x16xf32, #tpu.memory_space<vmem>>) target_semaphore(%arg28 : memref<!tpu.dma_semaphore, #tpu.memory_space<semaphore_mem>>)
    %dma_start3A_1311 = arith.constant 27 : i32
    %dma_start3A_1312 = arith.constant 0 : i32
    %dma_start3A_1313 = tpu.memref_slice %arg22[%dma_start3A_1311, %dma_start3A_1312] : memref<32x16xf32, #tpu.memory_space<vmem>> -> memref<1x16xf32, #tpu.memory_space<vmem>>
    %dma_start3A_1314 = arith.constant 0 : i32
    %dma_start3A_1315 = tpu.memref_slice %arg6[%squeeze3A_1290, %dma_start3A_1314] : memref<1000000x16xf32, #tpu.memory_space<hbm>> -> memref<1x16xf32, #tpu.memory_space<hbm>>
    %dma_start3A_1316 = arith.constant 27 : i32
    %dma_start3A_1317 = arith.constant 0 : i32
    %dma_start3A_1318 = tpu.memref_slice %arg22[%dma_start3A_1316, %dma_start3A_1317] : memref<32x16xf32, #tpu.memory_space<vmem>> -> memref<1x16xf32, #tpu.memory_space<vmem>>
    %dma_start3A_1319 = arith.constant 0 : i32
    %dma_start3A_1320 = tpu.memref_slice %arg6[%squeeze3A_1290, %dma_start3A_1319] : memref<1000000x16xf32, #tpu.memory_space<hbm>> -> memref<1x16xf32, #tpu.memory_space<hbm>>
    tpu.enqueue_dma source(%dma_start3A_1320 : memref<1x16xf32, #tpu.memory_space<hbm>>) target(%dma_start3A_1318 : memref<1x16xf32, #tpu.memory_space<vmem>>) target_semaphore(%arg28 : memref<!tpu.dma_semaphore, #tpu.memory_space<semaphore_mem>>)
    %dma_start3A_1321 = arith.constant 27 : i32
    %dma_start3A_1322 = arith.constant 0 : i32
    %dma_start3A_1323 = tpu.memref_slice %arg23[%dma_start3A_1321, %dma_start3A_1322] : memref<32x16xf32, #tpu.memory_space<vmem>> -> memref<1x16xf32, #tpu.memory_space<vmem>>
    %dma_start3A_1324 = arith.constant 0 : i32
    %dma_start3A_1325 = tpu.memref_slice %arg7[%squeeze3A_1286, %dma_start3A_1324] : memref<1000000x16xf32, #tpu.memory_space<hbm>> -> memref<1x16xf32, #tpu.memory_space<hbm>>
    %dma_start3A_1326 = arith.constant 27 : i32
    %dma_start3A_1327 = arith.constant 0 : i32
    %dma_start3A_1328 = tpu.memref_slice %arg23[%dma_start3A_1326, %dma_start3A_1327] : memref<32x16xf32, #tpu.memory_space<vmem>> -> memref<1x16xf32, #tpu.memory_space<vmem>>
    %dma_start3A_1329 = arith.constant 0 : i32
    %dma_start3A_1330 = tpu.memref_slice %arg7[%squeeze3A_1286, %dma_start3A_1329] : memref<1000000x16xf32, #tpu.memory_space<hbm>> -> memref<1x16xf32, #tpu.memory_space<hbm>>
    tpu.enqueue_dma source(%dma_start3A_1330 : memref<1x16xf32, #tpu.memory_space<hbm>>) target(%dma_start3A_1328 : memref<1x16xf32, #tpu.memory_space<vmem>>) target_semaphore(%arg28 : memref<!tpu.dma_semaphore, #tpu.memory_space<semaphore_mem>>)
    %slice3A_1331 = vector.extract_strided_slice %get3A_774 {offsets = [12], sizes = [1], strides = [1]} : vector<16xi32> to vector<1xi32>
    %squeeze3A_1332 = vector.extract %slice3A_1331[0] : i32 from vector<1xi32>
    %slice3A_1333 = vector.extract_strided_slice %get3A_776 {offsets = [12], sizes = [1], strides = [1]} : vector<16xi32> to vector<1xi32>
    %squeeze3A_1334 = vector.extract %slice3A_1333[0] : i32 from vector<1xi32>
    %slice3A_1335 = vector.extract_strided_slice %get3A_778 {offsets = [12], sizes = [1], strides = [1]} : vector<16xi32> to vector<1xi32>
    %squeeze3A_1336 = vector.extract %slice3A_1335[0] : i32 from vector<1xi32>
    %dma_start3A_1337 = arith.constant 28 : i32
    %dma_start3A_1338 = arith.constant 0 : i32
    %dma_start3A_1339 = tpu.memref_slice %arg20[%dma_start3A_1337, %dma_start3A_1338] : memref<32x16xf32, #tpu.memory_space<vmem>> -> memref<1x16xf32, #tpu.memory_space<vmem>>
    %dma_start3A_1340 = arith.constant 0 : i32
    %dma_start3A_1341 = tpu.memref_slice %arg5[%squeeze3A_1332, %dma_start3A_1340] : memref<1000000x16xf32, #tpu.memory_space<hbm>> -> memref<1x16xf32, #tpu.memory_space<hbm>>
    %dma_start3A_1342 = arith.constant 28 : i32
    %dma_start3A_1343 = arith.constant 0 : i32
    %dma_start3A_1344 = tpu.memref_slice %arg20[%dma_start3A_1342, %dma_start3A_1343] : memref<32x16xf32, #tpu.memory_space<vmem>> -> memref<1x16xf32, #tpu.memory_space<vmem>>
    %dma_start3A_1345 = arith.constant 0 : i32
    %dma_start3A_1346 = tpu.memref_slice %arg5[%squeeze3A_1332, %dma_start3A_1345] : memref<1000000x16xf32, #tpu.memory_space<hbm>> -> memref<1x16xf32, #tpu.memory_space<hbm>>
    tpu.enqueue_dma source(%dma_start3A_1346 : memref<1x16xf32, #tpu.memory_space<hbm>>) target(%dma_start3A_1344 : memref<1x16xf32, #tpu.memory_space<vmem>>) target_semaphore(%arg28 : memref<!tpu.dma_semaphore, #tpu.memory_space<semaphore_mem>>)
    %dma_start3A_1347 = arith.constant 28 : i32
    %dma_start3A_1348 = arith.constant 0 : i32
    %dma_start3A_1349 = tpu.memref_slice %arg21[%dma_start3A_1347, %dma_start3A_1348] : memref<32x16xf32, #tpu.memory_space<vmem>> -> memref<1x16xf32, #tpu.memory_space<vmem>>
    %dma_start3A_1350 = arith.constant 0 : i32
    %dma_start3A_1351 = tpu.memref_slice %arg6[%squeeze3A_1334, %dma_start3A_1350] : memref<1000000x16xf32, #tpu.memory_space<hbm>> -> memref<1x16xf32, #tpu.memory_space<hbm>>
    %dma_start3A_1352 = arith.constant 28 : i32
    %dma_start3A_1353 = arith.constant 0 : i32
    %dma_start3A_1354 = tpu.memref_slice %arg21[%dma_start3A_1352, %dma_start3A_1353] : memref<32x16xf32, #tpu.memory_space<vmem>> -> memref<1x16xf32, #tpu.memory_space<vmem>>
    %dma_start3A_1355 = arith.constant 0 : i32
    %dma_start3A_1356 = tpu.memref_slice %arg6[%squeeze3A_1334, %dma_start3A_1355] : memref<1000000x16xf32, #tpu.memory_space<hbm>> -> memref<1x16xf32, #tpu.memory_space<hbm>>
    tpu.enqueue_dma source(%dma_start3A_1356 : memref<1x16xf32, #tpu.memory_space<hbm>>) target(%dma_start3A_1354 : memref<1x16xf32, #tpu.memory_space<vmem>>) target_semaphore(%arg28 : memref<!tpu.dma_semaphore, #tpu.memory_space<semaphore_mem>>)
    %dma_start3A_1357 = arith.constant 28 : i32
    %dma_start3A_1358 = arith.constant 0 : i32
    %dma_start3A_1359 = tpu.memref_slice %arg22[%dma_start3A_1357, %dma_start3A_1358] : memref<32x16xf32, #tpu.memory_space<vmem>> -> memref<1x16xf32, #tpu.memory_space<vmem>>
    %dma_start3A_1360 = arith.constant 0 : i32
    %dma_start3A_1361 = tpu.memref_slice %arg6[%squeeze3A_1336, %dma_start3A_1360] : memref<1000000x16xf32, #tpu.memory_space<hbm>> -> memref<1x16xf32, #tpu.memory_space<hbm>>
    %dma_start3A_1362 = arith.constant 28 : i32
    %dma_start3A_1363 = arith.constant 0 : i32
    %dma_start3A_1364 = tpu.memref_slice %arg22[%dma_start3A_1362, %dma_start3A_1363] : memref<32x16xf32, #tpu.memory_space<vmem>> -> memref<1x16xf32, #tpu.memory_space<vmem>>
    %dma_start3A_1365 = arith.constant 0 : i32
    %dma_start3A_1366 = tpu.memref_slice %arg6[%squeeze3A_1336, %dma_start3A_1365] : memref<1000000x16xf32, #tpu.memory_space<hbm>> -> memref<1x16xf32, #tpu.memory_space<hbm>>
    tpu.enqueue_dma source(%dma_start3A_1366 : memref<1x16xf32, #tpu.memory_space<hbm>>) target(%dma_start3A_1364 : memref<1x16xf32, #tpu.memory_space<vmem>>) target_semaphore(%arg28 : memref<!tpu.dma_semaphore, #tpu.memory_space<semaphore_mem>>)
    %dma_start3A_1367 = arith.constant 28 : i32
    %dma_start3A_1368 = arith.constant 0 : i32
    %dma_start3A_1369 = tpu.memref_slice %arg23[%dma_start3A_1367, %dma_start3A_1368] : memref<32x16xf32, #tpu.memory_space<vmem>> -> memref<1x16xf32, #tpu.memory_space<vmem>>
    %dma_start3A_1370 = arith.constant 0 : i32
    %dma_start3A_1371 = tpu.memref_slice %arg7[%squeeze3A_1332, %dma_start3A_1370] : memref<1000000x16xf32, #tpu.memory_space<hbm>> -> memref<1x16xf32, #tpu.memory_space<hbm>>
    %dma_start3A_1372 = arith.constant 28 : i32
    %dma_start3A_1373 = arith.constant 0 : i32
    %dma_start3A_1374 = tpu.memref_slice %arg23[%dma_start3A_1372, %dma_start3A_1373] : memref<32x16xf32, #tpu.memory_space<vmem>> -> memref<1x16xf32, #tpu.memory_space<vmem>>
    %dma_start3A_1375 = arith.constant 0 : i32
    %dma_start3A_1376 = tpu.memref_slice %arg7[%squeeze3A_1332, %dma_start3A_1375] : memref<1000000x16xf32, #tpu.memory_space<hbm>> -> memref<1x16xf32, #tpu.memory_space<hbm>>
    tpu.enqueue_dma source(%dma_start3A_1376 : memref<1x16xf32, #tpu.memory_space<hbm>>) target(%dma_start3A_1374 : memref<1x16xf32, #tpu.memory_space<vmem>>) target_semaphore(%arg28 : memref<!tpu.dma_semaphore, #tpu.memory_space<semaphore_mem>>)
    %slice3A_1377 = vector.extract_strided_slice %get3A_774 {offsets = [13], sizes = [1], strides = [1]} : vector<16xi32> to vector<1xi32>
    %squeeze3A_1378 = vector.extract %slice3A_1377[0] : i32 from vector<1xi32>
    %slice3A_1379 = vector.extract_strided_slice %get3A_776 {offsets = [13], sizes = [1], strides = [1]} : vector<16xi32> to vector<1xi32>
    %squeeze3A_1380 = vector.extract %slice3A_1379[0] : i32 from vector<1xi32>
    %slice3A_1381 = vector.extract_strided_slice %get3A_778 {offsets = [13], sizes = [1], strides = [1]} : vector<16xi32> to vector<1xi32>
    %squeeze3A_1382 = vector.extract %slice3A_1381[0] : i32 from vector<1xi32>
    %dma_start3A_1383 = arith.constant 29 : i32
    %dma_start3A_1384 = arith.constant 0 : i32
    %dma_start3A_1385 = tpu.memref_slice %arg20[%dma_start3A_1383, %dma_start3A_1384] : memref<32x16xf32, #tpu.memory_space<vmem>> -> memref<1x16xf32, #tpu.memory_space<vmem>>
    %dma_start3A_1386 = arith.constant 0 : i32
    %dma_start3A_1387 = tpu.memref_slice %arg5[%squeeze3A_1378, %dma_start3A_1386] : memref<1000000x16xf32, #tpu.memory_space<hbm>> -> memref<1x16xf32, #tpu.memory_space<hbm>>
    %dma_start3A_1388 = arith.constant 29 : i32
    %dma_start3A_1389 = arith.constant 0 : i32
    %dma_start3A_1390 = tpu.memref_slice %arg20[%dma_start3A_1388, %dma_start3A_1389] : memref<32x16xf32, #tpu.memory_space<vmem>> -> memref<1x16xf32, #tpu.memory_space<vmem>>
    %dma_start3A_1391 = arith.constant 0 : i32
    %dma_start3A_1392 = tpu.memref_slice %arg5[%squeeze3A_1378, %dma_start3A_1391] : memref<1000000x16xf32, #tpu.memory_space<hbm>> -> memref<1x16xf32, #tpu.memory_space<hbm>>
    tpu.enqueue_dma source(%dma_start3A_1392 : memref<1x16xf32, #tpu.memory_space<hbm>>) target(%dma_start3A_1390 : memref<1x16xf32, #tpu.memory_space<vmem>>) target_semaphore(%arg28 : memref<!tpu.dma_semaphore, #tpu.memory_space<semaphore_mem>>)
    %dma_start3A_1393 = arith.constant 29 : i32
    %dma_start3A_1394 = arith.constant 0 : i32
    %dma_start3A_1395 = tpu.memref_slice %arg21[%dma_start3A_1393, %dma_start3A_1394] : memref<32x16xf32, #tpu.memory_space<vmem>> -> memref<1x16xf32, #tpu.memory_space<vmem>>
    %dma_start3A_1396 = arith.constant 0 : i32
    %dma_start3A_1397 = tpu.memref_slice %arg6[%squeeze3A_1380, %dma_start3A_1396] : memref<1000000x16xf32, #tpu.memory_space<hbm>> -> memref<1x16xf32, #tpu.memory_space<hbm>>
    %dma_start3A_1398 = arith.constant 29 : i32
    %dma_start3A_1399 = arith.constant 0 : i32
    %dma_start3A_1400 = tpu.memref_slice %arg21[%dma_start3A_1398, %dma_start3A_1399] : memref<32x16xf32, #tpu.memory_space<vmem>> -> memref<1x16xf32, #tpu.memory_space<vmem>>
    %dma_start3A_1401 = arith.constant 0 : i32
    %dma_start3A_1402 = tpu.memref_slice %arg6[%squeeze3A_1380, %dma_start3A_1401] : memref<1000000x16xf32, #tpu.memory_space<hbm>> -> memref<1x16xf32, #tpu.memory_space<hbm>>
    tpu.enqueue_dma source(%dma_start3A_1402 : memref<1x16xf32, #tpu.memory_space<hbm>>) target(%dma_start3A_1400 : memref<1x16xf32, #tpu.memory_space<vmem>>) target_semaphore(%arg28 : memref<!tpu.dma_semaphore, #tpu.memory_space<semaphore_mem>>)
    %dma_start3A_1403 = arith.constant 29 : i32
    %dma_start3A_1404 = arith.constant 0 : i32
    %dma_start3A_1405 = tpu.memref_slice %arg22[%dma_start3A_1403, %dma_start3A_1404] : memref<32x16xf32, #tpu.memory_space<vmem>> -> memref<1x16xf32, #tpu.memory_space<vmem>>
    %dma_start3A_1406 = arith.constant 0 : i32
    %dma_start3A_1407 = tpu.memref_slice %arg6[%squeeze3A_1382, %dma_start3A_1406] : memref<1000000x16xf32, #tpu.memory_space<hbm>> -> memref<1x16xf32, #tpu.memory_space<hbm>>
    %dma_start3A_1408 = arith.constant 29 : i32
    %dma_start3A_1409 = arith.constant 0 : i32
    %dma_start3A_1410 = tpu.memref_slice %arg22[%dma_start3A_1408, %dma_start3A_1409] : memref<32x16xf32, #tpu.memory_space<vmem>> -> memref<1x16xf32, #tpu.memory_space<vmem>>
    %dma_start3A_1411 = arith.constant 0 : i32
    %dma_start3A_1412 = tpu.memref_slice %arg6[%squeeze3A_1382, %dma_start3A_1411] : memref<1000000x16xf32, #tpu.memory_space<hbm>> -> memref<1x16xf32, #tpu.memory_space<hbm>>
    tpu.enqueue_dma source(%dma_start3A_1412 : memref<1x16xf32, #tpu.memory_space<hbm>>) target(%dma_start3A_1410 : memref<1x16xf32, #tpu.memory_space<vmem>>) target_semaphore(%arg28 : memref<!tpu.dma_semaphore, #tpu.memory_space<semaphore_mem>>)
    %dma_start3A_1413 = arith.constant 29 : i32
    %dma_start3A_1414 = arith.constant 0 : i32
    %dma_start3A_1415 = tpu.memref_slice %arg23[%dma_start3A_1413, %dma_start3A_1414] : memref<32x16xf32, #tpu.memory_space<vmem>> -> memref<1x16xf32, #tpu.memory_space<vmem>>
    %dma_start3A_1416 = arith.constant 0 : i32
    %dma_start3A_1417 = tpu.memref_slice %arg7[%squeeze3A_1378, %dma_start3A_1416] : memref<1000000x16xf32, #tpu.memory_space<hbm>> -> memref<1x16xf32, #tpu.memory_space<hbm>>
    %dma_start3A_1418 = arith.constant 29 : i32
    %dma_start3A_1419 = arith.constant 0 : i32
    %dma_start3A_1420 = tpu.memref_slice %arg23[%dma_start3A_1418, %dma_start3A_1419] : memref<32x16xf32, #tpu.memory_space<vmem>> -> memref<1x16xf32, #tpu.memory_space<vmem>>
    %dma_start3A_1421 = arith.constant 0 : i32
    %dma_start3A_1422 = tpu.memref_slice %arg7[%squeeze3A_1378, %dma_start3A_1421] : memref<1000000x16xf32, #tpu.memory_space<hbm>> -> memref<1x16xf32, #tpu.memory_space<hbm>>
    tpu.enqueue_dma source(%dma_start3A_1422 : memref<1x16xf32, #tpu.memory_space<hbm>>) target(%dma_start3A_1420 : memref<1x16xf32, #tpu.memory_space<vmem>>) target_semaphore(%arg28 : memref<!tpu.dma_semaphore, #tpu.memory_space<semaphore_mem>>)
    %slice3A_1423 = vector.extract_strided_slice %get3A_774 {offsets = [14], sizes = [1], strides = [1]} : vector<16xi32> to vector<1xi32>
    %squeeze3A_1424 = vector.extract %slice3A_1423[0] : i32 from vector<1xi32>
    %slice3A_1425 = vector.extract_strided_slice %get3A_776 {offsets = [14], sizes = [1], strides = [1]} : vector<16xi32> to vector<1xi32>
    %squeeze3A_1426 = vector.extract %slice3A_1425[0] : i32 from vector<1xi32>
    %slice3A_1427 = vector.extract_strided_slice %get3A_778 {offsets = [14], sizes = [1], strides = [1]} : vector<16xi32> to vector<1xi32>
    %squeeze3A_1428 = vector.extract %slice3A_1427[0] : i32 from vector<1xi32>
    %dma_start3A_1429 = arith.constant 30 : i32
    %dma_start3A_1430 = arith.constant 0 : i32
    %dma_start3A_1431 = tpu.memref_slice %arg20[%dma_start3A_1429, %dma_start3A_1430] : memref<32x16xf32, #tpu.memory_space<vmem>> -> memref<1x16xf32, #tpu.memory_space<vmem>>
    %dma_start3A_1432 = arith.constant 0 : i32
    %dma_start3A_1433 = tpu.memref_slice %arg5[%squeeze3A_1424, %dma_start3A_1432] : memref<1000000x16xf32, #tpu.memory_space<hbm>> -> memref<1x16xf32, #tpu.memory_space<hbm>>
    %dma_start3A_1434 = arith.constant 30 : i32
    %dma_start3A_1435 = arith.constant 0 : i32
    %dma_start3A_1436 = tpu.memref_slice %arg20[%dma_start3A_1434, %dma_start3A_1435] : memref<32x16xf32, #tpu.memory_space<vmem>> -> memref<1x16xf32, #tpu.memory_space<vmem>>
    %dma_start3A_1437 = arith.constant 0 : i32
    %dma_start3A_1438 = tpu.memref_slice %arg5[%squeeze3A_1424, %dma_start3A_1437] : memref<1000000x16xf32, #tpu.memory_space<hbm>> -> memref<1x16xf32, #tpu.memory_space<hbm>>
    tpu.enqueue_dma source(%dma_start3A_1438 : memref<1x16xf32, #tpu.memory_space<hbm>>) target(%dma_start3A_1436 : memref<1x16xf32, #tpu.memory_space<vmem>>) target_semaphore(%arg28 : memref<!tpu.dma_semaphore, #tpu.memory_space<semaphore_mem>>)
    %dma_start3A_1439 = arith.constant 30 : i32
    %dma_start3A_1440 = arith.constant 0 : i32
    %dma_start3A_1441 = tpu.memref_slice %arg21[%dma_start3A_1439, %dma_start3A_1440] : memref<32x16xf32, #tpu.memory_space<vmem>> -> memref<1x16xf32, #tpu.memory_space<vmem>>
    %dma_start3A_1442 = arith.constant 0 : i32
    %dma_start3A_1443 = tpu.memref_slice %arg6[%squeeze3A_1426, %dma_start3A_1442] : memref<1000000x16xf32, #tpu.memory_space<hbm>> -> memref<1x16xf32, #tpu.memory_space<hbm>>
    %dma_start3A_1444 = arith.constant 30 : i32
    %dma_start3A_1445 = arith.constant 0 : i32
    %dma_start3A_1446 = tpu.memref_slice %arg21[%dma_start3A_1444, %dma_start3A_1445] : memref<32x16xf32, #tpu.memory_space<vmem>> -> memref<1x16xf32, #tpu.memory_space<vmem>>
    %dma_start3A_1447 = arith.constant 0 : i32
    %dma_start3A_1448 = tpu.memref_slice %arg6[%squeeze3A_1426, %dma_start3A_1447] : memref<1000000x16xf32, #tpu.memory_space<hbm>> -> memref<1x16xf32, #tpu.memory_space<hbm>>
    tpu.enqueue_dma source(%dma_start3A_1448 : memref<1x16xf32, #tpu.memory_space<hbm>>) target(%dma_start3A_1446 : memref<1x16xf32, #tpu.memory_space<vmem>>) target_semaphore(%arg28 : memref<!tpu.dma_semaphore, #tpu.memory_space<semaphore_mem>>)
    %dma_start3A_1449 = arith.constant 30 : i32
    %dma_start3A_1450 = arith.constant 0 : i32
    %dma_start3A_1451 = tpu.memref_slice %arg22[%dma_start3A_1449, %dma_start3A_1450] : memref<32x16xf32, #tpu.memory_space<vmem>> -> memref<1x16xf32, #tpu.memory_space<vmem>>
    %dma_start3A_1452 = arith.constant 0 : i32
    %dma_start3A_1453 = tpu.memref_slice %arg6[%squeeze3A_1428, %dma_start3A_1452] : memref<1000000x16xf32, #tpu.memory_space<hbm>> -> memref<1x16xf32, #tpu.memory_space<hbm>>
    %dma_start3A_1454 = arith.constant 30 : i32
    %dma_start3A_1455 = arith.constant 0 : i32
    %dma_start3A_1456 = tpu.memref_slice %arg22[%dma_start3A_1454, %dma_start3A_1455] : memref<32x16xf32, #tpu.memory_space<vmem>> -> memref<1x16xf32, #tpu.memory_space<vmem>>
    %dma_start3A_1457 = arith.constant 0 : i32
    %dma_start3A_1458 = tpu.memref_slice %arg6[%squeeze3A_1428, %dma_start3A_1457] : memref<1000000x16xf32, #tpu.memory_space<hbm>> -> memref<1x16xf32, #tpu.memory_space<hbm>>
    tpu.enqueue_dma source(%dma_start3A_1458 : memref<1x16xf32, #tpu.memory_space<hbm>>) target(%dma_start3A_1456 : memref<1x16xf32, #tpu.memory_space<vmem>>) target_semaphore(%arg28 : memref<!tpu.dma_semaphore, #tpu.memory_space<semaphore_mem>>)
    %dma_start3A_1459 = arith.constant 30 : i32
    %dma_start3A_1460 = arith.constant 0 : i32
    %dma_start3A_1461 = tpu.memref_slice %arg23[%dma_start3A_1459, %dma_start3A_1460] : memref<32x16xf32, #tpu.memory_space<vmem>> -> memref<1x16xf32, #tpu.memory_space<vmem>>
    %dma_start3A_1462 = arith.constant 0 : i32
    %dma_start3A_1463 = tpu.memref_slice %arg7[%squeeze3A_1424, %dma_start3A_1462] : memref<1000000x16xf32, #tpu.memory_space<hbm>> -> memref<1x16xf32, #tpu.memory_space<hbm>>
    %dma_start3A_1464 = arith.constant 30 : i32
    %dma_start3A_1465 = arith.constant 0 : i32
    %dma_start3A_1466 = tpu.memref_slice %arg23[%dma_start3A_1464, %dma_start3A_1465] : memref<32x16xf32, #tpu.memory_space<vmem>> -> memref<1x16xf32, #tpu.memory_space<vmem>>
    %dma_start3A_1467 = arith.constant 0 : i32
    %dma_start3A_1468 = tpu.memref_slice %arg7[%squeeze3A_1424, %dma_start3A_1467] : memref<1000000x16xf32, #tpu.memory_space<hbm>> -> memref<1x16xf32, #tpu.memory_space<hbm>>
    tpu.enqueue_dma source(%dma_start3A_1468 : memref<1x16xf32, #tpu.memory_space<hbm>>) target(%dma_start3A_1466 : memref<1x16xf32, #tpu.memory_space<vmem>>) target_semaphore(%arg28 : memref<!tpu.dma_semaphore, #tpu.memory_space<semaphore_mem>>)
    %slice3A_1469 = vector.extract_strided_slice %get3A_774 {offsets = [15], sizes = [1], strides = [1]} : vector<16xi32> to vector<1xi32>
    %squeeze3A_1470 = vector.extract %slice3A_1469[0] : i32 from vector<1xi32>
    %slice3A_1471 = vector.extract_strided_slice %get3A_776 {offsets = [15], sizes = [1], strides = [1]} : vector<16xi32> to vector<1xi32>
    %squeeze3A_1472 = vector.extract %slice3A_1471[0] : i32 from vector<1xi32>
    %slice3A_1473 = vector.extract_strided_slice %get3A_778 {offsets = [15], sizes = [1], strides = [1]} : vector<16xi32> to vector<1xi32>
    %squeeze3A_1474 = vector.extract %slice3A_1473[0] : i32 from vector<1xi32>
    %dma_start3A_1475 = arith.constant 31 : i32
    %dma_start3A_1476 = arith.constant 0 : i32
    %dma_start3A_1477 = tpu.memref_slice %arg20[%dma_start3A_1475, %dma_start3A_1476] : memref<32x16xf32, #tpu.memory_space<vmem>> -> memref<1x16xf32, #tpu.memory_space<vmem>>
    %dma_start3A_1478 = arith.constant 0 : i32
    %dma_start3A_1479 = tpu.memref_slice %arg5[%squeeze3A_1470, %dma_start3A_1478] : memref<1000000x16xf32, #tpu.memory_space<hbm>> -> memref<1x16xf32, #tpu.memory_space<hbm>>
    %dma_start3A_1480 = arith.constant 31 : i32
    %dma_start3A_1481 = arith.constant 0 : i32
    %dma_start3A_1482 = tpu.memref_slice %arg20[%dma_start3A_1480, %dma_start3A_1481] : memref<32x16xf32, #tpu.memory_space<vmem>> -> memref<1x16xf32, #tpu.memory_space<vmem>>
    %dma_start3A_1483 = arith.constant 0 : i32
    %dma_start3A_1484 = tpu.memref_slice %arg5[%squeeze3A_1470, %dma_start3A_1483] : memref<1000000x16xf32, #tpu.memory_space<hbm>> -> memref<1x16xf32, #tpu.memory_space<hbm>>
    tpu.enqueue_dma source(%dma_start3A_1484 : memref<1x16xf32, #tpu.memory_space<hbm>>) target(%dma_start3A_1482 : memref<1x16xf32, #tpu.memory_space<vmem>>) target_semaphore(%arg28 : memref<!tpu.dma_semaphore, #tpu.memory_space<semaphore_mem>>)
    %dma_start3A_1485 = arith.constant 31 : i32
    %dma_start3A_1486 = arith.constant 0 : i32
    %dma_start3A_1487 = tpu.memref_slice %arg21[%dma_start3A_1485, %dma_start3A_1486] : memref<32x16xf32, #tpu.memory_space<vmem>> -> memref<1x16xf32, #tpu.memory_space<vmem>>
    %dma_start3A_1488 = arith.constant 0 : i32
    %dma_start3A_1489 = tpu.memref_slice %arg6[%squeeze3A_1472, %dma_start3A_1488] : memref<1000000x16xf32, #tpu.memory_space<hbm>> -> memref<1x16xf32, #tpu.memory_space<hbm>>
    %dma_start3A_1490 = arith.constant 31 : i32
    %dma_start3A_1491 = arith.constant 0 : i32
    %dma_start3A_1492 = tpu.memref_slice %arg21[%dma_start3A_1490, %dma_start3A_1491] : memref<32x16xf32, #tpu.memory_space<vmem>> -> memref<1x16xf32, #tpu.memory_space<vmem>>
    %dma_start3A_1493 = arith.constant 0 : i32
    %dma_start3A_1494 = tpu.memref_slice %arg6[%squeeze3A_1472, %dma_start3A_1493] : memref<1000000x16xf32, #tpu.memory_space<hbm>> -> memref<1x16xf32, #tpu.memory_space<hbm>>
    tpu.enqueue_dma source(%dma_start3A_1494 : memref<1x16xf32, #tpu.memory_space<hbm>>) target(%dma_start3A_1492 : memref<1x16xf32, #tpu.memory_space<vmem>>) target_semaphore(%arg28 : memref<!tpu.dma_semaphore, #tpu.memory_space<semaphore_mem>>)
    %dma_start3A_1495 = arith.constant 31 : i32
    %dma_start3A_1496 = arith.constant 0 : i32
    %dma_start3A_1497 = tpu.memref_slice %arg22[%dma_start3A_1495, %dma_start3A_1496] : memref<32x16xf32, #tpu.memory_space<vmem>> -> memref<1x16xf32, #tpu.memory_space<vmem>>
    %dma_start3A_1498 = arith.constant 0 : i32
    %dma_start3A_1499 = tpu.memref_slice %arg6[%squeeze3A_1474, %dma_start3A_1498] : memref<1000000x16xf32, #tpu.memory_space<hbm>> -> memref<1x16xf32, #tpu.memory_space<hbm>>
    %dma_start3A_1500 = arith.constant 31 : i32
    %dma_start3A_1501 = arith.constant 0 : i32
    %dma_start3A_1502 = tpu.memref_slice %arg22[%dma_start3A_1500, %dma_start3A_1501] : memref<32x16xf32, #tpu.memory_space<vmem>> -> memref<1x16xf32, #tpu.memory_space<vmem>>
    %dma_start3A_1503 = arith.constant 0 : i32
    %dma_start3A_1504 = tpu.memref_slice %arg6[%squeeze3A_1474, %dma_start3A_1503] : memref<1000000x16xf32, #tpu.memory_space<hbm>> -> memref<1x16xf32, #tpu.memory_space<hbm>>
    tpu.enqueue_dma source(%dma_start3A_1504 : memref<1x16xf32, #tpu.memory_space<hbm>>) target(%dma_start3A_1502 : memref<1x16xf32, #tpu.memory_space<vmem>>) target_semaphore(%arg28 : memref<!tpu.dma_semaphore, #tpu.memory_space<semaphore_mem>>)
    %dma_start3A_1505 = arith.constant 31 : i32
    %dma_start3A_1506 = arith.constant 0 : i32
    %dma_start3A_1507 = tpu.memref_slice %arg23[%dma_start3A_1505, %dma_start3A_1506] : memref<32x16xf32, #tpu.memory_space<vmem>> -> memref<1x16xf32, #tpu.memory_space<vmem>>
    %dma_start3A_1508 = arith.constant 0 : i32
    %dma_start3A_1509 = tpu.memref_slice %arg7[%squeeze3A_1470, %dma_start3A_1508] : memref<1000000x16xf32, #tpu.memory_space<hbm>> -> memref<1x16xf32, #tpu.memory_space<hbm>>
    %dma_start3A_1510 = arith.constant 31 : i32
    %dma_start3A_1511 = arith.constant 0 : i32
    %dma_start3A_1512 = tpu.memref_slice %arg23[%dma_start3A_1510, %dma_start3A_1511] : memref<32x16xf32, #tpu.memory_space<vmem>> -> memref<1x16xf32, #tpu.memory_space<vmem>>
    %dma_start3A_1513 = arith.constant 0 : i32
    %dma_start3A_1514 = tpu.memref_slice %arg7[%squeeze3A_1470, %dma_start3A_1513] : memref<1000000x16xf32, #tpu.memory_space<hbm>> -> memref<1x16xf32, #tpu.memory_space<hbm>>
    tpu.enqueue_dma source(%dma_start3A_1514 : memref<1x16xf32, #tpu.memory_space<hbm>>) target(%dma_start3A_1512 : memref<1x16xf32, #tpu.memory_space<vmem>>) target_semaphore(%arg28 : memref<!tpu.dma_semaphore, #tpu.memory_space<semaphore_mem>>)
    %dma_wait3A = arith.constant 0 : i32
    %dma_wait3A_1515 = arith.constant 0 : i32
    %dma_wait3A_1516 = tpu.memref_slice %arg8[%dma_wait3A, %dma_wait3A_1515] : memref<7813x128xf32, #tpu.memory_space<hbm>> -> memref<32x128xf32, #tpu.memory_space<hbm>>
    %dma_wait3A_1517 = arith.constant 0 : i32
    %dma_wait3A_1518 = arith.constant 0 : i32
    %dma_wait3A_1519 = tpu.memref_slice %arg8[%dma_wait3A_1517, %dma_wait3A_1518] : memref<7813x128xf32, #tpu.memory_space<hbm>> -> memref<32x128xf32, #tpu.memory_space<hbm>>
    tpu.wait_dma2 semaphore(%arg28 : memref<!tpu.dma_semaphore, #tpu.memory_space<semaphore_mem>>) src(%dma_wait3A_1519 : memref<32x128xf32, #tpu.memory_space<hbm>>) dst(%arg24 : memref<32x128xf32, #tpu.memory_space<vmem>>)
    %dma_wait3A_1520 = arith.constant 0 : i32
    %dma_wait3A_1521 = arith.constant 0 : i32
    %dma_wait3A_1522 = tpu.memref_slice %arg8[%dma_wait3A_1520, %dma_wait3A_1521] : memref<7813x128xf32, #tpu.memory_space<hbm>> -> memref<32x128xf32, #tpu.memory_space<hbm>>
    %dma_wait3A_1523 = arith.constant 0 : i32
    %dma_wait3A_1524 = arith.constant 0 : i32
    %dma_wait3A_1525 = tpu.memref_slice %arg8[%dma_wait3A_1523, %dma_wait3A_1524] : memref<7813x128xf32, #tpu.memory_space<hbm>> -> memref<32x128xf32, #tpu.memory_space<hbm>>
    tpu.wait_dma2 semaphore(%arg28 : memref<!tpu.dma_semaphore, #tpu.memory_space<semaphore_mem>>) src(%dma_wait3A_1525 : memref<32x128xf32, #tpu.memory_space<hbm>>) dst(%arg25 : memref<32x128xf32, #tpu.memory_space<vmem>>)
    %dma_wait3A_1526 = arith.constant 0 : i32
    %dma_wait3A_1527 = arith.constant 0 : i32
    %dma_wait3A_1528 = tpu.memref_slice %arg5[%dma_wait3A_1526, %dma_wait3A_1527] : memref<1000000x16xf32, #tpu.memory_space<hbm>> -> memref<32x16xf32, #tpu.memory_space<hbm>>
    %dma_wait3A_1529 = arith.constant 0 : i32
    %dma_wait3A_1530 = arith.constant 0 : i32
    %dma_wait3A_1531 = tpu.memref_slice %arg5[%dma_wait3A_1529, %dma_wait3A_1530] : memref<1000000x16xf32, #tpu.memory_space<hbm>> -> memref<32x16xf32, #tpu.memory_space<hbm>>
    tpu.wait_dma2 semaphore(%arg28 : memref<!tpu.dma_semaphore, #tpu.memory_space<semaphore_mem>>) src(%dma_wait3A_1531 : memref<32x16xf32, #tpu.memory_space<hbm>>) dst(%arg20 : memref<32x16xf32, #tpu.memory_space<vmem>>)
    %dma_wait3A_1532 = arith.constant 0 : i32
    %dma_wait3A_1533 = arith.constant 0 : i32
    %dma_wait3A_1534 = tpu.memref_slice %arg6[%dma_wait3A_1532, %dma_wait3A_1533] : memref<1000000x16xf32, #tpu.memory_space<hbm>> -> memref<32x16xf32, #tpu.memory_space<hbm>>
    %dma_wait3A_1535 = arith.constant 0 : i32
    %dma_wait3A_1536 = arith.constant 0 : i32
    %dma_wait3A_1537 = tpu.memref_slice %arg6[%dma_wait3A_1535, %dma_wait3A_1536] : memref<1000000x16xf32, #tpu.memory_space<hbm>> -> memref<32x16xf32, #tpu.memory_space<hbm>>
    tpu.wait_dma2 semaphore(%arg28 : memref<!tpu.dma_semaphore, #tpu.memory_space<semaphore_mem>>) src(%dma_wait3A_1537 : memref<32x16xf32, #tpu.memory_space<hbm>>) dst(%arg21 : memref<32x16xf32, #tpu.memory_space<vmem>>)
    %dma_wait3A_1538 = arith.constant 0 : i32
    %dma_wait3A_1539 = arith.constant 0 : i32
    %dma_wait3A_1540 = tpu.memref_slice %arg6[%dma_wait3A_1538, %dma_wait3A_1539] : memref<1000000x16xf32, #tpu.memory_space<hbm>> -> memref<32x16xf32, #tpu.memory_space<hbm>>
    %dma_wait3A_1541 = arith.constant 0 : i32
    %dma_wait3A_1542 = arith.constant 0 : i32
    %dma_wait3A_1543 = tpu.memref_slice %arg6[%dma_wait3A_1541, %dma_wait3A_1542] : memref<1000000x16xf32, #tpu.memory_space<hbm>> -> memref<32x16xf32, #tpu.memory_space<hbm>>
    tpu.wait_dma2 semaphore(%arg28 : memref<!tpu.dma_semaphore, #tpu.memory_space<semaphore_mem>>) src(%dma_wait3A_1543 : memref<32x16xf32, #tpu.memory_space<hbm>>) dst(%arg22 : memref<32x16xf32, #tpu.memory_space<vmem>>)
    %dma_wait3A_1544 = arith.constant 0 : i32
    %dma_wait3A_1545 = arith.constant 0 : i32
    %dma_wait3A_1546 = tpu.memref_slice %arg7[%dma_wait3A_1544, %dma_wait3A_1545] : memref<1000000x16xf32, #tpu.memory_space<hbm>> -> memref<32x16xf32, #tpu.memory_space<hbm>>
    %dma_wait3A_1547 = arith.constant 0 : i32
    %dma_wait3A_1548 = arith.constant 0 : i32
    %dma_wait3A_1549 = tpu.memref_slice %arg7[%dma_wait3A_1547, %dma_wait3A_1548] : memref<1000000x16xf32, #tpu.memory_space<hbm>> -> memref<32x16xf32, #tpu.memory_space<hbm>>
    tpu.wait_dma2 semaphore(%arg28 : memref<!tpu.dma_semaphore, #tpu.memory_space<semaphore_mem>>) src(%dma_wait3A_1549 : memref<32x16xf32, #tpu.memory_space<hbm>>) dst(%arg23 : memref<32x16xf32, #tpu.memory_space<vmem>>)
    %iota3A = tpu.iota {dimensions = array<i32: 0>} : vector<16xi32>
    %add3A_1550 = arith.constant 0 : i32
    %add3A_1551 = vector.broadcast %add3A_1550 : i32 to vector<16xi32>
    %add3A_1552 = arith.addi %iota3A, %add3A_1551 : vector<16xi32>
    %get3A_1553 = arith.constant 0 : index
    %get3A_1554 = tpu.vector_load %arg16[%get3A_1553] {strides = array<i32>} : memref<32xi32, #tpu.memory_space<vmem>>, vector<16xi32>,
    %and3A = arith.constant 127 : i32
    %and3A_1555 = vector.broadcast %and3A : i32 to vector<16xi32>
    %and3A_1556 = arith.andi %get3A_1554, %and3A_1555 : vector<16xi32>
    %gather3A = tpu.vector_load_idx %arg24[%add3A_1552, %and3A_1556] : memref<32x128xf32, #tpu.memory_space<vmem>>[vector<16xi32>, vector<16xi32>], vector<16xf32>,
    %swap3A_1557 = arith.constant 0 : index
    %swap3A_1558 = tpu.vector_load %arg26[%swap3A_1557] {strides = array<i32>} : memref<32xf32, #tpu.memory_space<vmem>>, vector<16xf32>,
    tpu.vector_store %arg26[%swap3A_1557], %gather3A {strides = array<i32>} : memref<32xf32, #tpu.memory_space<vmem>>, vector<16xf32>,
    %get3A_1559 = arith.constant 0 : index
    %get3A_1560 = tpu.vector_load %arg17[%get3A_1559] {strides = array<i32>} : memref<32xi32, #tpu.memory_space<vmem>>, vector<16xi32>,
    %and3A_1561 = arith.constant 127 : i32
    %and3A_1562 = vector.broadcast %and3A_1561 : i32 to vector<16xi32>
    %and3A_1563 = arith.andi %get3A_1560, %and3A_1562 : vector<16xi32>
    %gather3A_1564 = tpu.vector_load_idx %arg25[%add3A_1552, %and3A_1563] : memref<32x128xf32, #tpu.memory_space<vmem>>[vector<16xi32>, vector<16xi32>], vector<16xf32>,
    %swap3A_1565 = arith.constant 0 : index
    %swap3A_1566 = tpu.vector_load %arg27[%swap3A_1565] {strides = array<i32>} : memref<32xf32, #tpu.memory_space<vmem>>, vector<16xf32>,
    tpu.vector_store %arg27[%swap3A_1565], %gather3A_1564 {strides = array<i32>} : memref<32xf32, #tpu.memory_space<vmem>>, vector<16xf32>,
    %iota3A_1567 = tpu.iota {dimensions = array<i32: 0>} : vector<16xi32>
    %add3A_1568 = arith.constant 16 : i32
    %add3A_1569 = vector.broadcast %add3A_1568 : i32 to vector<16xi32>
    %add3A_1570 = arith.addi %iota3A_1567, %add3A_1569 : vector<16xi32>
    %get3A_1571 = arith.constant 16 : index
    %get3A_1572 = tpu.vector_load %arg16[%get3A_1571] {strides = array<i32>} : memref<32xi32, #tpu.memory_space<vmem>>, vector<16xi32>,
    %and3A_1573 = arith.constant 127 : i32
    %and3A_1574 = vector.broadcast %and3A_1573 : i32 to vector<16xi32>
    %and3A_1575 = arith.andi %get3A_1572, %and3A_1574 : vector<16xi32>
    %gather3A_1576 = tpu.vector_load_idx %arg24[%add3A_1570, %and3A_1575] : memref<32x128xf32, #tpu.memory_space<vmem>>[vector<16xi32>, vector<16xi32>], vector<16xf32>,
    %swap3A_1577 = arith.constant 16 : index
    %swap3A_1578 = tpu.vector_load %arg26[%swap3A_1577] {strides = array<i32>} : memref<32xf32, #tpu.memory_space<vmem>>, vector<16xf32>,
    tpu.vector_store %arg26[%swap3A_1577], %gather3A_1576 {strides = array<i32>} : memref<32xf32, #tpu.memory_space<vmem>>, vector<16xf32>,
    %get3A_1579 = arith.constant 16 : index
    %get3A_1580 = tpu.vector_load %arg17[%get3A_1579] {strides = array<i32>} : memref<32xi32, #tpu.memory_space<vmem>>, vector<16xi32>,
    %and3A_1581 = arith.constant 127 : i32
    %and3A_1582 = vector.broadcast %and3A_1581 : i32 to vector<16xi32>
    %and3A_1583 = arith.andi %get3A_1580, %and3A_1582 : vector<16xi32>
    %gather3A_1584 = tpu.vector_load_idx %arg25[%add3A_1570, %and3A_1583] : memref<32x128xf32, #tpu.memory_space<vmem>>[vector<16xi32>, vector<16xi32>], vector<16xf32>,
    %swap3A_1585 = arith.constant 16 : index
    %swap3A_1586 = tpu.vector_load %arg27[%swap3A_1585] {strides = array<i32>} : memref<32xf32, #tpu.memory_space<vmem>>, vector<16xf32>,
    tpu.vector_store %arg27[%swap3A_1585], %gather3A_1584 {strides = array<i32>} : memref<32xf32, #tpu.memory_space<vmem>>, vector<16xf32>,
    %dma_start3A_1587 = arith.constant 0 : i32
    %dma_start3A_1588 = tpu.memref_slice %arg9[%mul3A_2, %dma_start3A_1587] : memref<1024x16xf32, #tpu.memory_space<hbm>> -> memref<32x16xf32, #tpu.memory_space<hbm>>
    %dma_start3A_1589 = arith.constant 0 : i32
    %dma_start3A_1590 = tpu.memref_slice %arg9[%mul3A_2, %dma_start3A_1589] : memref<1024x16xf32, #tpu.memory_space<hbm>> -> memref<32x16xf32, #tpu.memory_space<hbm>>
    tpu.enqueue_dma source(%arg20 : memref<32x16xf32, #tpu.memory_space<vmem>>) target(%dma_start3A_1590 : memref<32x16xf32, #tpu.memory_space<hbm>>) target_semaphore(%arg29 : memref<!tpu.dma_semaphore, #tpu.memory_space<semaphore_mem>>)
    %dma_start3A_1591 = arith.constant 0 : i32
    %dma_start3A_1592 = tpu.memref_slice %arg10[%mul3A_2, %dma_start3A_1591] : memref<1024x16xf32, #tpu.memory_space<hbm>> -> memref<32x16xf32, #tpu.memory_space<hbm>>
    %dma_start3A_1593 = arith.constant 0 : i32
    %dma_start3A_1594 = tpu.memref_slice %arg10[%mul3A_2, %dma_start3A_1593] : memref<1024x16xf32, #tpu.memory_space<hbm>> -> memref<32x16xf32, #tpu.memory_space<hbm>>
    tpu.enqueue_dma source(%arg21 : memref<32x16xf32, #tpu.memory_space<vmem>>) target(%dma_start3A_1594 : memref<32x16xf32, #tpu.memory_space<hbm>>) target_semaphore(%arg29 : memref<!tpu.dma_semaphore, #tpu.memory_space<semaphore_mem>>)
    %dma_start3A_1595 = arith.constant 0 : i32
    %dma_start3A_1596 = tpu.memref_slice %arg11[%mul3A_2, %dma_start3A_1595] : memref<1024x16xf32, #tpu.memory_space<hbm>> -> memref<32x16xf32, #tpu.memory_space<hbm>>
    %dma_start3A_1597 = arith.constant 0 : i32
    %dma_start3A_1598 = tpu.memref_slice %arg11[%mul3A_2, %dma_start3A_1597] : memref<1024x16xf32, #tpu.memory_space<hbm>> -> memref<32x16xf32, #tpu.memory_space<hbm>>
    tpu.enqueue_dma source(%arg22 : memref<32x16xf32, #tpu.memory_space<vmem>>) target(%dma_start3A_1598 : memref<32x16xf32, #tpu.memory_space<hbm>>) target_semaphore(%arg29 : memref<!tpu.dma_semaphore, #tpu.memory_space<semaphore_mem>>)
    %dma_start3A_1599 = arith.constant 0 : i32
    %dma_start3A_1600 = tpu.memref_slice %arg12[%mul3A_2, %dma_start3A_1599] : memref<1024x16xf32, #tpu.memory_space<hbm>> -> memref<32x16xf32, #tpu.memory_space<hbm>>
    %dma_start3A_1601 = arith.constant 0 : i32
    %dma_start3A_1602 = tpu.memref_slice %arg12[%mul3A_2, %dma_start3A_1601] : memref<1024x16xf32, #tpu.memory_space<hbm>> -> memref<32x16xf32, #tpu.memory_space<hbm>>
    tpu.enqueue_dma source(%arg23 : memref<32x16xf32, #tpu.memory_space<vmem>>) target(%dma_start3A_1602 : memref<32x16xf32, #tpu.memory_space<hbm>>) target_semaphore(%arg29 : memref<!tpu.dma_semaphore, #tpu.memory_space<semaphore_mem>>)
    %dma_start3A_1603 = tpu.memref_slice %arg13[%mul3A_2] : memref<1024xf32, #tpu.memory_space<hbm>> -> memref<32xf32, #tpu.memory_space<hbm>>
    %dma_start3A_1604 = tpu.memref_slice %arg13[%mul3A_2] : memref<1024xf32, #tpu.memory_space<hbm>> -> memref<32xf32, #tpu.memory_space<hbm>>
    tpu.enqueue_dma source(%arg26 : memref<32xf32, #tpu.memory_space<vmem>>) target(%dma_start3A_1604 : memref<32xf32, #tpu.memory_space<hbm>>) target_semaphore(%arg29 : memref<!tpu.dma_semaphore, #tpu.memory_space<semaphore_mem>>)
    %dma_start3A_1605 = tpu.memref_slice %arg14[%mul3A_2] : memref<1024xf32, #tpu.memory_space<hbm>> -> memref<32xf32, #tpu.memory_space<hbm>>
    %dma_start3A_1606 = tpu.memref_slice %arg14[%mul3A_2] : memref<1024xf32, #tpu.memory_space<hbm>> -> memref<32xf32, #tpu.memory_space<hbm>>
    tpu.enqueue_dma source(%arg27 : memref<32xf32, #tpu.memory_space<vmem>>) target(%dma_start3A_1606 : memref<32xf32, #tpu.memory_space<hbm>>) target_semaphore(%arg29 : memref<!tpu.dma_semaphore, #tpu.memory_space<semaphore_mem>>)
    %dma_wait3A_1607 = arith.constant 0 : i32
    %dma_wait3A_1608 = tpu.memref_slice %arg9[%mul3A_2, %dma_wait3A_1607] : memref<1024x16xf32, #tpu.memory_space<hbm>> -> memref<32x16xf32, #tpu.memory_space<hbm>>
    %dma_wait3A_1609 = arith.constant 0 : i32
    %dma_wait3A_1610 = tpu.memref_slice %arg9[%mul3A_2, %dma_wait3A_1609] : memref<1024x16xf32, #tpu.memory_space<hbm>> -> memref<32x16xf32, #tpu.memory_space<hbm>>
    tpu.wait_dma2 semaphore(%arg29 : memref<!tpu.dma_semaphore, #tpu.memory_space<semaphore_mem>>) src(%arg20 : memref<32x16xf32, #tpu.memory_space<vmem>>) dst(%dma_wait3A_1610 : memref<32x16xf32, #tpu.memory_space<hbm>>)
    %dma_wait3A_1611 = arith.constant 0 : i32
    %dma_wait3A_1612 = tpu.memref_slice %arg10[%mul3A_2, %dma_wait3A_1611] : memref<1024x16xf32, #tpu.memory_space<hbm>> -> memref<32x16xf32, #tpu.memory_space<hbm>>
    %dma_wait3A_1613 = arith.constant 0 : i32
    %dma_wait3A_1614 = tpu.memref_slice %arg10[%mul3A_2, %dma_wait3A_1613] : memref<1024x16xf32, #tpu.memory_space<hbm>> -> memref<32x16xf32, #tpu.memory_space<hbm>>
    tpu.wait_dma2 semaphore(%arg29 : memref<!tpu.dma_semaphore, #tpu.memory_space<semaphore_mem>>) src(%arg21 : memref<32x16xf32, #tpu.memory_space<vmem>>) dst(%dma_wait3A_1614 : memref<32x16xf32, #tpu.memory_space<hbm>>)
    %dma_wait3A_1615 = arith.constant 0 : i32
    %dma_wait3A_1616 = tpu.memref_slice %arg11[%mul3A_2, %dma_wait3A_1615] : memref<1024x16xf32, #tpu.memory_space<hbm>> -> memref<32x16xf32, #tpu.memory_space<hbm>>
    %dma_wait3A_1617 = arith.constant 0 : i32
    %dma_wait3A_1618 = tpu.memref_slice %arg11[%mul3A_2, %dma_wait3A_1617] : memref<1024x16xf32, #tpu.memory_space<hbm>> -> memref<32x16xf32, #tpu.memory_space<hbm>>
    tpu.wait_dma2 semaphore(%arg29 : memref<!tpu.dma_semaphore, #tpu.memory_space<semaphore_mem>>) src(%arg22 : memref<32x16xf32, #tpu.memory_space<vmem>>) dst(%dma_wait3A_1618 : memref<32x16xf32, #tpu.memory_space<hbm>>)
    %dma_wait3A_1619 = arith.constant 0 : i32
    %dma_wait3A_1620 = tpu.memref_slice %arg12[%mul3A_2, %dma_wait3A_1619] : memref<1024x16xf32, #tpu.memory_space<hbm>> -> memref<32x16xf32, #tpu.memory_space<hbm>>
    %dma_wait3A_1621 = arith.constant 0 : i32
    %dma_wait3A_1622 = tpu.memref_slice %arg12[%mul3A_2, %dma_wait3A_1621] : memref<1024x16xf32, #tpu.memory_space<hbm>> -> memref<32x16xf32, #tpu.memory_space<hbm>>
    tpu.wait_dma2 semaphore(%arg29 : memref<!tpu.dma_semaphore, #tpu.memory_space<semaphore_mem>>) src(%arg23 : memref<32x16xf32, #tpu.memory_space<vmem>>) dst(%dma_wait3A_1622 : memref<32x16xf32, #tpu.memory_space<hbm>>)
    %dma_wait3A_1623 = tpu.memref_slice %arg13[%mul3A_2] : memref<1024xf32, #tpu.memory_space<hbm>> -> memref<32xf32, #tpu.memory_space<hbm>>
    %dma_wait3A_1624 = tpu.memref_slice %arg13[%mul3A_2] : memref<1024xf32, #tpu.memory_space<hbm>> -> memref<32xf32, #tpu.memory_space<hbm>>
    tpu.wait_dma2 semaphore(%arg29 : memref<!tpu.dma_semaphore, #tpu.memory_space<semaphore_mem>>) src(%arg26 : memref<32xf32, #tpu.memory_space<vmem>>) dst(%dma_wait3A_1624 : memref<32xf32, #tpu.memory_space<hbm>>)
    %dma_wait3A_1625 = tpu.memref_slice %arg14[%mul3A_2] : memref<1024xf32, #tpu.memory_space<hbm>> -> memref<32xf32, #tpu.memory_space<hbm>>
    %dma_wait3A_1626 = tpu.memref_slice %arg14[%mul3A_2] : memref<1024xf32, #tpu.memory_space<hbm>> -> memref<32xf32, #tpu.memory_space<hbm>>
    tpu.wait_dma2 semaphore(%arg29 : memref<!tpu.dma_semaphore, #tpu.memory_space<semaphore_mem>>) src(%arg27 : memref<32xf32, #tpu.memory_space<vmem>>) dst(%dma_wait3A_1626 : memref<32xf32, #tpu.memory_space<hbm>>)
    return
  }
}

module attributes {stable_mosaic.version = 14 : i64} {
  func.func @body(%arg0: memref<1024xi32, #tpu.memory_space<smem>>, %arg1: memref<1024xi32, #tpu.memory_space<smem>>, %arg2: memref<1000000x64xf32, #tpu.memory_space<any>>, %arg3: memref<1024x64xf32, #tpu.memory_space<vmem>>, %arg4: memref<1024x64xf32, #tpu.memory_space<vmem>>, %arg5: memref<!tpu.dma_semaphore, #tpu.memory_space<semaphore_mem>>, %arg6: memref<!tpu.dma_semaphore, #tpu.memory_space<semaphore_mem>>) attributes {dimension_semantics = [], scalar_prefetch = 0 : i64, scratch_operands = 2 : i64, tpu.core_type = #tpu.core_type<tc>} {
    %scan3A = arith.constant 0 : i32
    %scan3A_0 = arith.constant 1024 : i32
    %scan3A_1 = arith.addi %scan3A, %scan3A_0 : i32
    %scan3A_2 = arith.constant 8 : i32
    scf.for %scan3A_9 = %scan3A to %scan3A_1 step %scan3A_2  : i32 {
      %get3A = arith.index_cast %scan3A_9 : i32 to index
      %get3A_10 = memref.load %arg0[%get3A] : memref<1024xi32, #tpu.memory_space<smem>>
      %dma_start3A = arith.constant 0 : i32
      %dma_start3A_11 = tpu.memref_slice %arg3[%scan3A_9, %dma_start3A] : memref<1024x64xf32, #tpu.memory_space<vmem>> -> memref<1x64xf32, #tpu.memory_space<vmem>>
      %dma_start3A_12 = arith.constant 0 : i32
      %dma_start3A_13 = tpu.memref_slice %arg2[%get3A_10, %dma_start3A_12] : memref<1000000x64xf32, #tpu.memory_space<any>> -> memref<1x64xf32, #tpu.memory_space<any>>
      tpu.enqueue_dma source(%dma_start3A_13 : memref<1x64xf32, #tpu.memory_space<any>>) target(%dma_start3A_11 : memref<1x64xf32, #tpu.memory_space<vmem>>) target_semaphore(%arg5 : memref<!tpu.dma_semaphore, #tpu.memory_space<semaphore_mem>>)
      %get3A_14 = arith.index_cast %scan3A_9 : i32 to index
      %get3A_15 = memref.load %arg1[%get3A_14] : memref<1024xi32, #tpu.memory_space<smem>>
      %dma_start3A_16 = arith.constant 0 : i32
      %dma_start3A_17 = tpu.memref_slice %arg4[%scan3A_9, %dma_start3A_16] : memref<1024x64xf32, #tpu.memory_space<vmem>> -> memref<1x64xf32, #tpu.memory_space<vmem>>
      %dma_start3A_18 = arith.constant 0 : i32
      %dma_start3A_19 = tpu.memref_slice %arg2[%get3A_15, %dma_start3A_18] : memref<1000000x64xf32, #tpu.memory_space<any>> -> memref<1x64xf32, #tpu.memory_space<any>>
      tpu.enqueue_dma source(%dma_start3A_19 : memref<1x64xf32, #tpu.memory_space<any>>) target(%dma_start3A_17 : memref<1x64xf32, #tpu.memory_space<vmem>>) target_semaphore(%arg6 : memref<!tpu.dma_semaphore, #tpu.memory_space<semaphore_mem>>)
      %scan3A_20 = arith.constant 1 : i32
      %scan3A_21 = arith.addi %scan3A_9, %scan3A_20 : i32
      %get3A_22 = arith.index_cast %scan3A_21 : i32 to index
      %get3A_23 = memref.load %arg0[%get3A_22] : memref<1024xi32, #tpu.memory_space<smem>>
      %dma_start3A_24 = arith.constant 0 : i32
      %dma_start3A_25 = tpu.memref_slice %arg3[%scan3A_21, %dma_start3A_24] : memref<1024x64xf32, #tpu.memory_space<vmem>> -> memref<1x64xf32, #tpu.memory_space<vmem>>
      %dma_start3A_26 = arith.constant 0 : i32
      %dma_start3A_27 = tpu.memref_slice %arg2[%get3A_23, %dma_start3A_26] : memref<1000000x64xf32, #tpu.memory_space<any>> -> memref<1x64xf32, #tpu.memory_space<any>>
      tpu.enqueue_dma source(%dma_start3A_27 : memref<1x64xf32, #tpu.memory_space<any>>) target(%dma_start3A_25 : memref<1x64xf32, #tpu.memory_space<vmem>>) target_semaphore(%arg5 : memref<!tpu.dma_semaphore, #tpu.memory_space<semaphore_mem>>)
      %get3A_28 = arith.index_cast %scan3A_21 : i32 to index
      %get3A_29 = memref.load %arg1[%get3A_28] : memref<1024xi32, #tpu.memory_space<smem>>
      %dma_start3A_30 = arith.constant 0 : i32
      %dma_start3A_31 = tpu.memref_slice %arg4[%scan3A_21, %dma_start3A_30] : memref<1024x64xf32, #tpu.memory_space<vmem>> -> memref<1x64xf32, #tpu.memory_space<vmem>>
      %dma_start3A_32 = arith.constant 0 : i32
      %dma_start3A_33 = tpu.memref_slice %arg2[%get3A_29, %dma_start3A_32] : memref<1000000x64xf32, #tpu.memory_space<any>> -> memref<1x64xf32, #tpu.memory_space<any>>
      tpu.enqueue_dma source(%dma_start3A_33 : memref<1x64xf32, #tpu.memory_space<any>>) target(%dma_start3A_31 : memref<1x64xf32, #tpu.memory_space<vmem>>) target_semaphore(%arg6 : memref<!tpu.dma_semaphore, #tpu.memory_space<semaphore_mem>>)
      %scan3A_34 = arith.constant 2 : i32
      %scan3A_35 = arith.addi %scan3A_9, %scan3A_34 : i32
      %get3A_36 = arith.index_cast %scan3A_35 : i32 to index
      %get3A_37 = memref.load %arg0[%get3A_36] : memref<1024xi32, #tpu.memory_space<smem>>
      %dma_start3A_38 = arith.constant 0 : i32
      %dma_start3A_39 = tpu.memref_slice %arg3[%scan3A_35, %dma_start3A_38] : memref<1024x64xf32, #tpu.memory_space<vmem>> -> memref<1x64xf32, #tpu.memory_space<vmem>>
      %dma_start3A_40 = arith.constant 0 : i32
      %dma_start3A_41 = tpu.memref_slice %arg2[%get3A_37, %dma_start3A_40] : memref<1000000x64xf32, #tpu.memory_space<any>> -> memref<1x64xf32, #tpu.memory_space<any>>
      tpu.enqueue_dma source(%dma_start3A_41 : memref<1x64xf32, #tpu.memory_space<any>>) target(%dma_start3A_39 : memref<1x64xf32, #tpu.memory_space<vmem>>) target_semaphore(%arg5 : memref<!tpu.dma_semaphore, #tpu.memory_space<semaphore_mem>>)
      %get3A_42 = arith.index_cast %scan3A_35 : i32 to index
      %get3A_43 = memref.load %arg1[%get3A_42] : memref<1024xi32, #tpu.memory_space<smem>>
      %dma_start3A_44 = arith.constant 0 : i32
      %dma_start3A_45 = tpu.memref_slice %arg4[%scan3A_35, %dma_start3A_44] : memref<1024x64xf32, #tpu.memory_space<vmem>> -> memref<1x64xf32, #tpu.memory_space<vmem>>
      %dma_start3A_46 = arith.constant 0 : i32
      %dma_start3A_47 = tpu.memref_slice %arg2[%get3A_43, %dma_start3A_46] : memref<1000000x64xf32, #tpu.memory_space<any>> -> memref<1x64xf32, #tpu.memory_space<any>>
      tpu.enqueue_dma source(%dma_start3A_47 : memref<1x64xf32, #tpu.memory_space<any>>) target(%dma_start3A_45 : memref<1x64xf32, #tpu.memory_space<vmem>>) target_semaphore(%arg6 : memref<!tpu.dma_semaphore, #tpu.memory_space<semaphore_mem>>)
      %scan3A_48 = arith.constant 3 : i32
      %scan3A_49 = arith.addi %scan3A_9, %scan3A_48 : i32
      %get3A_50 = arith.index_cast %scan3A_49 : i32 to index
      %get3A_51 = memref.load %arg0[%get3A_50] : memref<1024xi32, #tpu.memory_space<smem>>
      %dma_start3A_52 = arith.constant 0 : i32
      %dma_start3A_53 = tpu.memref_slice %arg3[%scan3A_49, %dma_start3A_52] : memref<1024x64xf32, #tpu.memory_space<vmem>> -> memref<1x64xf32, #tpu.memory_space<vmem>>
      %dma_start3A_54 = arith.constant 0 : i32
      %dma_start3A_55 = tpu.memref_slice %arg2[%get3A_51, %dma_start3A_54] : memref<1000000x64xf32, #tpu.memory_space<any>> -> memref<1x64xf32, #tpu.memory_space<any>>
      tpu.enqueue_dma source(%dma_start3A_55 : memref<1x64xf32, #tpu.memory_space<any>>) target(%dma_start3A_53 : memref<1x64xf32, #tpu.memory_space<vmem>>) target_semaphore(%arg5 : memref<!tpu.dma_semaphore, #tpu.memory_space<semaphore_mem>>)
      %get3A_56 = arith.index_cast %scan3A_49 : i32 to index
      %get3A_57 = memref.load %arg1[%get3A_56] : memref<1024xi32, #tpu.memory_space<smem>>
      %dma_start3A_58 = arith.constant 0 : i32
      %dma_start3A_59 = tpu.memref_slice %arg4[%scan3A_49, %dma_start3A_58] : memref<1024x64xf32, #tpu.memory_space<vmem>> -> memref<1x64xf32, #tpu.memory_space<vmem>>
      %dma_start3A_60 = arith.constant 0 : i32
      %dma_start3A_61 = tpu.memref_slice %arg2[%get3A_57, %dma_start3A_60] : memref<1000000x64xf32, #tpu.memory_space<any>> -> memref<1x64xf32, #tpu.memory_space<any>>
      tpu.enqueue_dma source(%dma_start3A_61 : memref<1x64xf32, #tpu.memory_space<any>>) target(%dma_start3A_59 : memref<1x64xf32, #tpu.memory_space<vmem>>) target_semaphore(%arg6 : memref<!tpu.dma_semaphore, #tpu.memory_space<semaphore_mem>>)
      %scan3A_62 = arith.constant 4 : i32
      %scan3A_63 = arith.addi %scan3A_9, %scan3A_62 : i32
      %get3A_64 = arith.index_cast %scan3A_63 : i32 to index
      %get3A_65 = memref.load %arg0[%get3A_64] : memref<1024xi32, #tpu.memory_space<smem>>
      %dma_start3A_66 = arith.constant 0 : i32
      %dma_start3A_67 = tpu.memref_slice %arg3[%scan3A_63, %dma_start3A_66] : memref<1024x64xf32, #tpu.memory_space<vmem>> -> memref<1x64xf32, #tpu.memory_space<vmem>>
      %dma_start3A_68 = arith.constant 0 : i32
      %dma_start3A_69 = tpu.memref_slice %arg2[%get3A_65, %dma_start3A_68] : memref<1000000x64xf32, #tpu.memory_space<any>> -> memref<1x64xf32, #tpu.memory_space<any>>
      tpu.enqueue_dma source(%dma_start3A_69 : memref<1x64xf32, #tpu.memory_space<any>>) target(%dma_start3A_67 : memref<1x64xf32, #tpu.memory_space<vmem>>) target_semaphore(%arg5 : memref<!tpu.dma_semaphore, #tpu.memory_space<semaphore_mem>>)
      %get3A_70 = arith.index_cast %scan3A_63 : i32 to index
      %get3A_71 = memref.load %arg1[%get3A_70] : memref<1024xi32, #tpu.memory_space<smem>>
      %dma_start3A_72 = arith.constant 0 : i32
      %dma_start3A_73 = tpu.memref_slice %arg4[%scan3A_63, %dma_start3A_72] : memref<1024x64xf32, #tpu.memory_space<vmem>> -> memref<1x64xf32, #tpu.memory_space<vmem>>
      %dma_start3A_74 = arith.constant 0 : i32
      %dma_start3A_75 = tpu.memref_slice %arg2[%get3A_71, %dma_start3A_74] : memref<1000000x64xf32, #tpu.memory_space<any>> -> memref<1x64xf32, #tpu.memory_space<any>>
      tpu.enqueue_dma source(%dma_start3A_75 : memref<1x64xf32, #tpu.memory_space<any>>) target(%dma_start3A_73 : memref<1x64xf32, #tpu.memory_space<vmem>>) target_semaphore(%arg6 : memref<!tpu.dma_semaphore, #tpu.memory_space<semaphore_mem>>)
      %scan3A_76 = arith.constant 5 : i32
      %scan3A_77 = arith.addi %scan3A_9, %scan3A_76 : i32
      %get3A_78 = arith.index_cast %scan3A_77 : i32 to index
      %get3A_79 = memref.load %arg0[%get3A_78] : memref<1024xi32, #tpu.memory_space<smem>>
      %dma_start3A_80 = arith.constant 0 : i32
      %dma_start3A_81 = tpu.memref_slice %arg3[%scan3A_77, %dma_start3A_80] : memref<1024x64xf32, #tpu.memory_space<vmem>> -> memref<1x64xf32, #tpu.memory_space<vmem>>
      %dma_start3A_82 = arith.constant 0 : i32
      %dma_start3A_83 = tpu.memref_slice %arg2[%get3A_79, %dma_start3A_82] : memref<1000000x64xf32, #tpu.memory_space<any>> -> memref<1x64xf32, #tpu.memory_space<any>>
      tpu.enqueue_dma source(%dma_start3A_83 : memref<1x64xf32, #tpu.memory_space<any>>) target(%dma_start3A_81 : memref<1x64xf32, #tpu.memory_space<vmem>>) target_semaphore(%arg5 : memref<!tpu.dma_semaphore, #tpu.memory_space<semaphore_mem>>)
      %get3A_84 = arith.index_cast %scan3A_77 : i32 to index
      %get3A_85 = memref.load %arg1[%get3A_84] : memref<1024xi32, #tpu.memory_space<smem>>
      %dma_start3A_86 = arith.constant 0 : i32
      %dma_start3A_87 = tpu.memref_slice %arg4[%scan3A_77, %dma_start3A_86] : memref<1024x64xf32, #tpu.memory_space<vmem>> -> memref<1x64xf32, #tpu.memory_space<vmem>>
      %dma_start3A_88 = arith.constant 0 : i32
      %dma_start3A_89 = tpu.memref_slice %arg2[%get3A_85, %dma_start3A_88] : memref<1000000x64xf32, #tpu.memory_space<any>> -> memref<1x64xf32, #tpu.memory_space<any>>
      tpu.enqueue_dma source(%dma_start3A_89 : memref<1x64xf32, #tpu.memory_space<any>>) target(%dma_start3A_87 : memref<1x64xf32, #tpu.memory_space<vmem>>) target_semaphore(%arg6 : memref<!tpu.dma_semaphore, #tpu.memory_space<semaphore_mem>>)
      %scan3A_90 = arith.constant 6 : i32
      %scan3A_91 = arith.addi %scan3A_9, %scan3A_90 : i32
      %get3A_92 = arith.index_cast %scan3A_91 : i32 to index
      %get3A_93 = memref.load %arg0[%get3A_92] : memref<1024xi32, #tpu.memory_space<smem>>
      %dma_start3A_94 = arith.constant 0 : i32
      %dma_start3A_95 = tpu.memref_slice %arg3[%scan3A_91, %dma_start3A_94] : memref<1024x64xf32, #tpu.memory_space<vmem>> -> memref<1x64xf32, #tpu.memory_space<vmem>>
      %dma_start3A_96 = arith.constant 0 : i32
      %dma_start3A_97 = tpu.memref_slice %arg2[%get3A_93, %dma_start3A_96] : memref<1000000x64xf32, #tpu.memory_space<any>> -> memref<1x64xf32, #tpu.memory_space<any>>
      tpu.enqueue_dma source(%dma_start3A_97 : memref<1x64xf32, #tpu.memory_space<any>>) target(%dma_start3A_95 : memref<1x64xf32, #tpu.memory_space<vmem>>) target_semaphore(%arg5 : memref<!tpu.dma_semaphore, #tpu.memory_space<semaphore_mem>>)
      %get3A_98 = arith.index_cast %scan3A_91 : i32 to index
      %get3A_99 = memref.load %arg1[%get3A_98] : memref<1024xi32, #tpu.memory_space<smem>>
      %dma_start3A_100 = arith.constant 0 : i32
      %dma_start3A_101 = tpu.memref_slice %arg4[%scan3A_91, %dma_start3A_100] : memref<1024x64xf32, #tpu.memory_space<vmem>> -> memref<1x64xf32, #tpu.memory_space<vmem>>
      %dma_start3A_102 = arith.constant 0 : i32
      %dma_start3A_103 = tpu.memref_slice %arg2[%get3A_99, %dma_start3A_102] : memref<1000000x64xf32, #tpu.memory_space<any>> -> memref<1x64xf32, #tpu.memory_space<any>>
      tpu.enqueue_dma source(%dma_start3A_103 : memref<1x64xf32, #tpu.memory_space<any>>) target(%dma_start3A_101 : memref<1x64xf32, #tpu.memory_space<vmem>>) target_semaphore(%arg6 : memref<!tpu.dma_semaphore, #tpu.memory_space<semaphore_mem>>)
      %scan3A_104 = arith.constant 7 : i32
      %scan3A_105 = arith.addi %scan3A_9, %scan3A_104 : i32
      %get3A_106 = arith.index_cast %scan3A_105 : i32 to index
      %get3A_107 = memref.load %arg0[%get3A_106] : memref<1024xi32, #tpu.memory_space<smem>>
      %dma_start3A_108 = arith.constant 0 : i32
      %dma_start3A_109 = tpu.memref_slice %arg3[%scan3A_105, %dma_start3A_108] : memref<1024x64xf32, #tpu.memory_space<vmem>> -> memref<1x64xf32, #tpu.memory_space<vmem>>
      %dma_start3A_110 = arith.constant 0 : i32
      %dma_start3A_111 = tpu.memref_slice %arg2[%get3A_107, %dma_start3A_110] : memref<1000000x64xf32, #tpu.memory_space<any>> -> memref<1x64xf32, #tpu.memory_space<any>>
      tpu.enqueue_dma source(%dma_start3A_111 : memref<1x64xf32, #tpu.memory_space<any>>) target(%dma_start3A_109 : memref<1x64xf32, #tpu.memory_space<vmem>>) target_semaphore(%arg5 : memref<!tpu.dma_semaphore, #tpu.memory_space<semaphore_mem>>)
      %get3A_112 = arith.index_cast %scan3A_105 : i32 to index
      %get3A_113 = memref.load %arg1[%get3A_112] : memref<1024xi32, #tpu.memory_space<smem>>
      %dma_start3A_114 = arith.constant 0 : i32
      %dma_start3A_115 = tpu.memref_slice %arg4[%scan3A_105, %dma_start3A_114] : memref<1024x64xf32, #tpu.memory_space<vmem>> -> memref<1x64xf32, #tpu.memory_space<vmem>>
      %dma_start3A_116 = arith.constant 0 : i32
      %dma_start3A_117 = tpu.memref_slice %arg2[%get3A_113, %dma_start3A_116] : memref<1000000x64xf32, #tpu.memory_space<any>> -> memref<1x64xf32, #tpu.memory_space<any>>
      tpu.enqueue_dma source(%dma_start3A_117 : memref<1x64xf32, #tpu.memory_space<any>>) target(%dma_start3A_115 : memref<1x64xf32, #tpu.memory_space<vmem>>) target_semaphore(%arg6 : memref<!tpu.dma_semaphore, #tpu.memory_space<semaphore_mem>>)
    }
    %scan3A_3 = arith.constant 1024 : i32
    %dma_wait3A = arith.constant 0 : i32
    %dma_wait3A_4 = arith.constant 0 : i32
    %dma_wait3A_5 = tpu.memref_slice %arg2[%dma_wait3A, %dma_wait3A_4] : memref<1000000x64xf32, #tpu.memory_space<any>> -> memref<1024x64xf32, #tpu.memory_space<any>>
    tpu.wait_dma2 semaphore(%arg5 : memref<!tpu.dma_semaphore, #tpu.memory_space<semaphore_mem>>) src(%dma_wait3A_5 : memref<1024x64xf32, #tpu.memory_space<any>>) dst(%arg3 : memref<1024x64xf32, #tpu.memory_space<vmem>>)
    %dma_wait3A_6 = arith.constant 0 : i32
    %dma_wait3A_7 = arith.constant 0 : i32
    %dma_wait3A_8 = tpu.memref_slice %arg2[%dma_wait3A_6, %dma_wait3A_7] : memref<1000000x64xf32, #tpu.memory_space<any>> -> memref<1024x64xf32, #tpu.memory_space<any>>
    tpu.wait_dma2 semaphore(%arg6 : memref<!tpu.dma_semaphore, #tpu.memory_space<semaphore_mem>>) src(%dma_wait3A_8 : memref<1024x64xf32, #tpu.memory_space<any>>) dst(%arg4 : memref<1024x64xf32, #tpu.memory_space<vmem>>)
    return
  }
}

module attributes {stable_mosaic.version = 14 : i64} {
  func.func @body(%arg0: i32, %arg1: memref<1024x16xf32, #tpu.memory_space<vmem>>, %arg2: memref<1024x16xf32, #tpu.memory_space<vmem>>, %arg3: memref<1024x16xf32, #tpu.memory_space<vmem>>, %arg4: memref<1024x16xf32, #tpu.memory_space<vmem>>, %arg5: memref<1x1024xf32, #tpu.memory_space<vmem>>, %arg6: memref<1x1024xf32, #tpu.memory_space<vmem>>, %arg7: memref<1024x64xf32, #tpu.memory_space<vmem>>, %arg8: memref<1024x64xf32, #tpu.memory_space<vmem>>, %arg9: memref<16x64xf32, #tpu.memory_space<vmem>>, %arg10: memref<64x1xf32, #tpu.memory_space<vmem>>, %arg11: memref<128x1024xf32, #tpu.memory_space<vmem>>, %arg12: memref<128x1024xf32, #tpu.memory_space<vmem>>, %arg13: memref<1x1024xf32, #tpu.memory_space<vmem>>, %arg14: memref<1x1024xf32, #tpu.memory_space<vmem>>, %arg15: memref<1024x1xf32, #tpu.memory_space<vmem>>, %arg16: memref<1024x1xf32, #tpu.memory_space<vmem>>) attributes {dimension_semantics = [#tpu.dimension_semantics<arbitrary>], iteration_bounds = array<i64: 8>, scalar_prefetch = 0 : i64, scratch_operands = 4 : i64, tpu.core_type = #tpu.core_type<tc>, window_params = [{pipeline_mode = #tpu.pipeline_mode<synchronous>, transform_indices = @transform_0, window_bounds = array<i64: 1024, 16>}, {pipeline_mode = #tpu.pipeline_mode<synchronous>, transform_indices = @transform_1, window_bounds = array<i64: 1024, 16>}, {pipeline_mode = #tpu.pipeline_mode<synchronous>, transform_indices = @transform_2, window_bounds = array<i64: 1024, 16>}, {pipeline_mode = #tpu.pipeline_mode<synchronous>, transform_indices = @transform_3, window_bounds = array<i64: 1024, 16>}, {pipeline_mode = #tpu.pipeline_mode<synchronous>, transform_indices = @transform_4, window_bounds = array<i64: 1, 1024>}, {pipeline_mode = #tpu.pipeline_mode<synchronous>, transform_indices = @transform_5, window_bounds = array<i64: 1, 1024>}, {pipeline_mode = #tpu.pipeline_mode<synchronous>, transform_indices = @transform_6, window_bounds = array<i64: 1024, 64>}, {pipeline_mode = #tpu.pipeline_mode<synchronous>, transform_indices = @transform_7, window_bounds = array<i64: 1024, 64>}, {pipeline_mode = #tpu.pipeline_mode<synchronous>, transform_indices = @transform_8, window_bounds = array<i64: 16, 64>}, {pipeline_mode = #tpu.pipeline_mode<synchronous>, transform_indices = @transform_9, window_bounds = array<i64: 64, 1>}, {transform_indices = @transform_10, window_bounds = array<i64: 128, 1024>}, {transform_indices = @transform_11, window_bounds = array<i64: 128, 1024>}]} {
    %eq3A = arith.constant 0 : i32
    %eq3A_0 = arith.cmpi eq, %arg0, %eq3A : i32
    %convert_element_type3A = arith.extui %eq3A_0 : i1 to i32
    %cond3A = arith.constant 0 : i32
    %cond3A_1 = arith.cmpi ne, %convert_element_type3A, %cond3A : i32
    scf.if %cond3A_1 {
      %get3A_26 = arith.constant 0 : index
      %get3A_27 = arith.constant 0 : index
      %get3A_28 = vector.load %arg1[%get3A_26, %get3A_27] : memref<1024x16xf32, #tpu.memory_space<vmem>>, vector<1024x16xf32>
      %get3A_29 = arith.constant 0 : index
      %get3A_30 = arith.constant 0 : index
      %get3A_31 = vector.load %arg2[%get3A_29, %get3A_30] : memref<1024x16xf32, #tpu.memory_space<vmem>>, vector<1024x16xf32>
      %get3A_32 = arith.constant 0 : index
      %get3A_33 = arith.constant 0 : index
      %get3A_34 = vector.load %arg3[%get3A_32, %get3A_33] : memref<1024x16xf32, #tpu.memory_space<vmem>>, vector<1024x16xf32>
      %get3A_35 = arith.constant 0 : index
      %get3A_36 = arith.constant 0 : index
      %get3A_37 = vector.load %arg4[%get3A_35, %get3A_36] : memref<1024x16xf32, #tpu.memory_space<vmem>>, vector<1024x16xf32>
      %get3A_38 = arith.constant 0 : index
      %get3A_39 = arith.constant 0 : index
      %get3A_40 = vector.load %arg9[%get3A_38, %get3A_39] : memref<16x64xf32, #tpu.memory_space<vmem>>, vector<16x64xf32>
      %get3A_41 = arith.constant 0 : index
      %get3A_42 = arith.constant 0 : index
      %get3A_43 = vector.load %arg7[%get3A_41, %get3A_42] : memref<1024x64xf32, #tpu.memory_space<vmem>>, vector<1024x64xf32>
      %dot_general3A = arith.constant dense<0.000000e+00> : vector<1024x16xf32>
      %dot_general3A_44 = tpu.matmul %get3A_43, %get3A_40, %dot_general3A {dimension_numbers = #tpu.dot_dimension_numbers<[1], [1], [0], [0], [0, 0, 1, 0], [], []>, transpose_lhs_hint = false} : vector<1024x64xf32>, vector<16x64xf32>, vector<1024x16xf32> -> vector<1024x16xf32>
      %get3A_45 = arith.constant 0 : index
      %get3A_46 = arith.constant 0 : index
      %get3A_47 = vector.load %arg8[%get3A_45, %get3A_46] : memref<1024x64xf32, #tpu.memory_space<vmem>>, vector<1024x64xf32>
      %dot_general3A_48 = arith.constant dense<0.000000e+00> : vector<1024x16xf32>
      %dot_general3A_49 = tpu.matmul %get3A_47, %get3A_40, %dot_general3A_48 {dimension_numbers = #tpu.dot_dimension_numbers<[1], [1], [0], [0], [0, 0, 1, 0], [], []>, transpose_lhs_hint = false} : vector<1024x64xf32>, vector<16x64xf32>, vector<1024x16xf32> -> vector<1024x16xf32>
      %mul3A_50 = arith.mulf %get3A_28, %get3A_31 : vector<1024x16xf32>
      %mul3A_51 = arith.mulf %get3A_37, %dot_general3A_44 : vector<1024x16xf32>
      %add3A_52 = arith.addf %mul3A_50, %mul3A_51 : vector<1024x16xf32>
      %mul3A_53 = arith.mulf %get3A_28, %get3A_34 : vector<1024x16xf32>
      %mul3A_54 = arith.mulf %get3A_37, %dot_general3A_49 : vector<1024x16xf32>
      %add3A_55 = arith.addf %mul3A_53, %mul3A_54 : vector<1024x16xf32>
      %broadcast_in_dim3A = arith.constant 1.000000e+00 : f32
      %broadcast_in_dim3A_56 = vector.broadcast %broadcast_in_dim3A : f32 to vector<1x16xf32>
      %dot_general3A_57 = arith.constant dense<0.000000e+00> : vector<1x1024xf32>
      %dot_general3A_58 = tpu.matmul %broadcast_in_dim3A_56, %add3A_52, %dot_general3A_57 {dimension_numbers = #tpu.dot_dimension_numbers<[1], [1], [0], [0], [0, 0, 1, 0], [], []>, transpose_lhs_hint = false} : vector<1x16xf32>, vector<1024x16xf32>, vector<1x1024xf32> -> vector<1x1024xf32>
      %dot_general3A_59 = arith.constant dense<0.000000e+00> : vector<1x1024xf32>
      %dot_general3A_60 = tpu.matmul %broadcast_in_dim3A_56, %add3A_55, %dot_general3A_59 {dimension_numbers = #tpu.dot_dimension_numbers<[1], [1], [0], [0], [0, 0, 1, 0], [], []>, transpose_lhs_hint = false} : vector<1x16xf32>, vector<1024x16xf32>, vector<1x1024xf32> -> vector<1x1024xf32>
      %get3A_61 = arith.constant 0 : index
      %get3A_62 = arith.constant 0 : index
      %get3A_63 = vector.load %arg5[%get3A_61, %get3A_62] : memref<1x1024xf32, #tpu.memory_space<vmem>>, vector<1x1024xf32>
      %add3A_64 = arith.addf %dot_general3A_58, %get3A_63 : vector<1x1024xf32>
      %swap3A_65 = arith.constant 0 : index
      %swap3A_66 = arith.constant 0 : index
      %swap3A_67 = vector.load %arg13[%swap3A_65, %swap3A_66] : memref<1x1024xf32, #tpu.memory_space<vmem>>, vector<1x1024xf32>
      tpu.vector_store %arg13[%swap3A_65, %swap3A_66], %add3A_64 {strides = array<i32>} : memref<1x1024xf32, #tpu.memory_space<vmem>>, vector<1x1024xf32>,
      %get3A_68 = arith.constant 0 : index
      %get3A_69 = arith.constant 0 : index
      %get3A_70 = vector.load %arg6[%get3A_68, %get3A_69] : memref<1x1024xf32, #tpu.memory_space<vmem>>, vector<1x1024xf32>
      %add3A_71 = arith.addf %dot_general3A_60, %get3A_70 : vector<1x1024xf32>
      %swap3A_72 = arith.constant 0 : index
      %swap3A_73 = arith.constant 0 : index
      %swap3A_74 = vector.load %arg14[%swap3A_72, %swap3A_73] : memref<1x1024xf32, #tpu.memory_space<vmem>>, vector<1x1024xf32>
      tpu.vector_store %arg14[%swap3A_72, %swap3A_73], %add3A_71 {strides = array<i32>} : memref<1x1024xf32, #tpu.memory_space<vmem>>, vector<1x1024xf32>,
      %get3A_75 = arith.constant 0 : index
      %get3A_76 = arith.constant 0 : index
      %get3A_77 = vector.load %arg7[%get3A_75, %get3A_76] : memref<1024x64xf32, #tpu.memory_space<vmem>>, vector<1024x64xf32>
      %get3A_78 = arith.constant 0 : index
      %get3A_79 = arith.constant 0 : index
      %get3A_80 = vector.load %arg10[%get3A_78, %get3A_79] : memref<64x1xf32, #tpu.memory_space<vmem>>, vector<64x1xf32>
      %dot_general3A_81 = arith.constant dense<0.000000e+00> : vector<1024x1xf32>
      %dot_general3A_82 = tpu.matmul %get3A_77, %get3A_80, %dot_general3A_81 {dimension_numbers = #tpu.dot_dimension_numbers<[1], [0], [0], [1], [0, 0, 1, 1], [], []>, transpose_lhs_hint = false} : vector<1024x64xf32>, vector<64x1xf32>, vector<1024x1xf32> -> vector<1024x1xf32>
      %swap3A_83 = arith.constant 0 : index
      %swap3A_84 = arith.constant 0 : index
      %swap3A_85 = vector.load %arg15[%swap3A_83, %swap3A_84] : memref<1024x1xf32, #tpu.memory_space<vmem>>, vector<1024x1xf32>
      tpu.vector_store %arg15[%swap3A_83, %swap3A_84], %dot_general3A_82 {strides = array<i32>} : memref<1024x1xf32, #tpu.memory_space<vmem>>, vector<1024x1xf32>,
      %get3A_86 = arith.constant 0 : index
      %get3A_87 = arith.constant 0 : index
      %get3A_88 = vector.load %arg8[%get3A_86, %get3A_87] : memref<1024x64xf32, #tpu.memory_space<vmem>>, vector<1024x64xf32>
      %get3A_89 = arith.constant 0 : index
      %get3A_90 = arith.constant 0 : index
      %get3A_91 = vector.load %arg10[%get3A_89, %get3A_90] : memref<64x1xf32, #tpu.memory_space<vmem>>, vector<64x1xf32>
      %dot_general3A_92 = arith.constant dense<0.000000e+00> : vector<1024x1xf32>
      %dot_general3A_93 = tpu.matmul %get3A_88, %get3A_91, %dot_general3A_92 {dimension_numbers = #tpu.dot_dimension_numbers<[1], [0], [0], [1], [0, 0, 1, 1], [], []>, transpose_lhs_hint = false} : vector<1024x64xf32>, vector<64x1xf32>, vector<1024x1xf32> -> vector<1024x1xf32>
      %swap3A_94 = arith.constant 0 : index
      %swap3A_95 = arith.constant 0 : index
      %swap3A_96 = vector.load %arg16[%swap3A_94, %swap3A_95] : memref<1024x1xf32, #tpu.memory_space<vmem>>, vector<1024x1xf32>
      tpu.vector_store %arg16[%swap3A_94, %swap3A_95], %dot_general3A_93 {strides = array<i32>} : memref<1024x1xf32, #tpu.memory_space<vmem>>, vector<1024x1xf32>,
    } else {
    }
    %get3A = arith.constant 0 : index
    %get3A_2 = arith.constant 0 : index
    %get3A_3 = vector.load %arg13[%get3A, %get3A_2] : memref<1x1024xf32, #tpu.memory_space<vmem>>, vector<1x1024xf32>
    %mul3A = arith.constant 128 : i32
    %mul3A_4 = arith.muli %arg0, %mul3A : i32
    %get3A_5 = arith.index_cast %mul3A_4 : i32 to index
    %get3A_6 = arith.constant 0 : index
    %get3A_7 = vector.load %arg15[%get3A_5, %get3A_6] : memref<1024x1xf32, #tpu.memory_space<vmem>>, vector<128x1xf32>
    %add3A = vector.broadcast %get3A_3 : vector<1x1024xf32> to vector<128x1024xf32>
    %add3A_8 = vector.broadcast %get3A_7 : vector<128x1xf32> to vector<128x1024xf32>
    %add3A_9 = arith.addf %add3A, %add3A_8 : vector<128x1024xf32>
    %swap3A = arith.constant 0 : index
    %swap3A_10 = arith.constant 0 : index
    %swap3A_11 = vector.load %arg11[%swap3A, %swap3A_10] : memref<128x1024xf32, #tpu.memory_space<vmem>>, vector<128x1024xf32>
    tpu.vector_store %arg11[%swap3A, %swap3A_10], %add3A_9 {strides = array<i32>} : memref<128x1024xf32, #tpu.memory_space<vmem>>, vector<128x1024xf32>,
    %get3A_12 = arith.constant 0 : index
    %get3A_13 = arith.constant 0 : index
    %get3A_14 = vector.load %arg14[%get3A_12, %get3A_13] : memref<1x1024xf32, #tpu.memory_space<vmem>>, vector<1x1024xf32>
    %mul3A_15 = arith.constant 128 : i32
    %mul3A_16 = arith.muli %arg0, %mul3A_15 : i32
    %get3A_17 = arith.index_cast %mul3A_16 : i32 to index
    %get3A_18 = arith.constant 0 : index
    %get3A_19 = vector.load %arg16[%get3A_17, %get3A_18] : memref<1024x1xf32, #tpu.memory_space<vmem>>, vector<128x1xf32>
    %add3A_20 = vector.broadcast %get3A_14 : vector<1x1024xf32> to vector<128x1024xf32>
    %add3A_21 = vector.broadcast %get3A_19 : vector<128x1xf32> to vector<128x1024xf32>
    %add3A_22 = arith.addf %add3A_20, %add3A_21 : vector<128x1024xf32>
    %swap3A_23 = arith.constant 0 : index
    %swap3A_24 = arith.constant 0 : index
    %swap3A_25 = vector.load %arg12[%swap3A_23, %swap3A_24] : memref<128x1024xf32, #tpu.memory_space<vmem>>, vector<128x1024xf32>
    tpu.vector_store %arg12[%swap3A_23, %swap3A_24], %add3A_22 {strides = array<i32>} : memref<128x1024xf32, #tpu.memory_space<vmem>>, vector<128x1024xf32>,
    return
  }
  func.func @transform_0(%arg0: i32) -> (i32, i32) {
    %c0_i32 = arith.constant 0 : i32
    %c0_i32_0 = arith.constant 0 : i32
    %c0_i32_1 = arith.constant 0 : i32
    return %c0_i32, %c0_i32_0 : i32, i32
  }
  func.func @transform_1(%arg0: i32) -> (i32, i32) {
    %c0_i32 = arith.constant 0 : i32
    %c0_i32_0 = arith.constant 0 : i32
    %c0_i32_1 = arith.constant 0 : i32
    return %c0_i32, %c0_i32_0 : i32, i32
  }
  func.func @transform_2(%arg0: i32) -> (i32, i32) {
    %c0_i32 = arith.constant 0 : i32
    %c0_i32_0 = arith.constant 0 : i32
    %c0_i32_1 = arith.constant 0 : i32
    return %c0_i32, %c0_i32_0 : i32, i32
  }
  func.func @transform_3(%arg0: i32) -> (i32, i32) {
    %c0_i32 = arith.constant 0 : i32
    %c0_i32_0 = arith.constant 0 : i32
    %c0_i32_1 = arith.constant 0 : i32
    return %c0_i32, %c0_i32_0 : i32, i32
  }
  func.func @transform_4(%arg0: i32) -> (i32, i32) {
    %c0_i32 = arith.constant 0 : i32
    %c0_i32_0 = arith.constant 0 : i32
    %c0_i32_1 = arith.constant 0 : i32
    return %c0_i32, %c0_i32_0 : i32, i32
  }
  func.func @transform_5(%arg0: i32) -> (i32, i32) {
    %c0_i32 = arith.constant 0 : i32
    %c0_i32_0 = arith.constant 0 : i32
    %c0_i32_1 = arith.constant 0 : i32
    return %c0_i32, %c0_i32_0 : i32, i32
  }
  func.func @transform_6(%arg0: i32) -> (i32, i32) {
    %c0_i32 = arith.constant 0 : i32
    %c0_i32_0 = arith.constant 0 : i32
    %c0_i32_1 = arith.constant 0 : i32
    return %c0_i32, %c0_i32_0 : i32, i32
  }
  func.func @transform_7(%arg0: i32) -> (i32, i32) {
    %c0_i32 = arith.constant 0 : i32
    %c0_i32_0 = arith.constant 0 : i32
    %c0_i32_1 = arith.constant 0 : i32
    return %c0_i32, %c0_i32_0 : i32, i32
  }
  func.func @transform_8(%arg0: i32) -> (i32, i32) {
    %c0_i32 = arith.constant 0 : i32
    %c0_i32_0 = arith.constant 0 : i32
    %c0_i32_1 = arith.constant 0 : i32
    return %c0_i32, %c0_i32_0 : i32, i32
  }
  func.func @transform_9(%arg0: i32) -> (i32, i32) {
    %c0_i32 = arith.constant 0 : i32
    %c0_i32_0 = arith.constant 0 : i32
    %c0_i32_1 = arith.constant 0 : i32
    return %c0_i32, %c0_i32_0 : i32, i32
  }
  func.func @transform_10(%arg0: i32) -> (i32, i32) {
    %c0_i32 = arith.constant 0 : i32
    %c0_i32_0 = arith.constant 0 : i32
    return %arg0, %c0_i32 : i32, i32
  }
  func.func @transform_11(%arg0: i32) -> (i32, i32) {
    %c0_i32 = arith.constant 0 : i32
    %c0_i32_0 = arith.constant 0 : i32
    return %arg0, %c0_i32 : i32, i32
  }
}

</mosaic_0001>

<sc_bundles>
// kernel: kernel.5.cloned.1.call-start
scs
__scs_entry_jumppad:
0x0: {  	(pc) =	sbr.rel $0x88, $3  }
0x1: {  	(tag) =	ssettag $0x0;
	lr =	simm.s32 $0x1  }
0x2: {  	[smem:$0x3F97] =	sst lr;
	_ =	strace $0xD0000000  }
0x3: {  	_ = 	snop  }
0x4: {  	_ = 	snop  }
0x5: {  	_ = 	snop  }
0x6: {  	_ = 	snop  }
0x7: {  	_ = 	snop  }
__scs_overlays_trampoline_lowered:
0x8: {  	[smem:$0x3FA6] =	sst s0  }
0x9: {  	[smem:$0x3FA7] =	sst s1  }
0xa: {  	[smem:$0x3FA8] =	sst s2  }
0xb: {  	[smem:$0x3FA9] =	sst s3  }
0xc: {  	[smem:$0x3FAA] =	sst s4  }
0xd: {  	[smem:$0x3FAB] =	sst s5  }
0xe: {  	[smem:$0x3FAC] =	sst s6  }
0xf: {  	[smem:$0x3FAD] =	sst s7  }
0x10: {  	[smem:$0x3FAE] =	sst s8  }
0x11: {  	[smem:$0x3FAF] =	sst s9;
	s0 =	simm.s32 @!p0 $0x0  }
0x12: {  	s1 =	sld [smem:$0x3F95];
	s0 =	simm.s32 @p0 $0x1  }
0x13: {  	[smem:$0x3FB0] =	sst s0;
	s0 =	simm.s32 @!p1 $0x0  }
0x14: {  	s2 =	sld [smem:$0x3F94];
	s0 =	simm.s32 @p1 $0x1  }
0x15: {  	[smem:$0x3FB1] =	sst s0;
	s0 =	simm.s32 @!p2 $0x0  }
0x16: {  	s3 =	sld [smem:$0x3FDB];
	s0 =	simm.s32 @p2 $0x1  }
0x17: {  	s4 =	simm.s32 $0x1BF5;
	[smem:$0x3FB3] =	sst s0  }
0x18: {  	s0 =	sld [smem:$0x3F96];
	_ =	swait.ge [sflag:s4], $0x0  }
0x19: {  	s7 =	sld [smem:$0x3F97]  }
0x1a: {  	s8 =	sadd.s32 $0xFFFFE003, lr  }
0x1b: {  	s9 =	sadd.s32 $0xFFFFFEF7, lr;
	s5 =	simm.s32 $0xFFFFFFFF;
	p2 =	slt.u32 s8, $0xFFFFF086  }
0x1c: {  	p1 =	slt.u32 s9, $0xF7A;
	s5 =	simm.s32 @!p2 $0x0  }
0x1d: {  	s5 =	simm.s32 @p1 $0x1;
	p0 =	seq.s32 s7, s2  }
0x1e: {  	s7 =	smul.u32 @!p0 $0xF7A, s2;
	p2 =	seq.s32 @!p0 s5, $0x0  }
0x1f: {  	s9 =	smul.u32 $0xF7A, s1;
	s8 =	simm.s32 @!p0 $0x1BF5;
	p2 =	por !p2, p0  }
0x20: {  	[sflag:s8] =	ssyncset.s32 @!p0 $0xFFFFF086;
	s6 =	sadd.s32 @!p0 s3, s7;
	s7 =	simm.s32 @!p0 $0x108  }
0x21: {  	s3 =	sadd.s32 s3, s9;
	s6 =	sadd.s32 @!p0 $0x88, s6;
	s7 =	simm.s32 @p2 $0x1082  }
0x22: {  	[simem:s7], [sflag:s8] =	dma.local @!p0 [hbm:s6], $0xF7A  }
0x23: {  	s9 =	sor.u32 $0xD0000000, s2;
	s6 =	simm.s32 $0x108;
	_ =	swait.ge @!p0 [sflag:s8], $0x0  }
0x24: {  	s3 =	sadd.s32 $0x88, s3;
	s6 =	simm.s32 @!p1 $0x1082;
	[sflag:s4] =	ssyncset.s32 $0xFFFFF086  }
0x25: {  	[simem:s6], [sflag:s4] =	dma.local [hbm:s3], $0xF7A  }
0x26: {  	[smem:$0x3F97] =	sst s1;
	(tag) =	ssettag s2;
	_ =	strace s9  }
0x27: {  	s1 =	sld [smem:$0x3FA7]  }
0x28: {  	s2 =	sld [smem:$0x3FA8]  }
0x29: {  	s4 =	sld [smem:$0x3FAA]  }
0x2a: {  	p0 =	seq.s32 s5, $0x0;
	s5 =	sld [smem:$0x3FAB]  }
0x2b: {  	s6 =	sld [smem:$0x3FAC]  }
0x2c: {  	s7 =	sld [smem:$0x3FAD]  }
0x2d: {  	s3 =	simm.s32 $0x108;
	s8 =	sld [smem:$0x3FAE]  }
0x2e: {  	s3 =	simm.s32 @!p0 $0x1082;
	s9 =	sld [smem:$0x3FAF]  }
0x2f: {  	lr =	sadd.s32 s0, s3;
	s0 =	sld [smem:$0x3FA6]  }
0x30: {  	s3 =	sld [smem:$0x3FA9]  }
0x31: {  	[smem:$0x3FB2] =	sst s10  }
0x32: {  	s10 =	sld [smem:$0x3FB0];
	_ =	sdelay $0x3  }
0x33: {  	p0 =	seq.s32 s10, $0x1;
	s10 =	sld [smem:$0x3FB2];
	_ =	sdelay $0x3  }
0x34: {  	[smem:$0x3FB2] =	sst s10  }
0x35: {  	s10 =	sld [smem:$0x3FB1];
	_ =	sdelay $0x3  }
0x36: {  	p1 =	seq.s32 s10, $0x1;
	s10 =	sld [smem:$0x3FB2];
	_ =	sdelay $0x3  }
0x37: {  	[smem:$0x3FB2] =	sst s10  }
0x38: {  	s10 =	sld [smem:$0x3FB3]  }
0x39: {  	_ = 	snop;
	(pc) =	sbr.ind lr, $3  }
0x3a: {  	_ = 	snop  }
0x3b: {  	_ = 	snop  }
0x3c: {  	p2 =	seq.s32 s10, $0x1;
	s10 =	sld [smem:$0x3FB2]  }
0x3d: {  	_ =	shalt  }
0x3e: {  	_ =	shalt  }
0x3f: {  	_ =	shalt  }
0x40: {  	_ =	shalt  }
0x41: {  	_ =	shalt  }
0x42: {  	_ =	shalt  }
0x43: {  	_ =	shalt  }
0x44: {  	_ =	shalt  }
0x45: {  	_ =	shalt  }
0x46: {  	_ =	shalt  }
0x47: {  	_ =	shalt  }
0x48: {  	_ =	shalt  }
0x49: {  	_ =	shalt  }
0x4a: {  	_ =	shalt  }
0x4b: {  	_ =	shalt  }
0x4c: {  	_ =	shalt  }
0x4d: {  	_ =	shalt  }
0x4e: {  	_ =	shalt  }
0x4f: {  	_ =	shalt  }
0x50: {  	_ =	shalt  }
0x51: {  	_ =	shalt  }
0x52: {  	_ =	shalt  }
0x53: {  	_ =	shalt  }
0x54: {  	_ =	shalt  }
0x55: {  	_ =	shalt  }
0x56: {  	_ =	shalt  }
0x57: {  	_ =	shalt  }
0x58: {  	_ =	shalt  }
0x59: {  	_ =	shalt  }
0x5a: {  	_ =	shalt  }
0x5b: {  	_ =	shalt  }
0x5c: {  	_ =	shalt  }
0x5d: {  	_ =	shalt  }
0x5e: {  	_ =	shalt  }
0x5f: {  	_ =	shalt  }
0x60: {  	_ =	shalt  }
0x61: {  	_ =	shalt  }
0x62: {  	_ =	shalt  }
0x63: {  	_ =	shalt  }
0x64: {  	_ =	shalt  }
0x65: {  	_ =	shalt  }
0x66: {  	_ =	shalt  }
0x67: {  	_ =	shalt  }
0x68: {  	_ =	shalt  }
0x69: {  	_ =	shalt  }
0x6a: {  	_ =	shalt  }
0x6b: {  	_ =	shalt  }
0x6c: {  	_ =	shalt  }
0x6d: {  	_ =	shalt  }
0x6e: {  	_ =	shalt  }
0x6f: {  	_ =	shalt  }
0x70: {  	_ =	shalt  }
0x71: {  	_ =	shalt  }
0x72: {  	_ =	shalt  }
0x73: {  	_ =	shalt  }
0x74: {  	_ =	shalt  }
0x75: {  	_ =	shalt  }
0x76: {  	_ =	shalt  }
0x77: {  	_ =	shalt  }
0x78: {  	_ =	shalt  }
0x79: {  	_ =	shalt  }
0x7a: {  	_ =	shalt  }
0x7b: {  	_ =	shalt  }
0x7c: {  	_ =	shalt  }
0x7d: {  	_ =	shalt  }
0x7e: {  	_ =	shalt  }
0x7f: {  	_ =	shalt  }
0x80: {  	_ =	shalt  }
0x81: {  	_ =	shalt  }
0x82: {  	_ =	shalt  }
0x83: {  	_ =	shalt  }
0x84: {  	_ =	shalt  }
0x85: {  	_ =	shalt  }
0x86: {  	_ =	shalt  }
0x87: {  	_ =	shalt  }
.Lfunc_end0:
.L_simem_size_0:
called_computation_lowered:
.L_overlay_start_0:
0x88: {  	s2 =	sld [smem:$0x3FD9]  }
0x89: {  	s3 =	sld [smem:$0x3FFE];
	_ =	sdelay $0x1  }
0x8a: {  	s1 =	srdreg.scid  }
0x8b: {  	s0 =	sand.u32 $0x1, s1  }
0x8c: {  	s14 =	sshll.u32 s0, $0xA;
	s2 =	sadd.s32 s3, s2  }
0x8d: {  	s2 =	sadd.s32 s2, s14  }
0x8e: {  	[smem:$0x3FBE] =	sst s2  }
0x8f: {  	_ = 	snop  }
0x90: {  	s2 =	sld [smem:$0x3FD0]  }
0x91: {  	s15 =	sld [smem:$0x3FC9]  }
0x92: {  	s4 =	sld [smem:$0x3FC8]  }
0x93: {  	s6 =	simm.s32 $0xA;
	s7 =	simm.s32 $0x10;
	s5 =	sld [smem:$0x3FC7]  }
0x94: {  	[smem:s7], [sflag:s6] =	dma.local [hbm:s2], $0x1  }
0x95: {  	_ =	swait.eq [sflag:s6], $0x1  }
0x96: {  	[sflag:s6] =	ssyncset.done $0x0  }
0x97: {  	s16 =	sld [smem:$0x10];
	[sflag:s6] =	ssyncadd.s32 $0xFFFFFFFF  }
0x98: {  	s17 =	sld [smem:$0x11];
	(tm) =	ssettm $0x1  }
0x99: {  	s18 =	sld [smem:$0x3FFB];
	_ =	sdelay $0x3  }
0x9a: {  	_ =	strace s18  }
0x9b: {  	s7 =	sld [smem:$0x3FFC];
	_ =	sdelay $0x3  }
0x9c: {  	_ =	strace s7  }
0x9d: {  	s7 =	sld [smem:$0x3FFD];
	_ =	sdelay $0x3  }
0x9e: {  	_ =	strace s7  }
0x9f: {  	_ =	strace $0x8FFFFFFF  }
0xa0: {  	s19 =	sld [smem:$0x3FDB];
	_ =	sdelay $0x1  }
0xa1: {  	s8 =	simm.s32 $_scs_section_size  }
0xa2: {  	s9 =	simm.s32 $_size__tile_overlayer_lowered;
	s10 =	simm.s32 $_tile_overlayer_lowered  }
0xa3: {  	s22 =	simm.s32 $0x1BFF;
	s21 =	sshll.u32 s10, $0x1;
	s7 =	sadd.s32 s8, s19  }
0xa4: {  	s11 =	simm.s32 $0x0;
	s20 =	sshll.u32 s9, $0x1;
	s9 =	sadd.s32 s21, s7  }
0xa5: {  	[timem:s11], [sflag:s22] =	dma.local [hbm:s9], s20  }
0xa6: {  	_ =	swait.ge [sflag:s22], s20  }
0xa7: {  	s8 =	ssub.s32 $0x0, s20;
	[sflag:s22] =	ssyncset.done $0x0  }
0xa8: {  	[sflag:s22] =	ssyncadd.s32 s8;
	_ =	sdelay $0x1  }
0xa9: {  	s23 =	simm.s32 $0x1B8B  }
0xaa: {  	_ =	swait.ge [sflag:s23], $0x1  }
0xab: {  	[sflag:s23] =	ssyncset.done $0x0  }
0xac: {  	s25 =	simm.s32 $0x1B8E;
	s24 =	sld [smem:$0x3FFE];
	[sflag:s23] =	ssyncadd.s32 $0xFFFFFFFF  }
0xad: {  	s26 =	simm.s32 $execute0_lowered;
	[smem:$0x3FD2] =	sst s25  }
0xae: {  	s9 =	sshll.u32 s26, $0x1;
	_ =	strace $0x80000046;
	[dreg:$0x1] =	wrdreg $0xFFFFFFFF  }
0xaf: {  	s28 =	simm.s32 $_size_execute0_lowered;
	s7 =	sadd.s32 s7, s9;
	[dreg:$0x0] =	wrdreg $0x0  }
0xb0: {  	s9 =	sshll.u32 s28, $0x1;
	[dreg:$0x2] =	wrdreg s7  }
0xb1: {  	[dreg:$0x3] =	wrdreg s9  }
0xb2: {  	[dreg:$0x4] =	wrdreg $0xC0  }
0xb3: {  	_ =	task [dreg:s11], $0x5FFFF  }
0xb4: {  	[dreg:$0x1] =	wrdreg $0xFFFFFFFF  }
0xb5: {  	[dreg:$0x0] =	wrdreg $0x60  }
0xb6: {  	[dreg:$0x2] =	wrdreg s15  }
0xb7: {  	[dreg:$0x3] =	wrdreg s4  }
0xb8: {  	[dreg:$0x4] =	wrdreg s5  }
0xb9: {  	[dreg:$0x5] =	wrdreg s24  }
0xba: {  	[dreg:$0x6] =	wrdreg s17  }
0xbb: {  	[dreg:$0x7] =	wrdreg s16  }
0xbc: {  	[dreg:$0x8] =	wrdreg $0x9  }
0xbd: {  	_ =	task.clear_ibuf [dreg:s11], $0x9FFFF;
	_ =	strace $0x90000046  }
0xbe: {  	s29 =	simm.s32 $0x9;
	_ =	strace $0x80000048  }
0xbf: {  	_ =	swait.ge [sflag:s29], $0x1  }
0xc0: {  	[sflag:s29] =	ssyncadd.s32 $0xFFFFFFFF  }
0xc1: {  	_ =	strace $0x90000048  }
0xc2: {  	_ =	sfence  }
0xc3: {  	s30 =	sld [smem:$0x0];
	_ =	sdelay $0x2  }
0xc4: {  	s31 =	sshll.u32 s1, $0xD;
	s1 =	sshrl.u32 s1, $0x2  }
0xc5: {  	s3 =	sand.u32 $0x4000, s31;
	s1 =	sadd.s32 s1, s30  }
0xc6: {  	s0 =	sor.u32 s3, s0;
	s1 =	sshll.u32 s1, $0x11  }
0xc7: {  	s0 =	sor.u32 s1, s0  }
0xc8: {  	s0 =	sadd.s32 $0x8F2B, s0  }
0xc9: {  	[sflag:s0] =	ssyncadd.remote.s32 $0x1  }
0xca: {  	_ =	sfence.sel $0xFFFF  }
0xcb: {  	[dreg:$0x0] =	wrdreg $0xFFFFFFFF;
	(pc) =	sbr.abs _section_cstart, $3  }
0xcc: {  	[dreg:$0x1] =	wrdreg $0xFFFFFFFF  }
0xcd: {  	_ =	task.clear_ibuf [dreg:s11], $0x2FFFF;
	_ =	strace $0x9FFFFFFF  }
0xce: {  	(tm) =	ssettm $0x7FFFFFFF  }
0xcf: {  	_ =	shalt  }
tec
execute0_lowered:
.L_overlay_start_1:
0x0: {  	(tag) =	ssettag $0x1  }
0x1: {  	s4 =	rddreg [dreg:$0x0]  }
0x2: {  	s5 =	rddreg [dreg:$0x1]  }
0x3: {  	s8 =	rddreg [dreg:$0x2]  }
0x4: {  	s6 =	rddreg [dreg:$0x3]  }
0x5: {  	s2 =	rddreg [dreg:$0x4]  }
0x6: {  	s1 =	srdreg.scid;
	s9 =	rddreg [dreg:$0x5]  }
0x7: {  	s3 =	simm.s32 $0x0;
	s7 =	sand.u32 $0x1, s1;
	s1 =	rddreg [dreg:$0x6]  }
0x8: {  	s26 =	simm.s32 $0x80;
	[smem:$0x7FF] =	sst s3  }
0x9: {  	s28 =	simm.s32 $0x100;
	_ =	strace $0x80000047;
	[dreg:$0x10] =	wrdreg s26  }
0xa: {  	s29 =	simm.s32 $0x180;
	[dreg:$0x11] =	wrdreg s28  }
0xb: {  	s30 =	simm.s32 $0x200;
	[dreg:$0x12] =	wrdreg s29  }
0xc: {  	s31 =	simm.s32 $0x300;
	[dreg:$0x13] =	wrdreg s30  }
0xd: {  	s12 =	simm.s32 $0x2380;
	[dreg:$0x14] =	wrdreg s31  }
0xe: {  	s13 =	simm.s32 $0x3380;
	[dreg:$0x1a] =	wrdreg s12  }
0xf: {  	s14 =	simm.s32 $0x400;
	[dreg:$0x1b] =	wrdreg s13  }
0x10: {  	[dreg:$0x1c] =	wrdreg s14;
	s26 =	simm.s32 $0x580  }
0x11: {  	s28 =	simm.s32 $0x1580;
	[smem:$0x794] =	sst s26  }
0x12: {  	s29 =	simm.s32 $0x2580;
	[smem:$0x795] =	sst s28  }
0x13: {  	s30 =	simm.s32 $0x3580;
	[smem:$0x796] =	sst s29  }
0x14: {  	s31 =	simm.s32 $0x600;
	[smem:$0x797] =	sst s30  }
0x15: {  	s12 =	simm.s32 $0x2680;
	[smem:$0x798] =	sst s31  }
0x16: {  	s13 =	simm.s32 $0x3680;
	[smem:$0x79E] =	sst s12  }
0x17: {  	s14 =	simm.s32 $0x700;
	[smem:$0x79F] =	sst s13  }
0x18: {  	[smem:$0x7A0] =	sst s14;
	s26 =	simm.s32 $0x880  }
0x19: {  	s28 =	simm.s32 $0x1880;
	[smem:$0x7AC] =	sst s26  }
0x1a: {  	s29 =	simm.s32 $0x2880;
	[smem:$0x7AD] =	sst s28  }
0x1b: {  	s0 =	stileid.u32;
	s30 =	simm.s32 $0x3880;
	[smem:$0x7AE] =	sst s29  }
0x1c: {  	s10 =	sshll.u32 s0, $0x6;
	s31 =	simm.s32 $0x900;
	[smem:$0x7AF] =	sst s30  }
0x1d: {  	s11 =	sshll.u32 s7, $0x5;
	s12 =	simm.s32 $0x2980;
	[smem:$0x7B0] =	sst s31  }
0x1e: {  	s10 =	sor.u32 s11, s10;
	s13 =	simm.s32 $0x3980;
	[smem:$0x7B6] =	sst s12  }
0x1f: {  	s14 =	simm.s32 $0xA00;
	s11 =	sshrl.u32 s10, $0x3;
	[smem:$0x7B7] =	sst s13  }
0x20: {  	s16 =	sshll.u32 s10, $0x4;
	s10 =	simm.s32 $0x380;
	[smem:$0x7B8] =	sst s14  }
0x21: {  	s26 =	simm.s32 $0xB80;
	[dreg:$0x18] =	wrdreg s10  }
0x22: {  	s28 =	simm.s32 $0x1B80;
	[smem:$0x7C4] =	sst s26  }
0x23: {  	s29 =	simm.s32 $0x2B80;
	[smem:$0x7C5] =	sst s28  }
0x24: {  	s30 =	simm.s32 $0x3B80;
	[smem:$0x7C6] =	sst s29  }
0x25: {  	s31 =	simm.s32 $0xC00;
	[smem:$0x7C7] =	sst s30  }
0x26: {  	s12 =	simm.s32 $0x2C80;
	[smem:$0x7C8] =	sst s31  }
0x27: {  	s13 =	simm.s32 $0x3C80;
	[smem:$0x7CE] =	sst s12  }
0x28: {  	s14 =	simm.s32 $0xD00;
	[smem:$0x7CF] =	sst s13  }
0x29: {  	s4 =	sadd.s32 s4, s11;
	[smem:$0x7D0] =	sst s14  }
0x2a: {  	s15 =	sadd.s32 s5, s11;
	[dreg:$0x7] =	wrdreg s4  }
0x2b: {  	s17 =	sadd.s32 s8, s11;
	[dreg:$0x8] =	wrdreg s15  }
0x2c: {  	s19 =	sadd.s32 s9, s16;
	[dreg:$0x9] =	wrdreg s17  }
0x2d: {  	s5 =	simm.s32 $0x1300;
	[dreg:$0xa] =	wrdreg s19  }
0x2e: {  	s8 =	simm.s32 $0x2300;
	[dreg:$0x15] =	wrdreg s5  }
0x2f: {  	s9 =	simm.s32 $0x3300;
	[dreg:$0x16] =	wrdreg s8  }
0x30: {  	s22 =	sadd.s32 s11, s6;
	s11 =	simm.s32 $0x1380;
	[dreg:$0x17] =	wrdreg s9  }
0x31: {  	s18 =	sadd.s32 s16, s6;
	s16 =	simm.s32 $0x2400;
	[dreg:$0x19] =	wrdreg s11  }
0x32: {  	s10 =	simm.s32 $0x680;
	[dreg:$0x1e] =	wrdreg s16  }
0x33: {  	s26 =	simm.s32 $0xE80;
	[smem:$0x79C] =	sst s10  }
0x34: {  	s28 =	simm.s32 $0x1E80;
	[smem:$0x7DC] =	sst s26  }
0x35: {  	s29 =	simm.s32 $0x2E80;
	[smem:$0x7DD] =	sst s28  }
0x36: {  	s30 =	simm.s32 $0x3E80;
	[smem:$0x7DE] =	sst s29  }
0x37: {  	s31 =	simm.s32 $0xF00;
	[smem:$0x7DF] =	sst s30  }
0x38: {  	s12 =	simm.s32 $0x2F80;
	[smem:$0x7E0] =	sst s31  }
0x39: {  	s13 =	simm.s32 $0x3F80;
	[smem:$0x7E6] =	sst s12  }
0x3a: {  	s14 =	simm.s32 $0x1000;
	[smem:$0x7E7] =	sst s13  }
0x3b: {  	s20 =	sadd.s32 $0x2DC8800, s18;
	[smem:$0x7E8] =	sst s14  }
0x3c: {  	s21 =	sadd.s32 $0x2DCC800, s18;
	[dreg:$0xb] =	wrdreg s20  }
0x3d: {  	s23 =	sadd.s32 $0x2DD0800, s18;
	[dreg:$0xc] =	wrdreg s21  }
0x3e: {  	s24 =	sadd.s32 $0x2DD4800, s22;
	[dreg:$0xd] =	wrdreg s23  }
0x3f: {  	s25 =	sadd.s32 $0x2DD4A00, s22;
	[dreg:$0xe] =	wrdreg s24  }
0x40: {  	s15 =	simm.s32 $0x1400;
	[dreg:$0xf] =	wrdreg s25  }
0x41: {  	s17 =	simm.s32 $0x3400;
	[dreg:$0x1d] =	wrdreg s15  }
0x42: {  	s18 =	simm.s32 $0x480;
	[dreg:$0x1f] =	wrdreg s17  }
0x43: {  	s19 =	simm.s32 $0x1480;
	[smem:$0x78C] =	sst s18  }
0x44: {  	s22 =	simm.s32 $0x500;
	[smem:$0x78D] =	sst s19  }
0x45: {  	s5 =	simm.s32 $0x1600;
	[smem:$0x790] =	sst s22  }
0x46: {  	s8 =	simm.s32 $0x2600;
	[smem:$0x799] =	sst s5  }
0x47: {  	s9 =	simm.s32 $0x3600;
	[smem:$0x79A] =	sst s8  }
0x48: {  	s11 =	simm.s32 $0x1680;
	[smem:$0x79B] =	sst s9  }
0x49: {  	s16 =	simm.s32 $0x2700;
	[smem:$0x79D] =	sst s11  }
0x4a: {  	s10 =	simm.s32 $0x980;
	[smem:$0x7A2] =	sst s16  }
0x4b: {  	s26 =	simm.s32 $0x4100;
	[smem:$0x7B4] =	sst s10  }
0x4c: {  	s28 =	simm.s32 $0x1180;
	[smem:$0x7F3] =	sst s26  }
0x4d: {  	s29 =	simm.s32 $0x2180;
	[smem:$0x7F4] =	sst s28  }
0x4e: {  	s30 =	simm.s32 $0x3180;
	[smem:$0x7F5] =	sst s29  }
0x4f: {  	s31 =	simm.s32 $0x4180;
	[smem:$0x7F6] =	sst s30  }
0x50: {  	s12 =	simm.s32 $0x1200;
	[smem:$0x7F7] =	sst s31  }
0x51: {  	s13 =	simm.s32 $0x2200;
	[smem:$0x7F8] =	sst s12  }
0x52: {  	s14 =	simm.s32 $0x3200;
	[smem:$0x7F9] =	sst s13  }
0x53: {  	s20 =	simm.s32 $0x2480;
	[smem:$0x7FA] =	sst s14  }
0x54: {  	s21 =	simm.s32 $0x3480;
	[smem:$0x78E] =	sst s20  }
0x55: {  	s23 =	simm.s32 $0x1500;
	[smem:$0x78F] =	sst s21  }
0x56: {  	s24 =	simm.s32 $0x2500;
	[smem:$0x791] =	sst s23  }
0x57: {  	s25 =	simm.s32 $0x3500;
	[smem:$0x792] =	sst s24  }
0x58: {  	s15 =	simm.s32 $0x1700;
	[smem:$0x793] =	sst s25  }
0x59: {  	s17 =	simm.s32 $0x3700;
	[smem:$0x7A1] =	sst s15  }
0x5a: {  	s18 =	simm.s32 $0x780;
	[smem:$0x7A3] =	sst s17  }
0x5b: {  	s19 =	simm.s32 $0x1780;
	[smem:$0x7A4] =	sst s18  }
0x5c: {  	s22 =	simm.s32 $0x800;
	[smem:$0x7A5] =	sst s19  }
0x5d: {  	s5 =	simm.s32 $0x1900;
	[smem:$0x7A8] =	sst s22  }
0x5e: {  	s8 =	simm.s32 $0x2900;
	[smem:$0x7B1] =	sst s5  }
0x5f: {  	s9 =	simm.s32 $0x3900;
	[smem:$0x7B2] =	sst s8  }
0x60: {  	s11 =	simm.s32 $0x1980;
	[smem:$0x7B3] =	sst s9  }
0x61: {  	s16 =	simm.s32 $0x2A00;
	[smem:$0x7B5] =	sst s11  }
0x62: {  	s10 =	simm.s32 $0xC80;
	[smem:$0x7BA] =	sst s16  }
0x63: {  	s20 =	simm.s32 $0x2780;
	[smem:$0x7CC] =	sst s10  }
0x64: {  	s21 =	simm.s32 $0x3780;
	[smem:$0x7A6] =	sst s20  }
0x65: {  	s23 =	simm.s32 $0x1800;
	[smem:$0x7A7] =	sst s21  }
0x66: {  	s24 =	simm.s32 $0x2800;
	[smem:$0x7A9] =	sst s23  }
0x67: {  	s25 =	simm.s32 $0x3800;
	[smem:$0x7AA] =	sst s24  }
0x68: {  	s15 =	simm.s32 $0x1A00;
	[smem:$0x7AB] =	sst s25  }
0x69: {  	s17 =	simm.s32 $0x3A00;
	[smem:$0x7B9] =	sst s15  }
0x6a: {  	s18 =	simm.s32 $0xA80;
	[smem:$0x7BB] =	sst s17  }
0x6b: {  	s19 =	simm.s32 $0x1A80;
	[smem:$0x7BC] =	sst s18  }
0x6c: {  	s22 =	simm.s32 $0xB00;
	[smem:$0x7BD] =	sst s19  }
0x6d: {  	s5 =	simm.s32 $0x1C00;
	[smem:$0x7C0] =	sst s22  }
0x6e: {  	s8 =	simm.s32 $0x2C00;
	[smem:$0x7C9] =	sst s5  }
0x6f: {  	s9 =	simm.s32 $0x3C00;
	[smem:$0x7CA] =	sst s8  }
0x70: {  	s11 =	simm.s32 $0x1C80;
	[smem:$0x7CB] =	sst s9  }
0x71: {  	s16 =	simm.s32 $0x2D00;
	[smem:$0x7CD] =	sst s11  }
0x72: {  	s10 =	simm.s32 $0xF80;
	[smem:$0x7D2] =	sst s16  }
0x73: {  	s20 =	simm.s32 $0x2A80;
	[smem:$0x7E4] =	sst s10  }
0x74: {  	s21 =	simm.s32 $0x3A80;
	[smem:$0x7BE] =	sst s20  }
0x75: {  	s23 =	simm.s32 $0x1B00;
	[smem:$0x7BF] =	sst s21  }
0x76: {  	s24 =	simm.s32 $0x2B00;
	[smem:$0x7C1] =	sst s23  }
0x77: {  	s25 =	simm.s32 $0x3B00;
	[smem:$0x7C2] =	sst s24  }
0x78: {  	s15 =	simm.s32 $0x1D00;
	[smem:$0x7C3] =	sst s25  }
0x79: {  	s17 =	simm.s32 $0x3D00;
	[smem:$0x7D1] =	sst s15  }
0x7a: {  	s18 =	simm.s32 $0xD80;
	[smem:$0x7D3] =	sst s17  }
0x7b: {  	s19 =	simm.s32 $0x1D80;
	[smem:$0x7D4] =	sst s18  }
0x7c: {  	s22 =	simm.s32 $0xE00;
	[smem:$0x7D5] =	sst s19  }
0x7d: {  	s5 =	simm.s32 $0x1F00;
	[smem:$0x7D8] =	sst s22  }
0x7e: {  	s8 =	simm.s32 $0x2F00;
	[smem:$0x7E1] =	sst s5  }
0x7f: {  	s9 =	simm.s32 $0x3F00;
	[smem:$0x7E2] =	sst s8  }
0x80: {  	s11 =	simm.s32 $0x1F80;
	[smem:$0x7E3] =	sst s9  }
0x81: {  	s16 =	simm.s32 $0x3000;
	[smem:$0x7E5] =	sst s11  }
0x82: {  	s20 =	simm.s32 $0x2D80;
	[smem:$0x7EA] =	sst s16  }
0x83: {  	s21 =	simm.s32 $0x3D80;
	[smem:$0x7D6] =	sst s20  }
0x84: {  	s7 =	ssub.s32 $0x2, s7;
	s23 =	simm.s32 $0x1E00;
	[smem:$0x7D7] =	sst s21  }
0x85: {  	s4 =	sadd.s32 $0x1C00, s6;
	s24 =	simm.s32 $0x2E00;
	[smem:$0x7D9] =	sst s23  }
0x86: {  	s12 =	simm.s32 $0x280;
	s25 =	simm.s32 $0x3E00;
	[smem:$0x7DA] =	sst s24  }
0x87: {  	s13 =	simm.s32 $0x1280;
	s15 =	simm.s32 $0x2000;
	[smem:$0x7DB] =	sst s25  }
0x88: {  	s14 =	simm.s32 $0x2280;
	s17 =	simm.s32 $0x4000;
	[smem:$0x7E9] =	sst s15  }
0x89: {  	s10 =	simm.s32 $0x4280;
	s18 =	simm.s32 $0x1080;
	[smem:$0x7EB] =	sst s17  }
0x8a: {  	s19 =	simm.s32 $0x2080;
	s5 =	sadd.s32 $0xF44000, s6;
	[smem:$0x7EC] =	sst s18  }
0x8b: {  	s22 =	simm.s32 $0x1100;
	s6 =	sadd.s32 $0x1E86400, s6;
	[smem:$0x7ED] =	sst s19  }
0x8c: {  	s8 =	simm.s32 $0x3;
	s16 =	simm.s32 $0x6280;
	[smem:$0x7F0] =	sst s22  }
0x8d: {  	s9 =	simm.s32 $0x20;
	s20 =	simm.s32 $0x3080;
	[smem:$0x7FC] =	sst s16  }
0x8e: {  	s11 =	simm.s32 $0x5280;
	s21 =	simm.s32 $0x4080;
	[smem:$0x7EE] =	sst s20  }
0x8f: {  	s23 =	simm.s32 $0x2100;
	s24 =	simm.s32 $0x3100;
	[smem:$0x7EF] =	sst s21  }
0x90: {  	v0 =	vlaneseq.u32;
	s25 =	sshrl.u32 s7, $0x1;
	s15 =	simm.s32 $0x4200;
	[smem:$0x7F1] =	sst s23  }
0x91: {  	v0 =	vmul.u32 $0x80, v0;
	s17 =	simm.s32 $0x6300;
	s16 =	simm.s32 $0x1;
	[smem:$0x7F2] =	sst s24  }
0x92: {  	s7 =	ssub.s32 s7, s25;
	[smem:$0x7FB] =	sst s15;
	s15 =	simm.s32 $0x3280  }
0x93: {  	v1 =	vor.u32 $0x800, v0;
	[smem:$0x7FD] =	sst s17;
	s17 =	simm.s32 $0x2;
	s7 =	smax.u32 s7, $0x1  }
.LBB2_1:
0x94: {  	s18 =	rddreg [dreg:$0x7]  }
0x95: {  	[tilespmem:s3], [sflag:$0x3] =	stream.linear.gather [hbm4b:s18+s3], $0x20, $0x38;
	[tilespmem:$0x6380] =	vst v63  }
0x96: {  	_ =	swait.ge [sflag:s8], $0x20  }
0x97: {  	s24 =	rddreg [dreg:$0x8];
	[sflag:s8] =	ssyncset.done $0x0  }
0x98: {  	s19 =	rddreg [dreg:$0x10];
	[sflag:s8] =	ssyncadd.s32 $0xFFFFFFE0  }
0x99: {  	[tilespmem:s19], [sflag:$0x3] =	stream.linear.gather [hbm4b:s24+s3], $0x20, $0x38;
	[tilespmem:$0x6380] =	vst v63  }
0x9a: {  	_ =	swait.ge [sflag:s8], $0x20  }
0x9b: {  	s25 =	rddreg [dreg:$0x9];
	[sflag:s8] =	ssyncset.done $0x0  }
0x9c: {  	s26 =	rddreg [dreg:$0x11];
	[sflag:s8] =	ssyncadd.s32 $0xFFFFFFE0  }
0x9d: {  	[tilespmem:s26], [sflag:$0x3] =	stream.linear.gather [hbm4b:s25+s3], $0x20, $0x38;
	[tilespmem:$0x6380] =	vst v63  }
0x9e: {  	_ =	swait.ge [sflag:s8], $0x20  }
0x9f: {  	[sflag:s8] =	ssyncset.done $0x0  }
0xa0: {  	[sflag:s8] =	ssyncadd.s32 $0xFFFFFFE0  }
0xa1: {  	v2 =	vld [tilespmem:$0x80]  }
0xa2: {  	v3 =	vld [tilespmem:$0x100]  }
0xa3: {  	v4 =	vld [tilespmem:$0x90]  }
0xa4: {  	v5 =	vld [tilespmem:$0x110];
	_ =	sdelay $0x1  }
0xa5: {  	v2 =	vshrl.u32 v2, $0x7  }
0xa6: {  	[tilespmem:$0x180] =	vst v2;
	v2 =	vshrl.u32 v3, $0x7  }
0xa7: {  	[tilespmem:$0x200] =	vst v2;
	v2 =	vshrl.u32 v4, $0x7  }
0xa8: {  	[tilespmem:$0x190] =	vst v2;
	v2 =	vshrl.u32 v5, $0x7  }
0xa9: {  	s28 =	rddreg [dreg:$0x12];
	[tilespmem:$0x210] =	vst v2  }
0xaa: {  	[tilespmem:s10], [sflag:$0x1] =	stream.indirect.gather [hbm4b:s2+s9], $0x80, s28, s9, $0xb8;
	[tilespmem:$0x6380] =	vst v63  }
0xab: {  	s29 =	rddreg [dreg:$0x13]  }
0xac: {  	[tilespmem:s11], [sflag:$0x1] =	stream.indirect.gather [hbm4b:s2+s9], $0x80, s29, s9, $0xb8;
	[tilespmem:$0x6380] =	vst v63  }
0xad: {  	v2 =	vld [tilespmem:$0x0]  }
0xae: {  	v3 =	vld [tilespmem:$0x80];
	_ =	sdelay $0x3  }
0xaf: {  	v60 =	vshll.u32 v2, $0x4  }
0xb0: {  	v2 =	vld [tilespmem:$0x100];
	v3 =	vshll.u32 v3, $0x4;
	(v2sf) =	vpush v60, $0x0  }
0xb1: {  	(v2sf) =	vpush v3, $0x0;
	_ =	sdelay $0x3  }
0xb2: {  	v2 =	vshll.u32 v2, $0x4  }
0xb3: {  	(v2sf) =	vpush v2, $0x0;
	_ =	sdelay $0x3  }
0xb4: {  	(v2sf) =	vpush v60, $0x1;
	_ =	sdelay $0x4  }
0xb5: {  	s30 =	spop (v2sf);
	(v2sf) =	vpush v3, $0x1  }
0xb6: {  	s18 =	sand.u32 $0x1FFFFFF0, s30;
	s20 =	spop (v2sf)  }
0xb7: {  	(v2sf) =	vpush v2, $0x1;
	s31 =	sadd.s32 s4, s18;
	s19 =	sand.u32 $0x1FFFFFF0, s20  }
0xb8: {  	[tilespmem:s12], [sflag:$0x1] =	stream.linear.gather [hbm4b:s31+s3], $0x80, $0x38;
	[tilespmem:$0x6380] =	vst v63  }
0xb9: {  	s19 =	sadd.s32 s5, s19  }
0xba: {  	[tilespmem:s13], [sflag:$0x1] =	stream.linear.gather [hbm4b:s19+s3], $0x80, $0x38;
	[tilespmem:$0x6380] =	vst v63  }
0xbb: {  	s21 =	spop (v2sf)  }
0xbc: {  	(v2sf) =	vpush v60, $0x2;
	s19 =	sand.u32 $0x1FFFFFF0, s21  }
0xbd: {  	s19 =	sadd.s32 s5, s19  }
0xbe: {  	[tilespmem:s14], [sflag:$0x1] =	stream.linear.gather [hbm4b:s19+s3], $0x80, $0x38;
	[tilespmem:$0x6380] =	vst v63  }
0xbf: {  	s18 =	sadd.s32 s6, s18;
	s22 =	spop (v2sf);
	(v2sf) =	vpush v3, $0x2  }
0xc0: {  	[tilespmem:s15], [sflag:$0x1] =	stream.linear.gather [hbm4b:s18+s3], $0x80, $0x38;
	[tilespmem:$0x6380] =	vst v63  }
0xc1: {  	s18 =	sand.u32 $0x1FFFFFF0, s22  }
0xc2: {  	s23 =	rddreg [dreg:$0x14];
	s20 =	sadd.s32 s4, s18  }
0xc3: {  	[tilespmem:s23], [sflag:$0x1] =	stream.linear.gather [hbm4b:s20+s3], $0x80, $0x38;
	[tilespmem:$0x6380] =	vst v63  }
0xc4: {  	s24 =	spop (v2sf)  }
0xc5: {  	(v2sf) =	vpush v2, $0x2;
	s19 =	sand.u32 $0x1FFFFFF0, s24  }
0xc6: {  	s25 =	rddreg [dreg:$0x15];
	s26 =	spop (v2sf);
	s19 =	sadd.s32 s5, s19  }
0xc7: {  	(v2sf) =	vpush v60, $0x3;
	[tilespmem:s25], [sflag:$0x1] =	stream.linear.gather [hbm4b:s19+s3], $0x80, $0x38;
	[tilespmem:$0x6380] =	vst v63  }
0xc8: {  	s19 =	sand.u32 $0x1FFFFFF0, s26  }
0xc9: {  	s28 =	rddreg [dreg:$0x16];
	s19 =	sadd.s32 s5, s19  }
0xca: {  	[tilespmem:s28], [sflag:$0x1] =	stream.linear.gather [hbm4b:s19+s3], $0x80, $0x38;
	[tilespmem:$0x6380] =	vst v63  }
0xcb: {  	s29 =	spop (v2sf);
	(v2sf) =	vpush v3, $0x3  }
0xcc: {  	s21 =	rddreg [dreg:$0x17];
	s18 =	sadd.s32 s6, s18  }
0xcd: {  	[tilespmem:s21], [sflag:$0x1] =	stream.linear.gather [hbm4b:s18+s3], $0x80, $0x38;
	[tilespmem:$0x6380] =	vst v63  }
0xce: {  	s21 =	spop (v2sf);
	(v2sf) =	vpush v2, $0x3  }
0xcf: {  	s18 =	sand.u32 $0x1FFFFFF0, s29  }
0xd0: {  	s30 =	rddreg [dreg:$0x18];
	s31 =	sadd.s32 s4, s18;
	s19 =	sand.u32 $0x1FFFFFF0, s21  }
0xd1: {  	[tilespmem:s30], [sflag:$0x1] =	stream.linear.gather [hbm4b:s31+s3], $0x80, $0x38;
	[tilespmem:$0x6380] =	vst v63  }
0xd2: {  	s22 =	rddreg [dreg:$0x19];
	s19 =	sadd.s32 s5, s19  }
0xd3: {  	[tilespmem:s22], [sflag:$0x1] =	stream.linear.gather [hbm4b:s19+s3], $0x80, $0x38;
	[tilespmem:$0x6380] =	vst v63  }
0xd4: {  	s23 =	spop (v2sf)  }
0xd5: {  	(v2sf) =	vpush v60, $0x4;
	s19 =	sand.u32 $0x1FFFFFF0, s23  }
0xd6: {  	s24 =	rddreg [dreg:$0x1a];
	s26 =	spop (v2sf);
	(v2sf) =	vpush v3, $0x4;
	s19 =	sadd.s32 s5, s19  }
0xd7: {  	[tilespmem:s24], [sflag:$0x1] =	stream.linear.gather [hbm4b:s19+s3], $0x80, $0x38;
	[tilespmem:$0x6380] =	vst v63  }
0xd8: {  	s25 =	rddreg [dreg:$0x1b];
	s18 =	sadd.s32 s6, s18  }
0xd9: {  	[tilespmem:s25], [sflag:$0x1] =	stream.linear.gather [hbm4b:s18+s3], $0x80, $0x38;
	[tilespmem:$0x6380] =	vst v63  }
0xda: {  	s18 =	sand.u32 $0x1FFFFFF0, s26;
	s30 =	spop (v2sf)  }
0xdb: {  	s28 =	rddreg [dreg:$0x1c];
	(v2sf) =	vpush v2, $0x4;
	s29 =	sadd.s32 s4, s18;
	s19 =	sand.u32 $0x1FFFFFF0, s30  }
0xdc: {  	[tilespmem:s28], [sflag:$0x1] =	stream.linear.gather [hbm4b:s29+s3], $0x80, $0x38;
	[tilespmem:$0x6380] =	vst v63  }
0xdd: {  	s31 =	rddreg [dreg:$0x1d];
	s19 =	sadd.s32 s5, s19;
	s20 =	spop (v2sf)  }
0xde: {  	[tilespmem:s31], [sflag:$0x1] =	stream.linear.gather [hbm4b:s19+s3], $0x80, $0x38;
	[tilespmem:$0x6380] =	vst v63  }
0xdf: {  	(v2sf) =	vpush v60, $0x5;
	s19 =	sand.u32 $0x1FFFFFF0, s20  }
0xe0: {  	s21 =	rddreg [dreg:$0x1e];
	s19 =	sadd.s32 s5, s19  }
0xe1: {  	[tilespmem:s21], [sflag:$0x1] =	stream.linear.gather [hbm4b:s19+s3], $0x80, $0x38;
	[tilespmem:$0x6380] =	vst v63  }
0xe2: {  	s22 =	rddreg [dreg:$0x1f];
	s18 =	sadd.s32 s6, s18  }
0xe3: {  	[tilespmem:s22], [sflag:$0x1] =	stream.linear.gather [hbm4b:s18+s3], $0x80, $0x38;
	[tilespmem:$0x6380] =	vst v63  }
0xe4: {  	s24 =	sld [smem:$0x78C];
	s23 =	spop (v2sf);
	(v2sf) =	vpush v3, $0x5  }
0xe5: {  	s18 =	sand.u32 $0x1FFFFFF0, s23;
	s26 =	spop (v2sf)  }
0xe6: {  	s28 =	sld [smem:$0x78D];
	(v2sf) =	vpush v2, $0x5;
	s25 =	sadd.s32 s4, s18;
	s19 =	sand.u32 $0x1FFFFFF0, s26  }
0xe7: {  	[tilespmem:s24], [sflag:$0x1] =	stream.linear.gather [hbm4b:s25+s3], $0x80, $0x38;
	[tilespmem:$0x6380] =	vst v63  }
0xe8: {  	s19 =	sadd.s32 s5, s19  }
0xe9: {  	[tilespmem:s28], [sflag:$0x1] =	stream.linear.gather [hbm4b:s19+s3], $0x80, $0x38;
	[tilespmem:$0x6380] =	vst v63  }
0xea: {  	s30 =	sld [smem:$0x78E];
	s29 =	spop (v2sf)  }
0xeb: {  	(v2sf) =	vpush v60, $0x6;
	s19 =	sand.u32 $0x1FFFFFF0, s29  }
0xec: {  	s31 =	sld [smem:$0x78F];
	s19 =	sadd.s32 s5, s19  }
0xed: {  	[tilespmem:s30], [sflag:$0x1] =	stream.linear.gather [hbm4b:s19+s3], $0x80, $0x38;
	[tilespmem:$0x6380] =	vst v63  }
0xee: {  	s21 =	sld [smem:$0x790];
	s18 =	sadd.s32 s6, s18;
	s20 =	spop (v2sf);
	(v2sf) =	vpush v3, $0x6  }
0xef: {  	[tilespmem:s31], [sflag:$0x1] =	stream.linear.gather [hbm4b:s18+s3], $0x80, $0x38;
	[tilespmem:$0x6380] =	vst v63  }
0xf0: {  	s18 =	sand.u32 $0x1FFFFFF0, s20  }
0xf1: {  	s22 =	sadd.s32 s4, s18  }
0xf2: {  	[tilespmem:s21], [sflag:$0x1] =	stream.linear.gather [hbm4b:s22+s3], $0x80, $0x38;
	[tilespmem:$0x6380] =	vst v63  }
0xf3: {  	s24 =	sld [smem:$0x791];
	s23 =	spop (v2sf)  }
0xf4: {  	(v2sf) =	vpush v2, $0x6;
	s19 =	sand.u32 $0x1FFFFFF0, s23  }
0xf5: {  	s26 =	sld [smem:$0x792];
	s25 =	spop (v2sf);
	s19 =	sadd.s32 s5, s19  }
0xf6: {  	(v2sf) =	vpush v60, $0x7;
	[tilespmem:s24], [sflag:$0x1] =	stream.linear.gather [hbm4b:s19+s3], $0x80, $0x38;
	[tilespmem:$0x6380] =	vst v63  }
0xf7: {  	s19 =	sand.u32 $0x1FFFFFF0, s25  }
0xf8: {  	s28 =	sld [smem:$0x793];
	s19 =	sadd.s32 s5, s19  }
0xf9: {  	[tilespmem:s26], [sflag:$0x1] =	stream.linear.gather [hbm4b:s19+s3], $0x80, $0x38;
	[tilespmem:$0x6380] =	vst v63  }
0xfa: {  	s29 =	spop (v2sf);
	(v2sf) =	vpush v3, $0x7  }
0xfb: {  	s18 =	sadd.s32 s6, s18  }
0xfc: {  	[tilespmem:s28], [sflag:$0x1] =	stream.linear.gather [hbm4b:s18+s3], $0x80, $0x38;
	[tilespmem:$0x6380] =	vst v63  }
0xfd: {  	s30 =	sld [smem:$0x794];
	s21 =	spop (v2sf);
	(v2sf) =	vpush v2, $0x7  }
0xfe: {  	s18 =	sand.u32 $0x1FFFFFF0, s29  }
0xff: {  	s22 =	sld [smem:$0x795];
	s31 =	sadd.s32 s4, s18;
	s19 =	sand.u32 $0x1FFFFFF0, s21  }
0x100: {  	[tilespmem:s30], [sflag:$0x1] =	stream.linear.gather [hbm4b:s31+s3], $0x80, $0x38;
	[tilespmem:$0x6380] =	vst v63  }
0x101: {  	s19 =	sadd.s32 s5, s19  }
0x102: {  	[tilespmem:s22], [sflag:$0x1] =	stream.linear.gather [hbm4b:s19+s3], $0x80, $0x38;
	[tilespmem:$0x6380] =	vst v63  }
0x103: {  	s24 =	sld [smem:$0x796];
	s23 =	spop (v2sf)  }
0x104: {  	(v2sf) =	vpush v60, $0x8;
	s19 =	sand.u32 $0x1FFFFFF0, s23  }
0x105: {  	s25 =	sld [smem:$0x797];
	s26 =	spop (v2sf);
	(v2sf) =	vpush v3, $0x8;
	s19 =	sadd.s32 s5, s19  }
0x106: {  	[tilespmem:s24], [sflag:$0x1] =	stream.linear.gather [hbm4b:s19+s3], $0x80, $0x38;
	[tilespmem:$0x6380] =	vst v63  }
0x107: {  	s28 =	sld [smem:$0x798];
	s18 =	sadd.s32 s6, s18  }
0x108: {  	[tilespmem:s25], [sflag:$0x1] =	stream.linear.gather [hbm4b:s18+s3], $0x80, $0x38;
	[tilespmem:$0x6380] =	vst v63  }
0x109: {  	s18 =	sand.u32 $0x1FFFFFF0, s26;
	s30 =	spop (v2sf)  }
0x10a: {  	s31 =	sld [smem:$0x799];
	(v2sf) =	vpush v2, $0x8;
	s29 =	sadd.s32 s4, s18;
	s19 =	sand.u32 $0x1FFFFFF0, s30  }
0x10b: {  	[tilespmem:s28], [sflag:$0x1] =	stream.linear.gather [hbm4b:s29+s3], $0x80, $0x38;
	[tilespmem:$0x6380] =	vst v63  }
0x10c: {  	s21 =	sld [smem:$0x79A];
	s19 =	sadd.s32 s5, s19;
	s20 =	spop (v2sf)  }
0x10d: {  	[tilespmem:s31], [sflag:$0x1] =	stream.linear.gather [hbm4b:s19+s3], $0x80, $0x38;
	[tilespmem:$0x6380] =	vst v63  }
0x10e: {  	(v2sf) =	vpush v60, $0x9;
	s19 =	sand.u32 $0x1FFFFFF0, s20  }
0x10f: {  	s22 =	sld [smem:$0x79B];
	s19 =	sadd.s32 s5, s19  }
0x110: {  	[tilespmem:s21], [sflag:$0x1] =	stream.linear.gather [hbm4b:s19+s3], $0x80, $0x38;
	[tilespmem:$0x6380] =	vst v63  }
0x111: {  	s18 =	sadd.s32 s6, s18  }
0x112: {  	[tilespmem:s22], [sflag:$0x1] =	stream.linear.gather [hbm4b:s18+s3], $0x80, $0x38;
	[tilespmem:$0x6380] =	vst v63  }
0x113: {  	s24 =	sld [smem:$0x79C];
	s23 =	spop (v2sf);
	(v2sf) =	vpush v3, $0x9  }
0x114: {  	s18 =	sand.u32 $0x1FFFFFF0, s23;
	s26 =	spop (v2sf)  }
0x115: {  	s28 =	sld [smem:$0x79D];
	(v2sf) =	vpush v2, $0x9;
	s25 =	sadd.s32 s4, s18;
	s19 =	sand.u32 $0x1FFFFFF0, s26  }
0x116: {  	[tilespmem:s24], [sflag:$0x1] =	stream.linear.gather [hbm4b:s25+s3], $0x80, $0x38;
	[tilespmem:$0x6380] =	vst v63  }
0x117: {  	s19 =	sadd.s32 s5, s19  }
0x118: {  	[tilespmem:s28], [sflag:$0x1] =	stream.linear.gather [hbm4b:s19+s3], $0x80, $0x38;
	[tilespmem:$0x6380] =	vst v63  }
0x119: {  	s30 =	sld [smem:$0x79E];
	s29 =	spop (v2sf)  }
0x11a: {  	(v2sf) =	vpush v60, $0xA;
	s19 =	sand.u32 $0x1FFFFFF0, s29  }
0x11b: {  	s31 =	sld [smem:$0x79F];
	s19 =	sadd.s32 s5, s19  }
0x11c: {  	[tilespmem:s30], [sflag:$0x1] =	stream.linear.gather [hbm4b:s19+s3], $0x80, $0x38;
	[tilespmem:$0x6380] =	vst v63  }
0x11d: {  	s21 =	sld [smem:$0x7A0];
	s18 =	sadd.s32 s6, s18;
	s20 =	spop (v2sf);
	(v2sf) =	vpush v3, $0xA  }
0x11e: {  	[tilespmem:s31], [sflag:$0x1] =	stream.linear.gather [hbm4b:s18+s3], $0x80, $0x38;
	[tilespmem:$0x6380] =	vst v63  }
0x11f: {  	s18 =	sand.u32 $0x1FFFFFF0, s20  }
0x120: {  	s22 =	sadd.s32 s4, s18  }
0x121: {  	[tilespmem:s21], [sflag:$0x1] =	stream.linear.gather [hbm4b:s22+s3], $0x80, $0x38;
	[tilespmem:$0x6380] =	vst v63  }
0x122: {  	s24 =	sld [smem:$0x7A1];
	s23 =	spop (v2sf)  }
0x123: {  	(v2sf) =	vpush v2, $0xA;
	s19 =	sand.u32 $0x1FFFFFF0, s23  }
0x124: {  	s26 =	sld [smem:$0x7A2];
	s25 =	spop (v2sf);
	s19 =	sadd.s32 s5, s19  }
0x125: {  	(v2sf) =	vpush v60, $0xB;
	[tilespmem:s24], [sflag:$0x1] =	stream.linear.gather [hbm4b:s19+s3], $0x80, $0x38;
	[tilespmem:$0x6380] =	vst v63  }
0x126: {  	s19 =	sand.u32 $0x1FFFFFF0, s25  }
0x127: {  	s28 =	sld [smem:$0x7A3];
	s19 =	sadd.s32 s5, s19  }
0x128: {  	[tilespmem:s26], [sflag:$0x1] =	stream.linear.gather [hbm4b:s19+s3], $0x80, $0x38;
	[tilespmem:$0x6380] =	vst v63  }
0x129: {  	s29 =	spop (v2sf);
	(v2sf) =	vpush v3, $0xB  }
0x12a: {  	s18 =	sadd.s32 s6, s18  }
0x12b: {  	[tilespmem:s28], [sflag:$0x1] =	stream.linear.gather [hbm4b:s18+s3], $0x80, $0x38;
	[tilespmem:$0x6380] =	vst v63  }
0x12c: {  	s30 =	sld [smem:$0x7A4];
	s21 =	spop (v2sf);
	(v2sf) =	vpush v2, $0xB  }
0x12d: {  	s18 =	sand.u32 $0x1FFFFFF0, s29  }
0x12e: {  	s22 =	sld [smem:$0x7A5];
	s31 =	sadd.s32 s4, s18;
	s19 =	sand.u32 $0x1FFFFFF0, s21  }
0x12f: {  	[tilespmem:s30], [sflag:$0x1] =	stream.linear.gather [hbm4b:s31+s3], $0x80, $0x38;
	[tilespmem:$0x6380] =	vst v63  }
0x130: {  	s19 =	sadd.s32 s5, s19  }
0x131: {  	[tilespmem:s22], [sflag:$0x1] =	stream.linear.gather [hbm4b:s19+s3], $0x80, $0x38;
	[tilespmem:$0x6380] =	vst v63  }
0x132: {  	s24 =	sld [smem:$0x7A6];
	s23 =	spop (v2sf)  }
0x133: {  	(v2sf) =	vpush v60, $0xC;
	s19 =	sand.u32 $0x1FFFFFF0, s23  }
0x134: {  	s25 =	sld [smem:$0x7A7];
	s26 =	spop (v2sf);
	(v2sf) =	vpush v3, $0xC;
	s19 =	sadd.s32 s5, s19  }
0x135: {  	[tilespmem:s24], [sflag:$0x1] =	stream.linear.gather [hbm4b:s19+s3], $0x80, $0x38;
	[tilespmem:$0x6380] =	vst v63  }
0x136: {  	s28 =	sld [smem:$0x7A8];
	s18 =	sadd.s32 s6, s18  }
0x137: {  	[tilespmem:s25], [sflag:$0x1] =	stream.linear.gather [hbm4b:s18+s3], $0x80, $0x38;
	[tilespmem:$0x6380] =	vst v63  }
0x138: {  	s18 =	sand.u32 $0x1FFFFFF0, s26;
	s30 =	spop (v2sf)  }
0x139: {  	s31 =	sld [smem:$0x7A9];
	(v2sf) =	vpush v2, $0xC;
	s29 =	sadd.s32 s4, s18;
	s19 =	sand.u32 $0x1FFFFFF0, s30  }
0x13a: {  	[tilespmem:s28], [sflag:$0x1] =	stream.linear.gather [hbm4b:s29+s3], $0x80, $0x38;
	[tilespmem:$0x6380] =	vst v63  }
0x13b: {  	s21 =	sld [smem:$0x7AA];
	s19 =	sadd.s32 s5, s19;
	s20 =	spop (v2sf)  }
0x13c: {  	[tilespmem:s31], [sflag:$0x1] =	stream.linear.gather [hbm4b:s19+s3], $0x80, $0x38;
	[tilespmem:$0x6380] =	vst v63  }
0x13d: {  	(v2sf) =	vpush v60, $0xD;
	s19 =	sand.u32 $0x1FFFFFF0, s20  }
0x13e: {  	s22 =	sld [smem:$0x7AB];
	s19 =	sadd.s32 s5, s19  }
0x13f: {  	[tilespmem:s21], [sflag:$0x1] =	stream.linear.gather [hbm4b:s19+s3], $0x80, $0x38;
	[tilespmem:$0x6380] =	vst v63  }
0x140: {  	s18 =	sadd.s32 s6, s18  }
0x141: {  	[tilespmem:s22], [sflag:$0x1] =	stream.linear.gather [hbm4b:s18+s3], $0x80, $0x38;
	[tilespmem:$0x6380] =	vst v63  }
0x142: {  	s24 =	sld [smem:$0x7AC];
	s23 =	spop (v2sf);
	(v2sf) =	vpush v3, $0xD  }
0x143: {  	s18 =	sand.u32 $0x1FFFFFF0, s23;
	s26 =	spop (v2sf)  }
0x144: {  	s28 =	sld [smem:$0x7AD];
	(v2sf) =	vpush v2, $0xD;
	s25 =	sadd.s32 s4, s18;
	s19 =	sand.u32 $0x1FFFFFF0, s26  }
0x145: {  	[tilespmem:s24], [sflag:$0x1] =	stream.linear.gather [hbm4b:s25+s3], $0x80, $0x38;
	[tilespmem:$0x6380] =	vst v63  }
0x146: {  	s19 =	sadd.s32 s5, s19  }
0x147: {  	[tilespmem:s28], [sflag:$0x1] =	stream.linear.gather [hbm4b:s19+s3], $0x80, $0x38;
	[tilespmem:$0x6380] =	vst v63  }
0x148: {  	s30 =	sld [smem:$0x7AE];
	s29 =	spop (v2sf)  }
0x149: {  	(v2sf) =	vpush v60, $0xE;
	s19 =	sand.u32 $0x1FFFFFF0, s29  }
0x14a: {  	s31 =	sld [smem:$0x7AF];
	s19 =	sadd.s32 s5, s19  }
0x14b: {  	[tilespmem:s30], [sflag:$0x1] =	stream.linear.gather [hbm4b:s19+s3], $0x80, $0x38;
	[tilespmem:$0x6380] =	vst v63  }
0x14c: {  	s21 =	sld [smem:$0x7B0];
	s18 =	sadd.s32 s6, s18;
	s20 =	spop (v2sf);
	(v2sf) =	vpush v3, $0xE  }
0x14d: {  	[tilespmem:s31], [sflag:$0x1] =	stream.linear.gather [hbm4b:s18+s3], $0x80, $0x38;
	[tilespmem:$0x6380] =	vst v63  }
0x14e: {  	s18 =	sand.u32 $0x1FFFFFF0, s20  }
0x14f: {  	s22 =	sadd.s32 s4, s18  }
0x150: {  	[tilespmem:s21], [sflag:$0x1] =	stream.linear.gather [hbm4b:s22+s3], $0x80, $0x38;
	[tilespmem:$0x6380] =	vst v63  }
0x151: {  	s24 =	sld [smem:$0x7B1];
	s23 =	spop (v2sf)  }
0x152: {  	(v2sf) =	vpush v2, $0xE;
	s19 =	sand.u32 $0x1FFFFFF0, s23  }
0x153: {  	s26 =	sld [smem:$0x7B2];
	s25 =	spop (v2sf);
	s19 =	sadd.s32 s5, s19  }
0x154: {  	[tilespmem:s24], [sflag:$0x1] =	stream.linear.gather [hbm4b:s19+s3], $0x80, $0x38;
	[tilespmem:$0x6380] =	vst v63  }
0x155: {  	s19 =	sand.u32 $0x1FFFFFF0, s25  }
0x156: {  	s28 =	sld [smem:$0x7B3];
	(v2sf) =	vpush v60, $0xF;
	s19 =	sadd.s32 s5, s19  }
0x157: {  	[tilespmem:s26], [sflag:$0x1] =	stream.linear.gather [hbm4b:s19+s3], $0x80, $0x38;
	[tilespmem:$0x6380] =	vst v63  }
0x158: {  	s29 =	spop (v2sf);
	(v2sf) =	vpush v3, $0xF  }
0x159: {  	s18 =	sadd.s32 s6, s18  }
0x15a: {  	[tilespmem:s28], [sflag:$0x1] =	stream.linear.gather [hbm4b:s18+s3], $0x80, $0x38;
	[tilespmem:$0x6380] =	vst v63  }
0x15b: {  	s30 =	sld [smem:$0x7B4];
	s21 =	spop (v2sf);
	(v2sf) =	vpush v2, $0xF  }
0x15c: {  	s18 =	sand.u32 $0x1FFFFFF0, s29  }
0x15d: {  	s22 =	sld [smem:$0x7B5];
	s31 =	sadd.s32 s4, s18;
	s19 =	sand.u32 $0x1FFFFFF0, s21  }
0x15e: {  	[tilespmem:s30], [sflag:$0x1] =	stream.linear.gather [hbm4b:s31+s3], $0x80, $0x38;
	[tilespmem:$0x6380] =	vst v63  }
0x15f: {  	s19 =	sadd.s32 s5, s19  }
0x160: {  	[tilespmem:s22], [sflag:$0x1] =	stream.linear.gather [hbm4b:s19+s3], $0x80, $0x38;
	[tilespmem:$0x6380] =	vst v63  }
0x161: {  	s24 =	sld [smem:$0x7B6];
	s23 =	spop (v2sf)  }
0x162: {  	s19 =	sand.u32 $0x1FFFFFF0, s23  }
0x163: {  	s25 =	sld [smem:$0x7B7];
	s19 =	sadd.s32 s5, s19  }
0x164: {  	[tilespmem:s24], [sflag:$0x1] =	stream.linear.gather [hbm4b:s19+s3], $0x80, $0x38;
	[tilespmem:$0x6380] =	vst v63  }
0x165: {  	s28 =	sld [smem:$0x7B8];
	s18 =	sadd.s32 s6, s18;
	s26 =	spop (v2sf)  }
0x166: {  	[tilespmem:s25], [sflag:$0x1] =	stream.linear.gather [hbm4b:s18+s3], $0x80, $0x38;
	[tilespmem:$0x6380] =	vst v63  }
0x167: {  	s18 =	sand.u32 $0x1FFFFFF0, s26;
	s30 =	spop (v2sf)  }
0x168: {  	s31 =	sld [smem:$0x7B9];
	s29 =	sadd.s32 s4, s18;
	s19 =	sand.u32 $0x1FFFFFF0, s30  }
0x169: {  	[tilespmem:s28], [sflag:$0x1] =	stream.linear.gather [hbm4b:s29+s3], $0x80, $0x38;
	[tilespmem:$0x6380] =	vst v63  }
0x16a: {  	s21 =	sld [smem:$0x7BA];
	s19 =	sadd.s32 s5, s19;
	s20 =	spop (v2sf)  }
0x16b: {  	[tilespmem:s31], [sflag:$0x1] =	stream.linear.gather [hbm4b:s19+s3], $0x80, $0x38;
	[tilespmem:$0x6380] =	vst v63  }
0x16c: {  	s19 =	sand.u32 $0x1FFFFFF0, s20  }
0x16d: {  	s22 =	sld [smem:$0x7BB];
	s19 =	sadd.s32 s5, s19  }
0x16e: {  	[tilespmem:s21], [sflag:$0x1] =	stream.linear.gather [hbm4b:s19+s3], $0x80, $0x38;
	[tilespmem:$0x6380] =	vst v63  }
0x16f: {  	s18 =	sadd.s32 s6, s18  }
0x170: {  	[tilespmem:s22], [sflag:$0x1] =	stream.linear.gather [hbm4b:s18+s3], $0x80, $0x38;
	[tilespmem:$0x6380] =	vst v63  }
0x171: {  	v2 =	vld [tilespmem:$0x10];
	_ =	sdelay $0x1  }
0x172: {  	v3 =	vld [tilespmem:$0x90];
	_ =	sdelay $0x2  }
0x173: {  	v61 =	vshll.u32 v2, $0x4  }
0x174: {  	v2 =	vld [tilespmem:$0x110];
	(v2sf) =	vpush v61, $0x0  }
0x175: {  	v3 =	vshll.u32 v3, $0x4  }
0x176: {  	(v2sf) =	vpush v3, $0x0;
	_ =	sdelay $0x2  }
0x177: {  	v2 =	vshll.u32 v2, $0x4  }
0x178: {  	(v2sf) =	vpush v2, $0x0;
	_ =	sdelay $0x1  }
0x179: {  	(v2sf) =	vpush v61, $0x1;
	_ =	sdelay $0x6  }
0x17a: {  	s23 =	spop (v2sf);
	(v2sf) =	vpush v3, $0x1;
	_ =	sdelay $0x1  }
0x17b: {  	s24 =	sld [smem:$0x7BC];
	s26 =	spop (v2sf);
	(v2sf) =	vpush v2, $0x1  }
0x17c: {  	s18 =	sand.u32 $0x1FFFFFF0, s23  }
0x17d: {  	s28 =	sld [smem:$0x7BD];
	s25 =	sadd.s32 s4, s18;
	s19 =	sand.u32 $0x1FFFFFF0, s26  }
0x17e: {  	[tilespmem:s24], [sflag:$0x1] =	stream.linear.gather [hbm4b:s25+s3], $0x80, $0x38;
	[tilespmem:$0x6380] =	vst v63  }
0x17f: {  	s19 =	sadd.s32 s5, s19;
	s29 =	spop (v2sf);
	(v2sf) =	vpush v61, $0x2  }
0x180: {  	[tilespmem:s28], [sflag:$0x1] =	stream.linear.gather [hbm4b:s19+s3], $0x80, $0x38;
	[tilespmem:$0x6380] =	vst v63  }
0x181: {  	s30 =	sld [smem:$0x7BE];
	s20 =	spop (v2sf);
	(v2sf) =	vpush v3, $0x2  }
0x182: {  	s19 =	sand.u32 $0x1FFFFFF0, s29  }
0x183: {  	s31 =	sld [smem:$0x7BF];
	s19 =	sadd.s32 s5, s19  }
0x184: {  	[tilespmem:s30], [sflag:$0x1] =	stream.linear.gather [hbm4b:s19+s3], $0x80, $0x38;
	[tilespmem:$0x6380] =	vst v63  }
0x185: {  	s21 =	sld [smem:$0x7C0];
	s18 =	sadd.s32 s6, s18  }
0x186: {  	[tilespmem:s31], [sflag:$0x1] =	stream.linear.gather [hbm4b:s18+s3], $0x80, $0x38;
	[tilespmem:$0x6380] =	vst v63  }
0x187: {  	s18 =	sand.u32 $0x1FFFFFF0, s20  }
0x188: {  	s24 =	sld [smem:$0x7C1];
	s22 =	sadd.s32 s4, s18;
	s23 =	spop (v2sf);
	(v2sf) =	vpush v2, $0x2  }
0x189: {  	[tilespmem:s21], [sflag:$0x1] =	stream.linear.gather [hbm4b:s22+s3], $0x80, $0x38;
	[tilespmem:$0x6380] =	vst v63  }
0x18a: {  	s19 =	sand.u32 $0x1FFFFFF0, s23;
	s25 =	spop (v2sf);
	(v2sf) =	vpush v61, $0x3  }
0x18b: {  	s26 =	sld [smem:$0x7C2];
	s19 =	sadd.s32 s5, s19  }
0x18c: {  	[tilespmem:s24], [sflag:$0x1] =	stream.linear.gather [hbm4b:s19+s3], $0x80, $0x38;
	[tilespmem:$0x6380] =	vst v63  }
0x18d: {  	s19 =	sand.u32 $0x1FFFFFF0, s25  }
0x18e: {  	s28 =	sld [smem:$0x7C3];
	s19 =	sadd.s32 s5, s19;
	s29 =	spop (v2sf);
	(v2sf) =	vpush v3, $0x3  }
0x18f: {  	[tilespmem:s26], [sflag:$0x1] =	stream.linear.gather [hbm4b:s19+s3], $0x80, $0x38;
	[tilespmem:$0x6380] =	vst v63  }
0x190: {  	s30 =	sld [smem:$0x7C4];
	s18 =	sadd.s32 s6, s18;
	s21 =	spop (v2sf);
	(v2sf) =	vpush v2, $0x3  }
0x191: {  	[tilespmem:s28], [sflag:$0x1] =	stream.linear.gather [hbm4b:s18+s3], $0x80, $0x38;
	[tilespmem:$0x6380] =	vst v63  }
0x192: {  	s18 =	sand.u32 $0x1FFFFFF0, s29  }
0x193: {  	s22 =	sld [smem:$0x7C5];
	s19 =	sand.u32 $0x1FFFFFF0, s21;
	s31 =	sadd.s32 s4, s18  }
0x194: {  	[tilespmem:s30], [sflag:$0x1] =	stream.linear.gather [hbm4b:s31+s3], $0x80, $0x38;
	[tilespmem:$0x6380] =	vst v63  }
0x195: {  	s19 =	sadd.s32 s5, s19  }
0x196: {  	[tilespmem:s22], [sflag:$0x1] =	stream.linear.gather [hbm4b:s19+s3], $0x80, $0x38;
	[tilespmem:$0x6380] =	vst v63  }
0x197: {  	s24 =	sld [smem:$0x7C6];
	s23 =	spop (v2sf);
	(v2sf) =	vpush v61, $0x4  }
0x198: {  	s19 =	sand.u32 $0x1FFFFFF0, s23  }
0x199: {  	s25 =	sld [smem:$0x7C7];
	s26 =	spop (v2sf);
	(v2sf) =	vpush v3, $0x4;
	s19 =	sadd.s32 s5, s19  }
0x19a: {  	[tilespmem:s24], [sflag:$0x1] =	stream.linear.gather [hbm4b:s19+s3], $0x80, $0x38;
	[tilespmem:$0x6380] =	vst v63  }
0x19b: {  	s18 =	sadd.s32 s6, s18  }
0x19c: {  	[tilespmem:s25], [sflag:$0x1] =	stream.linear.gather [hbm4b:s18+s3], $0x80, $0x38;
	[tilespmem:$0x6380] =	vst v63  }
0x19d: {  	s28 =	sld [smem:$0x7C8];
	s30 =	spop (v2sf);
	(v2sf) =	vpush v2, $0x4  }
0x19e: {  	s31 =	sld [smem:$0x7C9];
	s18 =	sand.u32 $0x1FFFFFF0, s26  }
0x19f: {  	s29 =	sadd.s32 s4, s18;
	s19 =	sand.u32 $0x1FFFFFF0, s30;
	s20 =	spop (v2sf);
	(v2sf) =	vpush v61, $0x5  }
0x1a0: {  	[tilespmem:s28], [sflag:$0x1] =	stream.linear.gather [hbm4b:s29+s3], $0x80, $0x38;
	[tilespmem:$0x6380] =	vst v63  }
0x1a1: {  	s21 =	sld [smem:$0x7CA];
	s19 =	sadd.s32 s5, s19  }
0x1a2: {  	[tilespmem:s31], [sflag:$0x1] =	stream.linear.gather [hbm4b:s19+s3], $0x80, $0x38;
	[tilespmem:$0x6380] =	vst v63  }
0x1a3: {  	s19 =	sand.u32 $0x1FFFFFF0, s20  }
0x1a4: {  	s22 =	sld [smem:$0x7CB];
	s19 =	sadd.s32 s5, s19  }
0x1a5: {  	[tilespmem:s21], [sflag:$0x1] =	stream.linear.gather [hbm4b:s19+s3], $0x80, $0x38;
	[tilespmem:$0x6380] =	vst v63  }
0x1a6: {  	s18 =	sadd.s32 s6, s18;
	s23 =	spop (v2sf);
	(v2sf) =	vpush v3, $0x5  }
0x1a7: {  	[tilespmem:s22], [sflag:$0x1] =	stream.linear.gather [hbm4b:s18+s3], $0x80, $0x38;
	[tilespmem:$0x6380] =	vst v63  }
0x1a8: {  	s24 =	sld [smem:$0x7CC];
	s26 =	spop (v2sf);
	(v2sf) =	vpush v2, $0x5  }
0x1a9: {  	s18 =	sand.u32 $0x1FFFFFF0, s23  }
0x1aa: {  	s28 =	sld [smem:$0x7CD];
	s25 =	sadd.s32 s4, s18;
	s19 =	sand.u32 $0x1FFFFFF0, s26  }
0x1ab: {  	[tilespmem:s24], [sflag:$0x1] =	stream.linear.gather [hbm4b:s25+s3], $0x80, $0x38;
	[tilespmem:$0x6380] =	vst v63  }
0x1ac: {  	s19 =	sadd.s32 s5, s19;
	s29 =	spop (v2sf);
	(v2sf) =	vpush v61, $0x6  }
0x1ad: {  	[tilespmem:s28], [sflag:$0x1] =	stream.linear.gather [hbm4b:s19+s3], $0x80, $0x38;
	[tilespmem:$0x6380] =	vst v63  }
0x1ae: {  	s30 =	sld [smem:$0x7CE];
	s20 =	spop (v2sf);
	(v2sf) =	vpush v3, $0x6  }
0x1af: {  	s19 =	sand.u32 $0x1FFFFFF0, s29  }
0x1b0: {  	s31 =	sld [smem:$0x7CF];
	s19 =	sadd.s32 s5, s19  }
0x1b1: {  	[tilespmem:s30], [sflag:$0x1] =	stream.linear.gather [hbm4b:s19+s3], $0x80, $0x38;
	[tilespmem:$0x6380] =	vst v63  }
0x1b2: {  	s21 =	sld [smem:$0x7D0];
	s18 =	sadd.s32 s6, s18  }
0x1b3: {  	[tilespmem:s31], [sflag:$0x1] =	stream.linear.gather [hbm4b:s18+s3], $0x80, $0x38;
	[tilespmem:$0x6380] =	vst v63  }
0x1b4: {  	s18 =	sand.u32 $0x1FFFFFF0, s20  }
0x1b5: {  	s24 =	sld [smem:$0x7D1];
	s22 =	sadd.s32 s4, s18;
	s23 =	spop (v2sf);
	(v2sf) =	vpush v2, $0x6  }
0x1b6: {  	[tilespmem:s21], [sflag:$0x1] =	stream.linear.gather [hbm4b:s22+s3], $0x80, $0x38;
	[tilespmem:$0x6380] =	vst v63  }
0x1b7: {  	s19 =	sand.u32 $0x1FFFFFF0, s23;
	s25 =	spop (v2sf);
	(v2sf) =	vpush v61, $0x7  }
0x1b8: {  	s26 =	sld [smem:$0x7D2];
	s19 =	sadd.s32 s5, s19  }
0x1b9: {  	[tilespmem:s24], [sflag:$0x1] =	stream.linear.gather [hbm4b:s19+s3], $0x80, $0x38;
	[tilespmem:$0x6380] =	vst v63  }
0x1ba: {  	s19 =	sand.u32 $0x1FFFFFF0, s25  }
0x1bb: {  	s28 =	sld [smem:$0x7D3];
	s19 =	sadd.s32 s5, s19;
	s29 =	spop (v2sf);
	(v2sf) =	vpush v3, $0x7  }
0x1bc: {  	[tilespmem:s26], [sflag:$0x1] =	stream.linear.gather [hbm4b:s19+s3], $0x80, $0x38;
	[tilespmem:$0x6380] =	vst v63  }
0x1bd: {  	s30 =	sld [smem:$0x7D4];
	s18 =	sadd.s32 s6, s18;
	s21 =	spop (v2sf);
	(v2sf) =	vpush v2, $0x7  }
0x1be: {  	[tilespmem:s28], [sflag:$0x1] =	stream.linear.gather [hbm4b:s18+s3], $0x80, $0x38;
	[tilespmem:$0x6380] =	vst v63  }
0x1bf: {  	s18 =	sand.u32 $0x1FFFFFF0, s29  }
0x1c0: {  	s22 =	sld [smem:$0x7D5];
	s19 =	sand.u32 $0x1FFFFFF0, s21;
	s31 =	sadd.s32 s4, s18  }
0x1c1: {  	[tilespmem:s30], [sflag:$0x1] =	stream.linear.gather [hbm4b:s31+s3], $0x80, $0x38;
	[tilespmem:$0x6380] =	vst v63  }
0x1c2: {  	s19 =	sadd.s32 s5, s19  }
0x1c3: {  	[tilespmem:s22], [sflag:$0x1] =	stream.linear.gather [hbm4b:s19+s3], $0x80, $0x38;
	[tilespmem:$0x6380] =	vst v63  }
0x1c4: {  	s24 =	sld [smem:$0x7D6];
	s23 =	spop (v2sf);
	(v2sf) =	vpush v61, $0x8  }
0x1c5: {  	s19 =	sand.u32 $0x1FFFFFF0, s23  }
0x1c6: {  	s25 =	sld [smem:$0x7D7];
	s26 =	spop (v2sf);
	(v2sf) =	vpush v3, $0x8;
	s19 =	sadd.s32 s5, s19  }
0x1c7: {  	[tilespmem:s24], [sflag:$0x1] =	stream.linear.gather [hbm4b:s19+s3], $0x80, $0x38;
	[tilespmem:$0x6380] =	vst v63  }
0x1c8: {  	s18 =	sadd.s32 s6, s18  }
0x1c9: {  	[tilespmem:s25], [sflag:$0x1] =	stream.linear.gather [hbm4b:s18+s3], $0x80, $0x38;
	[tilespmem:$0x6380] =	vst v63  }
0x1ca: {  	s28 =	sld [smem:$0x7D8];
	s30 =	spop (v2sf);
	(v2sf) =	vpush v2, $0x8  }
0x1cb: {  	s31 =	sld [smem:$0x7D9];
	s18 =	sand.u32 $0x1FFFFFF0, s26  }
0x1cc: {  	s29 =	sadd.s32 s4, s18;
	s19 =	sand.u32 $0x1FFFFFF0, s30;
	s20 =	spop (v2sf);
	(v2sf) =	vpush v61, $0x9  }
0x1cd: {  	[tilespmem:s28], [sflag:$0x1] =	stream.linear.gather [hbm4b:s29+s3], $0x80, $0x38;
	[tilespmem:$0x6380] =	vst v63  }
0x1ce: {  	s21 =	sld [smem:$0x7DA];
	s19 =	sadd.s32 s5, s19  }
0x1cf: {  	[tilespmem:s31], [sflag:$0x1] =	stream.linear.gather [hbm4b:s19+s3], $0x80, $0x38;
	[tilespmem:$0x6380] =	vst v63  }
0x1d0: {  	s19 =	sand.u32 $0x1FFFFFF0, s20  }
0x1d1: {  	s22 =	sld [smem:$0x7DB];
	s19 =	sadd.s32 s5, s19  }
0x1d2: {  	[tilespmem:s21], [sflag:$0x1] =	stream.linear.gather [hbm4b:s19+s3], $0x80, $0x38;
	[tilespmem:$0x6380] =	vst v63  }
0x1d3: {  	s18 =	sadd.s32 s6, s18;
	s23 =	spop (v2sf);
	(v2sf) =	vpush v3, $0x9  }
0x1d4: {  	[tilespmem:s22], [sflag:$0x1] =	stream.linear.gather [hbm4b:s18+s3], $0x80, $0x38;
	[tilespmem:$0x6380] =	vst v63  }
0x1d5: {  	s24 =	sld [smem:$0x7DC];
	s26 =	spop (v2sf);
	(v2sf) =	vpush v2, $0x9  }
0x1d6: {  	s18 =	sand.u32 $0x1FFFFFF0, s23  }
0x1d7: {  	s28 =	sld [smem:$0x7DD];
	s25 =	sadd.s32 s4, s18;
	s19 =	sand.u32 $0x1FFFFFF0, s26  }
0x1d8: {  	[tilespmem:s24], [sflag:$0x1] =	stream.linear.gather [hbm4b:s25+s3], $0x80, $0x38;
	[tilespmem:$0x6380] =	vst v63  }
0x1d9: {  	s19 =	sadd.s32 s5, s19;
	s29 =	spop (v2sf);
	(v2sf) =	vpush v61, $0xA  }
0x1da: {  	[tilespmem:s28], [sflag:$0x1] =	stream.linear.gather [hbm4b:s19+s3], $0x80, $0x38;
	[tilespmem:$0x6380] =	vst v63  }
0x1db: {  	s30 =	sld [smem:$0x7DE];
	s20 =	spop (v2sf);
	(v2sf) =	vpush v3, $0xA  }
0x1dc: {  	s19 =	sand.u32 $0x1FFFFFF0, s29  }
0x1dd: {  	s31 =	sld [smem:$0x7DF];
	s19 =	sadd.s32 s5, s19  }
0x1de: {  	[tilespmem:s30], [sflag:$0x1] =	stream.linear.gather [hbm4b:s19+s3], $0x80, $0x38;
	[tilespmem:$0x6380] =	vst v63  }
0x1df: {  	s21 =	sld [smem:$0x7E0];
	s18 =	sadd.s32 s6, s18  }
0x1e0: {  	[tilespmem:s31], [sflag:$0x1] =	stream.linear.gather [hbm4b:s18+s3], $0x80, $0x38;
	[tilespmem:$0x6380] =	vst v63  }
0x1e1: {  	s18 =	sand.u32 $0x1FFFFFF0, s20  }
0x1e2: {  	s24 =	sld [smem:$0x7E1];
	s22 =	sadd.s32 s4, s18;
	s23 =	spop (v2sf);
	(v2sf) =	vpush v2, $0xA  }
0x1e3: {  	[tilespmem:s21], [sflag:$0x1] =	stream.linear.gather [hbm4b:s22+s3], $0x80, $0x38;
	[tilespmem:$0x6380] =	vst v63  }
0x1e4: {  	s19 =	sand.u32 $0x1FFFFFF0, s23;
	s25 =	spop (v2sf);
	(v2sf) =	vpush v61, $0xB  }
0x1e5: {  	s26 =	sld [smem:$0x7E2];
	s19 =	sadd.s32 s5, s19  }
0x1e6: {  	[tilespmem:s24], [sflag:$0x1] =	stream.linear.gather [hbm4b:s19+s3], $0x80, $0x38;
	[tilespmem:$0x6380] =	vst v63  }
0x1e7: {  	s19 =	sand.u32 $0x1FFFFFF0, s25  }
0x1e8: {  	s28 =	sld [smem:$0x7E3];
	s19 =	sadd.s32 s5, s19;
	s29 =	spop (v2sf);
	(v2sf) =	vpush v3, $0xB  }
0x1e9: {  	[tilespmem:s26], [sflag:$0x1] =	stream.linear.gather [hbm4b:s19+s3], $0x80, $0x38;
	[tilespmem:$0x6380] =	vst v63  }
0x1ea: {  	s30 =	sld [smem:$0x7E4];
	s18 =	sadd.s32 s6, s18;
	s21 =	spop (v2sf);
	(v2sf) =	vpush v2, $0xB  }
0x1eb: {  	[tilespmem:s28], [sflag:$0x1] =	stream.linear.gather [hbm4b:s18+s3], $0x80, $0x38;
	[tilespmem:$0x6380] =	vst v63  }
0x1ec: {  	s18 =	sand.u32 $0x1FFFFFF0, s29  }
0x1ed: {  	s22 =	sld [smem:$0x7E5];
	s19 =	sand.u32 $0x1FFFFFF0, s21;
	s31 =	sadd.s32 s4, s18  }
0x1ee: {  	[tilespmem:s30], [sflag:$0x1] =	stream.linear.gather [hbm4b:s31+s3], $0x80, $0x38;
	[tilespmem:$0x6380] =	vst v63  }
0x1ef: {  	s19 =	sadd.s32 s5, s19  }
0x1f0: {  	[tilespmem:s22], [sflag:$0x1] =	stream.linear.gather [hbm4b:s19+s3], $0x80, $0x38;
	[tilespmem:$0x6380] =	vst v63  }
0x1f1: {  	s24 =	sld [smem:$0x7E6];
	s23 =	spop (v2sf);
	(v2sf) =	vpush v61, $0xC  }
0x1f2: {  	s19 =	sand.u32 $0x1FFFFFF0, s23  }
0x1f3: {  	s25 =	sld [smem:$0x7E7];
	s26 =	spop (v2sf);
	s19 =	sadd.s32 s5, s19  }
0x1f4: {  	(v2sf) =	vpush v3, $0xC;
	[tilespmem:s24], [sflag:$0x1] =	stream.linear.gather [hbm4b:s19+s3], $0x80, $0x38;
	[tilespmem:$0x6380] =	vst v63  }
0x1f5: {  	s18 =	sadd.s32 s6, s18  }
0x1f6: {  	[tilespmem:s25], [sflag:$0x1] =	stream.linear.gather [hbm4b:s18+s3], $0x80, $0x38;
	[tilespmem:$0x6380] =	vst v63  }
0x1f7: {  	s28 =	sld [smem:$0x7E8];
	s30 =	spop (v2sf);
	(v2sf) =	vpush v2, $0xC  }
0x1f8: {  	s31 =	sld [smem:$0x7E9];
	s18 =	sand.u32 $0x1FFFFFF0, s26  }
0x1f9: {  	s29 =	sadd.s32 s4, s18;
	s19 =	sand.u32 $0x1FFFFFF0, s30;
	s20 =	spop (v2sf);
	(v2sf) =	vpush v61, $0xD  }
0x1fa: {  	[tilespmem:s28], [sflag:$0x1] =	stream.linear.gather [hbm4b:s29+s3], $0x80, $0x38;
	[tilespmem:$0x6380] =	vst v63  }
0x1fb: {  	s21 =	sld [smem:$0x7EA];
	s19 =	sadd.s32 s5, s19  }
0x1fc: {  	[tilespmem:s31], [sflag:$0x1] =	stream.linear.gather [hbm4b:s19+s3], $0x80, $0x38;
	[tilespmem:$0x6380] =	vst v63  }
0x1fd: {  	s19 =	sand.u32 $0x1FFFFFF0, s20  }
0x1fe: {  	s22 =	sld [smem:$0x7EB];
	s19 =	sadd.s32 s5, s19  }
0x1ff: {  	[tilespmem:s21], [sflag:$0x1] =	stream.linear.gather [hbm4b:s19+s3], $0x80, $0x38;
	[tilespmem:$0x6380] =	vst v63  }
0x200: {  	s23 =	spop (v2sf);
	(v2sf) =	vpush v3, $0xD  }
0x201: {  	s24 =	sld [smem:$0x7EC];
	s18 =	sadd.s32 s6, s18  }
0x202: {  	[tilespmem:s22], [sflag:$0x1] =	stream.linear.gather [hbm4b:s18+s3], $0x80, $0x38;
	[tilespmem:$0x6380] =	vst v63  }
0x203: {  	s18 =	sand.u32 $0x1FFFFFF0, s23;
	s26 =	spop (v2sf);
	(v2sf) =	vpush v2, $0xD  }
0x204: {  	s28 =	sld [smem:$0x7ED];
	s25 =	sadd.s32 s4, s18;
	s19 =	sand.u32 $0x1FFFFFF0, s26  }
0x205: {  	[tilespmem:s24], [sflag:$0x1] =	stream.linear.gather [hbm4b:s25+s3], $0x80, $0x38;
	[tilespmem:$0x6380] =	vst v63  }
0x206: {  	s19 =	sadd.s32 s5, s19;
	s29 =	spop (v2sf);
	(v2sf) =	vpush v61, $0xE  }
0x207: {  	[tilespmem:s28], [sflag:$0x1] =	stream.linear.gather [hbm4b:s19+s3], $0x80, $0x38;
	[tilespmem:$0x6380] =	vst v63  }
0x208: {  	s30 =	sld [smem:$0x7EE];
	s20 =	spop (v2sf);
	(v2sf) =	vpush v3, $0xE  }
0x209: {  	s19 =	sand.u32 $0x1FFFFFF0, s29  }
0x20a: {  	s31 =	sld [smem:$0x7EF];
	s19 =	sadd.s32 s5, s19  }
0x20b: {  	[tilespmem:s30], [sflag:$0x1] =	stream.linear.gather [hbm4b:s19+s3], $0x80, $0x38;
	[tilespmem:$0x6380] =	vst v63  }
0x20c: {  	s21 =	sld [smem:$0x7F0];
	s18 =	sadd.s32 s6, s18  }
0x20d: {  	[tilespmem:s31], [sflag:$0x1] =	stream.linear.gather [hbm4b:s18+s3], $0x80, $0x38;
	[tilespmem:$0x6380] =	vst v63  }
0x20e: {  	s18 =	sand.u32 $0x1FFFFFF0, s20  }
0x20f: {  	s24 =	sld [smem:$0x7F1];
	s22 =	sadd.s32 s4, s18;
	s23 =	spop (v2sf);
	(v2sf) =	vpush v2, $0xE  }
0x210: {  	[tilespmem:s21], [sflag:$0x1] =	stream.linear.gather [hbm4b:s22+s3], $0x80, $0x38;
	[tilespmem:$0x6380] =	vst v63  }
0x211: {  	s19 =	sand.u32 $0x1FFFFFF0, s23  }
0x212: {  	s26 =	sld [smem:$0x7F2];
	s25 =	spop (v2sf);
	s19 =	sadd.s32 s5, s19  }
0x213: {  	(v2sf) =	vpush v61, $0xF;
	[tilespmem:s24], [sflag:$0x1] =	stream.linear.gather [hbm4b:s19+s3], $0x80, $0x38;
	[tilespmem:$0x6380] =	vst v63  }
0x214: {  	s19 =	sand.u32 $0x1FFFFFF0, s25  }
0x215: {  	s28 =	sld [smem:$0x7F3];
	s19 =	sadd.s32 s5, s19;
	s29 =	spop (v2sf);
	(v2sf) =	vpush v3, $0xF  }
0x216: {  	[tilespmem:s26], [sflag:$0x1] =	stream.linear.gather [hbm4b:s19+s3], $0x80, $0x38;
	[tilespmem:$0x6380] =	vst v63  }
0x217: {  	s30 =	sld [smem:$0x7F4];
	s18 =	sadd.s32 s6, s18;
	s21 =	spop (v2sf)  }
0x218: {  	(v2sf) =	vpush v2, $0xF;
	[tilespmem:s28], [sflag:$0x1] =	stream.linear.gather [hbm4b:s18+s3], $0x80, $0x38;
	[tilespmem:$0x6380] =	vst v63  }
0x219: {  	s18 =	sand.u32 $0x1FFFFFF0, s29  }
0x21a: {  	s22 =	sld [smem:$0x7F5];
	s19 =	sand.u32 $0x1FFFFFF0, s21;
	s31 =	sadd.s32 s4, s18  }
0x21b: {  	[tilespmem:s30], [sflag:$0x1] =	stream.linear.gather [hbm4b:s31+s3], $0x80, $0x38;
	[tilespmem:$0x6380] =	vst v63  }
0x21c: {  	s19 =	sadd.s32 s5, s19  }
0x21d: {  	[tilespmem:s22], [sflag:$0x1] =	stream.linear.gather [hbm4b:s19+s3], $0x80, $0x38;
	[tilespmem:$0x6380] =	vst v63  }
0x21e: {  	s24 =	sld [smem:$0x7F6];
	s23 =	spop (v2sf)  }
0x21f: {  	s19 =	sand.u32 $0x1FFFFFF0, s23  }
0x220: {  	s25 =	sld [smem:$0x7F7];
	s19 =	sadd.s32 s5, s19  }
0x221: {  	[tilespmem:s24], [sflag:$0x1] =	stream.linear.gather [hbm4b:s19+s3], $0x80, $0x38;
	[tilespmem:$0x6380] =	vst v63  }
0x222: {  	s28 =	sld [smem:$0x7F8];
	s18 =	sadd.s32 s6, s18;
	s26 =	spop (v2sf)  }
0x223: {  	[tilespmem:s25], [sflag:$0x1] =	stream.linear.gather [hbm4b:s18+s3], $0x80, $0x38;
	[tilespmem:$0x6380] =	vst v63  }
0x224: {  	s18 =	sand.u32 $0x1FFFFFF0, s26;
	s30 =	spop (v2sf)  }
0x225: {  	s31 =	sld [smem:$0x7F9];
	s29 =	sadd.s32 s4, s18;
	s19 =	sand.u32 $0x1FFFFFF0, s30  }
0x226: {  	[tilespmem:s28], [sflag:$0x1] =	stream.linear.gather [hbm4b:s29+s3], $0x80, $0x38;
	[tilespmem:$0x6380] =	vst v63  }
0x227: {  	s21 =	sld [smem:$0x7FA];
	s20 =	spop (v2sf);
	s19 =	sadd.s32 s5, s19  }
0x228: {  	[tilespmem:s31], [sflag:$0x1] =	stream.linear.gather [hbm4b:s19+s3], $0x80, $0x38;
	[tilespmem:$0x6380] =	vst v63  }
0x229: {  	s19 =	sand.u32 $0x1FFFFFF0, s20  }
0x22a: {  	s22 =	sld [smem:$0x7FB];
	s19 =	sadd.s32 s5, s19  }
0x22b: {  	[tilespmem:s21], [sflag:$0x1] =	stream.linear.gather [hbm4b:s19+s3], $0x80, $0x38;
	[tilespmem:$0x6380] =	vst v63  }
0x22c: {  	s18 =	sadd.s32 s6, s18  }
0x22d: {  	[tilespmem:s22], [sflag:$0x1] =	stream.linear.gather [hbm4b:s18+s3], $0x80, $0x38;
	[tilespmem:$0x6380] =	vst v63  }
0x22e: {  	_ =	swait.ge [sflag:s16], $0x1000  }
0x22f: {  	[sflag:s16] =	ssyncset.done $0x0  }
0x230: {  	[sflag:s16] =	ssyncadd.s32 $0xFFFFF000  }
0x231: {  	_ =	swait.ge [sflag:s16], $0x1000  }
0x232: {  	[sflag:s16] =	ssyncset.done $0x0  }
0x233: {  	[sflag:s16] =	ssyncadd.s32 $0xFFFFF000  }
0x234: {  	_ =	swait.ge [sflag:s16], $0x1000  }
0x235: {  	[sflag:s16] =	ssyncset.done $0x0  }
0x236: {  	[sflag:s16] =	ssyncadd.s32 $0xFFFFF000  }
0x237: {  	_ =	swait.ge [sflag:s16], $0x1000  }
0x238: {  	[sflag:s16] =	ssyncset.done $0x0  }
0x239: {  	[sflag:s16] =	ssyncadd.s32 $0xFFFFF000  }
0x23a: {  	_ =	swait.ge [sflag:s16], $0x1000  }
0x23b: {  	[sflag:s16] =	ssyncset.done $0x0  }
0x23c: {  	[sflag:s16] =	ssyncadd.s32 $0xFFFFF000  }
0x23d: {  	_ =	swait.ge [sflag:s16], $0x1000  }
0x23e: {  	[sflag:s16] =	ssyncset.done $0x0  }
0x23f: {  	[sflag:s16] =	ssyncadd.s32 $0xFFFFF000  }
0x240: {  	v2 =	vld [tilespmem:$0x80];
	_ =	sdelay $0x4  }
0x241: {  	v2 =	vand.u32 $0x7F, v2  }
0x242: {  	v3 =	vld [tilespmem:$0x100];
	v2 =	vor.u32 v0, v2;
	_ =	sdelay $0x4  }
0x243: {  	v3 =	vand.u32 $0x7F, v3;
	v2 =	vld.idx.msk [tilespmem:v2+s10+$0x0], $0xffff  }
0x244: {  	v62 =	vld [tilespmem:$0x90];
	v3 =	vor.u32 v0, v3;
	_ =	sdelay $0x3  }
0x245: {  	[tilespmem:$0x6280] =	vst v2  }
0x246: {  	v2 =	vld.idx.msk [tilespmem:v3+s11+$0x0], $0xffff;
	v3 =	vand.u32 $0x7F, v62  }
0x247: {  	v63 =	vld [tilespmem:$0x110];
	v3 =	vor.u32 v1, v3;
	_ =	sdelay $0x3  }
0x248: {  	[tilespmem:$0x6300] =	vst v2  }
0x249: {  	v2 =	vld.idx.msk [tilespmem:v3+s10+$0x0], $0xffff;
	v3 =	vand.u32 $0x7F, v63  }
0x24a: {  	v3 =	vor.u32 v1, v3;
	_ =	sdelay $0x3  }
0x24b: {  	[tilespmem:$0x6290] =	vst v2  }
0x24c: {  	v2 =	vld.idx.msk [tilespmem:v3+s11+$0x0], $0xffff;
	_ =	sdelay $0x2  }
0x24d: {  	s23 =	rddreg [dreg:$0xa]  }
0x24e: {  	s24 =	rddreg [dreg:$0xb]  }
0x24f: {  	s25 =	rddreg [dreg:$0xc];
	[tilespmem:$0x6310] =	vst v2  }
0x250: {  	[hbm4b:s23+s3] =	stream.linear.scatter [tilespmem:s12], [sflag:$0x2], $0x1000, $0x38;
	[tilespmem:$0x6380] =	vst v63  }
0x251: {  	s26 =	rddreg [dreg:$0xd]  }
0x252: {  	[hbm4b:s24+s3] =	stream.linear.scatter [tilespmem:s13], [sflag:$0x2], $0x1000, $0x38;
	[tilespmem:$0x6380] =	vst v63  }
0x253: {  	s28 =	rddreg [dreg:$0xe]  }
0x254: {  	[hbm4b:s25+s3] =	stream.linear.scatter [tilespmem:s14], [sflag:$0x2], $0x1000, $0x38;
	[tilespmem:$0x6380] =	vst v63  }
0x255: {  	s29 =	sld [smem:$0x7FC]  }
0x256: {  	[hbm4b:s26+s3] =	stream.linear.scatter [tilespmem:s15], [sflag:$0x2], $0x1000, $0x38;
	[tilespmem:$0x6380] =	vst v63  }
0x257: {  	s31 =	sld [smem:$0x7FD]  }
0x258: {  	[hbm4b:s28+s3] =	stream.linear.scatter [tilespmem:s29], [sflag:$0x2], $0x20, $0x38;
	[tilespmem:$0x6380] =	vst v63  }
0x259: {  	s30 =	rddreg [dreg:$0xf]  }
0x25a: {  	[hbm4b:s30+s3] =	stream.linear.scatter [tilespmem:s31], [sflag:$0x2], $0x20, $0x38;
	[tilespmem:$0x6380] =	vst v63  }
0x25b: {  	_ =	swait.ge [sflag:s17], $0x1000  }
0x25c: {  	[sflag:s17] =	ssyncset.done $0x0  }
0x25d: {  	[sflag:s17] =	ssyncadd.s32 $0xFFFFF000  }
0x25e: {  	_ =	swait.ge [sflag:s17], $0x1000  }
0x25f: {  	[sflag:s17] =	ssyncset.done $0x0  }
0x260: {  	[sflag:s17] =	ssyncadd.s32 $0xFFFFF000  }
0x261: {  	_ =	swait.ge [sflag:s17], $0x1000  }
0x262: {  	[sflag:s17] =	ssyncset.done $0x0  }
0x263: {  	[sflag:s17] =	ssyncadd.s32 $0xFFFFF000  }
0x264: {  	_ =	swait.ge [sflag:s17], $0x1000  }
0x265: {  	[sflag:s17] =	ssyncset.done $0x0  }
0x266: {  	[sflag:s17] =	ssyncadd.s32 $0xFFFFF000  }
0x267: {  	p0 =	sne.s32 s7, $0x1;
	_ =	swait.ge [sflag:s17], $0x20  }
.Ltmp0:
0x268: {  	[sflag:s17] =	ssyncset.done $0x0;
	(pc) =	sbr.rel @p0 .LBB2_1-.Ltmp0, $4  }
0x269: {  	[sflag:s17] =	ssyncadd.s32 $0xFFFFFFE0  }
0x26a: {  	_ =	swait.ge [sflag:s17], $0x20  }
0x26b: {  	[sflag:s17] =	ssyncset.done $0x0  }
0x26c: {  	s7 =	sadd.s32 $0xFFFFFFFF, s7;
	[sflag:s17] =	ssyncadd.s32 $0xFFFFFFE0  }
0x26d: {  	_ =	sfence.sel $0x180000  }
0x26e: {  	[bflag:$0x0] =	sbarrier.arrive $0xFFFF  }
0x26f: {  	p0 =	sne.s32 s0, $0x0;
	_ =	strace $0x90000047  }
0x270: {  	s0 =	sadd.s32 @!p0 $0x100000, s1;
	[bflag:$0x2] =	sbarrier.arrive $0xFFFF  }
0x271: {  	[sflag:s0] =	ssyncadd.tile.s32 @!p0 $0x1;
	_ =	shalt  }
.Lfunc_end2:
_tile_overlayer_lowered:
.L_overlay_start_2:
0x272: {  	(tag) =	ssettag $0x2  }
0x273: {  	s0 =	rddreg [dreg:$0x0];
	s2 =	stileid.u32  }
0x274: {  	s1 =	rddreg [dreg:$0x1];
	p0 =	sne.s32 s2, $0x0  }
0x275: {  	s3 =	rddreg [dreg:$0x2];
	[bflag:$0x3] =	sbarrier.arrive $0xFFFF;
	s2 =	simm.s32 @!p0 $0x1C03  }
0x276: {  	[timem:s3], [sflag:s2] =	dma.local @!p0 [hbm:s0], s1  }
0x277: {  	s0 =	simm.s32 @!p0 $0x3  }
0x278: {  	_ =	swait.ge @!p0 [sflag:s0], s1  }
0x279: {  	s1 =	ssub.s32 @!p0 $0x0, s1;
	[sflag:s0] =	ssyncset.done @!p0 $0x0  }
0x27a: {  	[sflag:s0] =	ssyncadd.s32 @!p0 s1  }
0x27b: {  	[bflag:$0x3] =	sbarrier.arrive $0xFFFF  }
0x27c: {  	_ =	shalt  }

</sc_bundles>
